<compile_context>
chip_gen: v7x
topology: tpu7x:2x2x1
jax: 0.10.2.dev20260603
libtpu: 0.0.44.dev20260713+nightly
codegen_flags: <defaults>
</compile_context>

<pallas_src>
import jax
import jax.numpy as jnp
from jax import lax
from jax.experimental import pallas as pl
from jax.experimental.pallas import tpu as pltpu
from jax.experimental.pallas import tpu_sc as plsc

B = 16384
HID = 1024
HOPS = 8
NEXP = 4

_NCK = 4
_BC = B // _NCK

_NC = 2
_NS = 16
_NW = _NC * _NS
_RPW = _BC // _NW
_CH = 64
_NCHUNK = _RPW // _CH

_R = 512
_NSTEP = _BC // _R


def _sc_gather_body(ent_hbm, rel_hbm, subs_hbm, rels_hbm, out_sub, out_rel,
                    idx_v, rows_v, rrows_v, sem):
    wid = lax.axis_index("s") * _NC + lax.axis_index("c")
    base = wid * _RPW
    for tab, ind, out, buf in ((ent_hbm, subs_hbm, out_sub, rows_v),
                               (rel_hbm, rels_hbm, out_rel, rrows_v)):
        for c in range(_NCHUNK):
            off = base + c * _CH
            pltpu.sync_copy(ind.at[pl.ds(off, _CH)], idx_v)
            pltpu.async_copy(tab.at[idx_v], buf, sem).wait()
            pltpu.sync_copy(buf, out.at[pl.ds(off, _CH)])


def _gather_rows(entity_embed, relation_embed, subs_c, rels_c):
    mesh = plsc.VectorSubcoreMesh(core_axis_name="c", subcore_axis_name="s",
                                  num_cores=_NC, num_subcores=_NS)
    return pl.kernel(
        _sc_gather_body,
        out_type=(jax.ShapeDtypeStruct((_BC, HID), jnp.float32),
                  jax.ShapeDtypeStruct((_BC, HID // 2), jnp.int32)),
        mesh=mesh,
        scratch_types=(pltpu.VMEM((_CH,), jnp.int32),
                       pltpu.VMEM((_CH, HID), jnp.float32),
                       pltpu.VMEM((_CH, HID // 2), jnp.int32),
                       pltpu.SemaphoreType.DMA),
    )(entity_embed, relation_embed, subs_c, rels_c)


def _pack_body(x_ref, out_ref):
    a = x_ref[:, 0:HID // 2].astype(jnp.bfloat16).astype(jnp.float32)
    b = x_ref[:, HID // 2:HID].astype(jnp.bfloat16).astype(jnp.float32)
    ai = lax.bitcast_convert_type(a, jnp.int32)
    bi = lax.bitcast_convert_type(b, jnp.int32)
    out_ref[...] = (lax.shift_right_logical(ai, 16)
                    | (bi & jnp.int32(-65536)))


def _pack_rel(relation_embed):
    nrel = relation_embed.shape[0]
    nblk = (nrel + 127) // 128
    return pl.pallas_call(
        _pack_body,
        grid=(nblk,),
        in_specs=[pl.BlockSpec((128, HID), lambda i: (i, 0))],
        out_specs=pl.BlockSpec((128, HID // 2), lambda i: (i, 0)),
        out_shape=jax.ShapeDtypeStruct((nrel, HID // 2), jnp.int32),
    )(relation_embed)


def _tc_partial_body(sub_ref, rel_ref, W1_ref, b1_ref, psum_ref, acc_ref):
    i = pl.program_id(0)

    @pl.when(i == 0)
    def _():
        acc_ref[...] = jnp.zeros_like(acc_ref)

    dn = (((1,), (0,)), ((), ()))
    x = rel_ref[...]
    rel_a = lax.bitcast_convert_type(lax.shift_left(x, 16),
                                     jnp.float32).astype(jnp.bfloat16)
    rel_b = lax.bitcast_convert_type(x & jnp.int32(-65536),
                                     jnp.float32).astype(jnp.bfloat16)
    z = lax.dot_general(sub_ref[...].astype(jnp.bfloat16), W1_ref[0:HID, :],
                        dn, preferred_element_type=jnp.float32)
    z = z + lax.dot_general(rel_a, W1_ref[HID:HID + HID // 2, :], dn,
                            preferred_element_type=jnp.float32)
    z = z + lax.dot_general(rel_b, W1_ref[HID + HID // 2:2 * HID, :], dn,
                            preferred_element_type=jnp.float32)
    z = z + b1_ref[...]
    h = jnp.maximum(z, 0.0)
    acc_ref[...] += jnp.sum(h, axis=0, keepdims=True)

    @pl.when(i == _NSTEP - 1)
    def _():
        psum_ref[...] = acc_ref[...]


def _tc_partial(sub_c, rel_c, W1, b1):
    return pl.pallas_call(
        _tc_partial_body,
        grid=(_NSTEP,),
        in_specs=[
            pl.BlockSpec((_R, HID), lambda i: (i, 0)),
            pl.BlockSpec((_R, HID // 2), lambda i: (i, 0)),
            pl.BlockSpec((2 * HID, HID), lambda i: (0, 0)),
            pl.BlockSpec((1, HID), lambda i: (0, 0)),
        ],
        out_specs=pl.BlockSpec((1, HID), lambda i: (0, 0)),
        out_shape=jax.ShapeDtypeStruct((1, HID), jnp.float32),
        scratch_shapes=[pltpu.VMEM((1, HID), jnp.float32)],
        compiler_params=pltpu.CompilerParams(
            dimension_semantics=("arbitrary",)),
    )(sub_c, rel_c, W1, b1)


def _tc_final_body(p_ref, W2_ref, b2_ref, hop_ref, wn_ref, noise_ref,
                   G_ref, Q_ref):
    dn = (((1,), (0,)), ((), ()))
    c_i = jnp.sum(p_ref[...], axis=0, keepdims=True) * (1.0 / B)
    c_i = lax.dot_general(c_i, W2_ref[...], dn,
                          preferred_element_type=jnp.float32) + b2_ref[...]
    q = lax.dot_general(c_i, hop_ref[...], (((1,), (1,)), ((), ())),
                        preferred_element_type=jnp.float32)
    sx = jnp.sum(c_i * wn_ref[...])
    sigma = jnp.maximum(sx, 0.0) + jnp.log1p(jnp.exp(-jnp.abs(sx)))
    q = q + noise_ref[...] * sigma

    iot = lax.broadcasted_iota(jnp.int32, (1, HOPS), 1)
    rank = jnp.zeros((1, HOPS), jnp.int32)
    for j in range(HOPS):
        qj = q[0, j]
        beats = (qj > q) | ((qj == q) & (j < iot))
        rank = rank + beats.astype(jnp.int32)
    sel = rank < NEXP
    m = jnp.max(jnp.where(sel, q, -1e30))
    e = jnp.where(sel, jnp.exp(q - m), 0.0)
    G_ref[...] = e / jnp.sum(e)
    Q_ref[...] = q


def _tc_final(psums, W2, b2, hop_embed, wn_row, noise_row):
    return pl.pallas_call(
        _tc_final_body,
        in_specs=[
            pl.BlockSpec((_NCK, HID), lambda: (0, 0)),
            pl.BlockSpec((HID, HID), lambda: (0, 0)),
            pl.BlockSpec((1, HID), lambda: (0, 0)),
            pl.BlockSpec((HOPS, HID), lambda: (0, 0)),
            pl.BlockSpec((1, HID), lambda: (0, 0)),
            pl.BlockSpec((1, HOPS), lambda: (0, 0)),
        ],
        out_specs=[
            pl.BlockSpec((1, HOPS), lambda: (0, 0)),
            pl.BlockSpec((1, HOPS), lambda: (0, 0)),
        ],
        out_shape=[
            jax.ShapeDtypeStruct((1, HOPS), jnp.float32),
            jax.ShapeDtypeStruct((1, HOPS), jnp.float32),
        ],
    )(psums, W2, b2, hop_embed, wn_row, noise_row)


def kernel(subs, rels, entity_embed, relation_embed, hop_embed, W1, b1, W2,
           b2, w_n, noise_eps):
    W1b = W1.astype(jnp.bfloat16)
    b1r = b1.reshape(1, HID)
    reli = _pack_rel(relation_embed)
    psums = []
    for k in range(_NCK):
        subs_c = lax.slice(subs, (k * _BC,), ((k + 1) * _BC,))
        rels_c = lax.slice(rels, (k * _BC,), ((k + 1) * _BC,))
        sub_c, rel_c = _gather_rows(entity_embed, reli, subs_c, rels_c)
        psums.append(_tc_partial(sub_c, rel_c, W1b, b1r))
    g, q = _tc_final(jnp.concatenate(psums, axis=0), W2,
                     b2.reshape(1, HID), hop_embed, w_n.reshape(1, HID),
                     noise_eps.reshape(1, HOPS))
    return (g.reshape(HOPS), q.reshape(HOPS))

# --- scband reference (transcript-rebuilt; emitter-appended) ---
"""Pipeline reference for scband-mo-e-for-hops-26096221290522 (READ-ONLY COPY).

The authoritative reference and input builder live on the scoring server;
editing this copy changes nothing except your own understanding.
"""

import jax, jax.numpy as jnp
import numpy as np

B = 16384
HID = 1024
N_ENT = 110000
N_REL_VOCAB = 1001
HOP_RANGE = 8
NUM_EXPERTS = 4
LAMBDA_NOISE = 1.0
TEMPERATURE = 1.0


def softplus(x):
    return jnp.logaddexp(x, 0.0)


def setup_inputs(seed: int = 0) -> dict:
    key = jax.random.key(seed)
    ks = jax.random.split(key, 12)
    subs = jax.random.randint(ks[0], (B,), 0, N_ENT, dtype=jnp.int32)
    rels = jax.random.randint(ks[1], (B,), 0, N_REL_VOCAB, dtype=jnp.int32)
    entity_embed = jax.random.normal(ks[2], (N_ENT, HID), jnp.float32) * 0.02
    relation_embed = jax.random.normal(ks[3], (N_REL_VOCAB, HID), jnp.float32) * 0.02
    hop_embed = jax.random.normal(ks[4], (HOP_RANGE, HID), jnp.float32) * 0.02
    W1 = jax.random.normal(ks[5], (2 * HID, HID), jnp.float32) * (1.0 / np.sqrt(2 * HID))
    b1 = jnp.zeros((HID,), jnp.float32)
    W2 = jax.random.normal(ks[6], (HID, HID), jnp.float32) * (1.0 / np.sqrt(HID))
    b2 = jnp.zeros((HID,), jnp.float32)
    w_n = jax.random.normal(ks[7], (HID, 1), jnp.float32) * (1.0 / np.sqrt(HID))
    noise_eps = jax.random.normal(ks[8], (HOP_RANGE,), jnp.float32)
    return {
        "subs": subs,
        "rels": rels,
        "entity_embed": entity_embed,
        "relation_embed": relation_embed,
        "hop_embed": hop_embed,
        "W1": W1,
        "b1": b1,
        "W2": W2,
        "b2": b2,
        "w_n": w_n,
        "noise_eps": noise_eps,
    }


def reference(subs, rels, entity_embed, relation_embed, hop_embed, W1, b1, W2, b2, w_n, noise_eps):
    # embedding lookups (transductive mode: raw subs indices)
    q_sub_embed = jnp.take(entity_embed, subs, axis=0)          # [B, HID]
    q_rel_embed = jnp.take(relation_embed, rels, axis=0)        # [B, HID]
    c = jnp.concatenate([q_sub_embed, q_rel_embed], axis=-1)    # [B, 2*HID]
    # context_mlp: Linear -> ReLU -> Linear
    h = jax.nn.relu(c @ W1 + b1)
    c = h @ W2 + b2                                             # [B, HID]
    c_i = jnp.mean(c, axis=0, keepdims=True)                    # [1, HID]
    # hop embeddings for hops min_hop..max_hop -> indices 0..HOP_RANGE-1
    phi_hop = hop_embed                                         # [HOP_RANGE, HID]
    Q = (c_i @ phi_hop.T)[0]                                    # [HOP_RANGE]
    # noisy gating: randn_like(Q) * softplus(W_n(c_i))
    sigma = softplus(c_i @ w_n)[0]                              # [1], broadcasts
    Q = Q + LAMBDA_NOISE * noise_eps * sigma
    # top-k gating
    topk_values, topk_indices = jax.lax.top_k(Q, NUM_EXPERTS)
    G_topk = jax.nn.softmax(topk_values / TEMPERATURE)
    G_full = jnp.zeros((HOP_RANGE,), Q.dtype).at[topk_indices].set(G_topk)
    return (G_full, Q)

if __name__ == "__main__":
    import jax
    _d = setup_inputs()
    print(jax.jit(kernel)(*tuple(_d.values())))

</pallas_src>

<mosaic_0001>
#map = affine_map<(d0, d1) -> (0, 0)>
#map1 = affine_map<(d0, d1) -> (0)>
module attributes {stable_mosaic.version = 14 : i64} {
  func.func @_sc_gather_body(%arg0: i32, %arg1: i32, %arg2: memref<110000x1024xf32, #tpu.memory_space<hbm>>, %arg3: memref<1001x512xi32, #tpu.memory_space<hbm>>, %arg4: memref<4096xi32, #tpu.memory_space<hbm>>, %arg5: memref<4096xi32, #tpu.memory_space<hbm>>, %arg6: memref<4096x1024xf32, #tpu.memory_space<hbm>>, %arg7: memref<4096x512xi32, #tpu.memory_space<hbm>>, %arg8: memref<64xi32, #tpu.memory_space<vmem>>, %arg9: memref<64x1024xf32, #tpu.memory_space<vmem>>, %arg10: memref<64x512xi32, #tpu.memory_space<vmem>>, %arg11: memref<!tpu.dma_semaphore, #tpu.memory_space<semaphore_mem>>) attributes {dimension_semantics = [#tpu.dimension_semantics<core_parallel>, #tpu.dimension_semantics<subcore_parallel>], iteration_bounds = array<i64: 2, 16>, scalar_prefetch = 0 : i64, scratch_operands = 4 : i64, tpu.core_type = #tpu.core_type<sc_vector_subcore>, window_params = [{transform_indices = #map}, {transform_indices = #map}, {transform_indices = #map1}, {transform_indices = #map1}, {transform_indices = #map}, {transform_indices = #map}]} {
    %mul3A = arith.constant 2 : i32
    %mul3A_0 = arith.muli %arg1, %mul3A : i32
    %add3A = arith.addi %mul3A_0, %arg0 : i32
    %mul3A_1 = arith.constant 128 : i32
    %mul3A_2 = arith.muli %add3A, %mul3A_1 : i32
    %add3A_3 = arith.constant 0 : i32
    %add3A_4 = arith.addi %mul3A_2, %add3A_3 : i32
    "tpu.region"() ({
      %run_scoped3A = tpu.sem_alloc : memref<!tpu.dma_semaphore, #tpu.memory_space<semaphore_mem>>
      %dma_start3A_33 = tpu.memref_slice %arg4[%add3A_4] : memref<4096xi32, #tpu.memory_space<hbm>> -> memref<64xi32, #tpu.memory_space<hbm>>
      %dma_start3A_34 = tpu.memref_slice %arg4[%add3A_4] : memref<4096xi32, #tpu.memory_space<hbm>> -> memref<64xi32, #tpu.memory_space<hbm>>
      tpu.enqueue_dma source(%dma_start3A_34 : memref<64xi32, #tpu.memory_space<hbm>>) target(%arg8 : memref<64xi32, #tpu.memory_space<vmem>>) target_semaphore(%run_scoped3A : memref<!tpu.dma_semaphore, #tpu.memory_space<semaphore_mem>>)
      %dma_wait3A_35 = tpu.memref_slice %arg4[%add3A_4] : memref<4096xi32, #tpu.memory_space<hbm>> -> memref<64xi32, #tpu.memory_space<hbm>>
      %dma_wait3A_36 = tpu.memref_slice %arg4[%add3A_4] : memref<4096xi32, #tpu.memory_space<hbm>> -> memref<64xi32, #tpu.memory_space<hbm>>
      tpu.wait_dma2 semaphore(%run_scoped3A : memref<!tpu.dma_semaphore, #tpu.memory_space<semaphore_mem>>) src(%dma_wait3A_36 : memref<64xi32, #tpu.memory_space<hbm>>) dst(%arg8 : memref<64xi32, #tpu.memory_space<vmem>>)
      tpu.yield
    }) : () -> ()
    %dma_start3A = arith.constant 0 : i32
    %dma_start3A_5 = arith.constant 0 : i32
    %dma_start3A_6 = tpu.memref_slice %arg2[%dma_start3A, %dma_start3A_5] : memref<110000x1024xf32, #tpu.memory_space<hbm>> -> memref<110000x1024xf32, #tpu.memory_space<hbm>>
    tpu.enqueue_indirect_dma source(%dma_start3A_6 : memref<110000x1024xf32, #tpu.memory_space<hbm>>) target(%arg9 : memref<64x1024xf32, #tpu.memory_space<vmem>>) offsets(%arg8 : memref<64xi32, #tpu.memory_space<vmem>>) semaphore(%arg11 : memref<!tpu.dma_semaphore, #tpu.memory_space<semaphore_mem>>)
    %dma_wait3A = arith.constant 0 : i32
    %dma_wait3A_7 = arith.constant 0 : i32
    %dma_wait3A_8 = tpu.memref_slice %arg2[%dma_wait3A, %dma_wait3A_7] : memref<110000x1024xf32, #tpu.memory_space<hbm>> -> memref<110000x1024xf32, #tpu.memory_space<hbm>>
    tpu.wait_indirect_dma semaphore(%arg11 : memref<!tpu.dma_semaphore, #tpu.memory_space<semaphore_mem>>) src(%dma_wait3A_8 : memref<110000x1024xf32, #tpu.memory_space<hbm>>) dst(%arg9 : memref<64x1024xf32, #tpu.memory_space<vmem>>)
    "tpu.region"() ({
      %run_scoped3A = tpu.sem_alloc : memref<!tpu.dma_semaphore, #tpu.memory_space<semaphore_mem>>
      %dma_start3A_33 = arith.constant 0 : i32
      %dma_start3A_34 = tpu.memref_slice %arg6[%add3A_4, %dma_start3A_33] : memref<4096x1024xf32, #tpu.memory_space<hbm>> -> memref<64x1024xf32, #tpu.memory_space<hbm>>
      %dma_start3A_35 = arith.constant 0 : i32
      %dma_start3A_36 = tpu.memref_slice %arg6[%add3A_4, %dma_start3A_35] : memref<4096x1024xf32, #tpu.memory_space<hbm>> -> memref<64x1024xf32, #tpu.memory_space<hbm>>
      tpu.enqueue_dma source(%arg9 : memref<64x1024xf32, #tpu.memory_space<vmem>>) target(%dma_start3A_36 : memref<64x1024xf32, #tpu.memory_space<hbm>>) target_semaphore(%run_scoped3A : memref<!tpu.dma_semaphore, #tpu.memory_space<semaphore_mem>>)
      %dma_wait3A_37 = arith.constant 0 : i32
      %dma_wait3A_38 = tpu.memref_slice %arg6[%add3A_4, %dma_wait3A_37] : memref<4096x1024xf32, #tpu.memory_space<hbm>> -> memref<64x1024xf32, #tpu.memory_space<hbm>>
      %dma_wait3A_39 = arith.constant 0 : i32
      %dma_wait3A_40 = tpu.memref_slice %arg6[%add3A_4, %dma_wait3A_39] : memref<4096x1024xf32, #tpu.memory_space<hbm>> -> memref<64x1024xf32, #tpu.memory_space<hbm>>
      tpu.wait_dma2 semaphore(%run_scoped3A : memref<!tpu.dma_semaphore, #tpu.memory_space<semaphore_mem>>) src(%arg9 : memref<64x1024xf32, #tpu.memory_space<vmem>>) dst(%dma_wait3A_40 : memref<64x1024xf32, #tpu.memory_space<hbm>>)
      tpu.yield
    }) : () -> ()
    %add3A_9 = arith.constant 64 : i32
    %add3A_10 = arith.addi %mul3A_2, %add3A_9 : i32
    "tpu.region"() ({
      %run_scoped3A = tpu.sem_alloc : memref<!tpu.dma_semaphore, #tpu.memory_space<semaphore_mem>>
      %dma_start3A_33 = tpu.memref_slice %arg4[%add3A_10] : memref<4096xi32, #tpu.memory_space<hbm>> -> memref<64xi32, #tpu.memory_space<hbm>>
      %dma_start3A_34 = tpu.memref_slice %arg4[%add3A_10] : memref<4096xi32, #tpu.memory_space<hbm>> -> memref<64xi32, #tpu.memory_space<hbm>>
      tpu.enqueue_dma source(%dma_start3A_34 : memref<64xi32, #tpu.memory_space<hbm>>) target(%arg8 : memref<64xi32, #tpu.memory_space<vmem>>) target_semaphore(%run_scoped3A : memref<!tpu.dma_semaphore, #tpu.memory_space<semaphore_mem>>)
      %dma_wait3A_35 = tpu.memref_slice %arg4[%add3A_10] : memref<4096xi32, #tpu.memory_space<hbm>> -> memref<64xi32, #tpu.memory_space<hbm>>
      %dma_wait3A_36 = tpu.memref_slice %arg4[%add3A_10] : memref<4096xi32, #tpu.memory_space<hbm>> -> memref<64xi32, #tpu.memory_space<hbm>>
      tpu.wait_dma2 semaphore(%run_scoped3A : memref<!tpu.dma_semaphore, #tpu.memory_space<semaphore_mem>>) src(%dma_wait3A_36 : memref<64xi32, #tpu.memory_space<hbm>>) dst(%arg8 : memref<64xi32, #tpu.memory_space<vmem>>)
      tpu.yield
    }) : () -> ()
    %dma_start3A_11 = arith.constant 0 : i32
    %dma_start3A_12 = arith.constant 0 : i32
    %dma_start3A_13 = tpu.memref_slice %arg2[%dma_start3A_11, %dma_start3A_12] : memref<110000x1024xf32, #tpu.memory_space<hbm>> -> memref<110000x1024xf32, #tpu.memory_space<hbm>>
    tpu.enqueue_indirect_dma source(%dma_start3A_13 : memref<110000x1024xf32, #tpu.memory_space<hbm>>) target(%arg9 : memref<64x1024xf32, #tpu.memory_space<vmem>>) offsets(%arg8 : memref<64xi32, #tpu.memory_space<vmem>>) semaphore(%arg11 : memref<!tpu.dma_semaphore, #tpu.memory_space<semaphore_mem>>)
    %dma_wait3A_14 = arith.constant 0 : i32
    %dma_wait3A_15 = arith.constant 0 : i32
    %dma_wait3A_16 = tpu.memref_slice %arg2[%dma_wait3A_14, %dma_wait3A_15] : memref<110000x1024xf32, #tpu.memory_space<hbm>> -> memref<110000x1024xf32, #tpu.memory_space<hbm>>
    tpu.wait_indirect_dma semaphore(%arg11 : memref<!tpu.dma_semaphore, #tpu.memory_space<semaphore_mem>>) src(%dma_wait3A_16 : memref<110000x1024xf32, #tpu.memory_space<hbm>>) dst(%arg9 : memref<64x1024xf32, #tpu.memory_space<vmem>>)
    "tpu.region"() ({
      %run_scoped3A = tpu.sem_alloc : memref<!tpu.dma_semaphore, #tpu.memory_space<semaphore_mem>>
      %dma_start3A_33 = arith.constant 0 : i32
      %dma_start3A_34 = tpu.memref_slice %arg6[%add3A_10, %dma_start3A_33] : memref<4096x1024xf32, #tpu.memory_space<hbm>> -> memref<64x1024xf32, #tpu.memory_space<hbm>>
      %dma_start3A_35 = arith.constant 0 : i32
      %dma_start3A_36 = tpu.memref_slice %arg6[%add3A_10, %dma_start3A_35] : memref<4096x1024xf32, #tpu.memory_space<hbm>> -> memref<64x1024xf32, #tpu.memory_space<hbm>>
      tpu.enqueue_dma source(%arg9 : memref<64x1024xf32, #tpu.memory_space<vmem>>) target(%dma_start3A_36 : memref<64x1024xf32, #tpu.memory_space<hbm>>) target_semaphore(%run_scoped3A : memref<!tpu.dma_semaphore, #tpu.memory_space<semaphore_mem>>)
      %dma_wait3A_37 = arith.constant 0 : i32
      %dma_wait3A_38 = tpu.memref_slice %arg6[%add3A_10, %dma_wait3A_37] : memref<4096x1024xf32, #tpu.memory_space<hbm>> -> memref<64x1024xf32, #tpu.memory_space<hbm>>
      %dma_wait3A_39 = arith.constant 0 : i32
      %dma_wait3A_40 = tpu.memref_slice %arg6[%add3A_10, %dma_wait3A_39] : memref<4096x1024xf32, #tpu.memory_space<hbm>> -> memref<64x1024xf32, #tpu.memory_space<hbm>>
      tpu.wait_dma2 semaphore(%run_scoped3A : memref<!tpu.dma_semaphore, #tpu.memory_space<semaphore_mem>>) src(%arg9 : memref<64x1024xf32, #tpu.memory_space<vmem>>) dst(%dma_wait3A_40 : memref<64x1024xf32, #tpu.memory_space<hbm>>)
      tpu.yield
    }) : () -> ()
    %add3A_17 = arith.constant 0 : i32
    %add3A_18 = arith.addi %mul3A_2, %add3A_17 : i32
    "tpu.region"() ({
      %run_scoped3A = tpu.sem_alloc : memref<!tpu.dma_semaphore, #tpu.memory_space<semaphore_mem>>
      %dma_start3A_33 = tpu.memref_slice %arg5[%add3A_18] : memref<4096xi32, #tpu.memory_space<hbm>> -> memref<64xi32, #tpu.memory_space<hbm>>
      %dma_start3A_34 = tpu.memref_slice %arg5[%add3A_18] : memref<4096xi32, #tpu.memory_space<hbm>> -> memref<64xi32, #tpu.memory_space<hbm>>
      tpu.enqueue_dma source(%dma_start3A_34 : memref<64xi32, #tpu.memory_space<hbm>>) target(%arg8 : memref<64xi32, #tpu.memory_space<vmem>>) target_semaphore(%run_scoped3A : memref<!tpu.dma_semaphore, #tpu.memory_space<semaphore_mem>>)
      %dma_wait3A_35 = tpu.memref_slice %arg5[%add3A_18] : memref<4096xi32, #tpu.memory_space<hbm>> -> memref<64xi32, #tpu.memory_space<hbm>>
      %dma_wait3A_36 = tpu.memref_slice %arg5[%add3A_18] : memref<4096xi32, #tpu.memory_space<hbm>> -> memref<64xi32, #tpu.memory_space<hbm>>
      tpu.wait_dma2 semaphore(%run_scoped3A : memref<!tpu.dma_semaphore, #tpu.memory_space<semaphore_mem>>) src(%dma_wait3A_36 : memref<64xi32, #tpu.memory_space<hbm>>) dst(%arg8 : memref<64xi32, #tpu.memory_space<vmem>>)
      tpu.yield
    }) : () -> ()
    %dma_start3A_19 = arith.constant 0 : i32
    %dma_start3A_20 = arith.constant 0 : i32
    %dma_start3A_21 = tpu.memref_slice %arg3[%dma_start3A_19, %dma_start3A_20] : memref<1001x512xi32, #tpu.memory_space<hbm>> -> memref<1001x512xi32, #tpu.memory_space<hbm>>
    tpu.enqueue_indirect_dma source(%dma_start3A_21 : memref<1001x512xi32, #tpu.memory_space<hbm>>) target(%arg10 : memref<64x512xi32, #tpu.memory_space<vmem>>) offsets(%arg8 : memref<64xi32, #tpu.memory_space<vmem>>) semaphore(%arg11 : memref<!tpu.dma_semaphore, #tpu.memory_space<semaphore_mem>>)
    %dma_wait3A_22 = arith.constant 0 : i32
    %dma_wait3A_23 = arith.constant 0 : i32
    %dma_wait3A_24 = tpu.memref_slice %arg3[%dma_wait3A_22, %dma_wait3A_23] : memref<1001x512xi32, #tpu.memory_space<hbm>> -> memref<1001x512xi32, #tpu.memory_space<hbm>>
    tpu.wait_indirect_dma semaphore(%arg11 : memref<!tpu.dma_semaphore, #tpu.memory_space<semaphore_mem>>) src(%dma_wait3A_24 : memref<1001x512xi32, #tpu.memory_space<hbm>>) dst(%arg10 : memref<64x512xi32, #tpu.memory_space<vmem>>)
    "tpu.region"() ({
      %run_scoped3A = tpu.sem_alloc : memref<!tpu.dma_semaphore, #tpu.memory_space<semaphore_mem>>
      %dma_start3A_33 = arith.constant 0 : i32
      %dma_start3A_34 = tpu.memref_slice %arg7[%add3A_18, %dma_start3A_33] : memref<4096x512xi32, #tpu.memory_space<hbm>> -> memref<64x512xi32, #tpu.memory_space<hbm>>
      %dma_start3A_35 = arith.constant 0 : i32
      %dma_start3A_36 = tpu.memref_slice %arg7[%add3A_18, %dma_start3A_35] : memref<4096x512xi32, #tpu.memory_space<hbm>> -> memref<64x512xi32, #tpu.memory_space<hbm>>
      tpu.enqueue_dma source(%arg10 : memref<64x512xi32, #tpu.memory_space<vmem>>) target(%dma_start3A_36 : memref<64x512xi32, #tpu.memory_space<hbm>>) target_semaphore(%run_scoped3A : memref<!tpu.dma_semaphore, #tpu.memory_space<semaphore_mem>>)
      %dma_wait3A_37 = arith.constant 0 : i32
      %dma_wait3A_38 = tpu.memref_slice %arg7[%add3A_18, %dma_wait3A_37] : memref<4096x512xi32, #tpu.memory_space<hbm>> -> memref<64x512xi32, #tpu.memory_space<hbm>>
      %dma_wait3A_39 = arith.constant 0 : i32
      %dma_wait3A_40 = tpu.memref_slice %arg7[%add3A_18, %dma_wait3A_39] : memref<4096x512xi32, #tpu.memory_space<hbm>> -> memref<64x512xi32, #tpu.memory_space<hbm>>
      tpu.wait_dma2 semaphore(%run_scoped3A : memref<!tpu.dma_semaphore, #tpu.memory_space<semaphore_mem>>) src(%arg10 : memref<64x512xi32, #tpu.memory_space<vmem>>) dst(%dma_wait3A_40 : memref<64x512xi32, #tpu.memory_space<hbm>>)
      tpu.yield
    }) : () -> ()
    %add3A_25 = arith.constant 64 : i32
    %add3A_26 = arith.addi %mul3A_2, %add3A_25 : i32
    "tpu.region"() ({
      %run_scoped3A = tpu.sem_alloc : memref<!tpu.dma_semaphore, #tpu.memory_space<semaphore_mem>>
      %dma_start3A_33 = tpu.memref_slice %arg5[%add3A_26] : memref<4096xi32, #tpu.memory_space<hbm>> -> memref<64xi32, #tpu.memory_space<hbm>>
      %dma_start3A_34 = tpu.memref_slice %arg5[%add3A_26] : memref<4096xi32, #tpu.memory_space<hbm>> -> memref<64xi32, #tpu.memory_space<hbm>>
      tpu.enqueue_dma source(%dma_start3A_34 : memref<64xi32, #tpu.memory_space<hbm>>) target(%arg8 : memref<64xi32, #tpu.memory_space<vmem>>) target_semaphore(%run_scoped3A : memref<!tpu.dma_semaphore, #tpu.memory_space<semaphore_mem>>)
      %dma_wait3A_35 = tpu.memref_slice %arg5[%add3A_26] : memref<4096xi32, #tpu.memory_space<hbm>> -> memref<64xi32, #tpu.memory_space<hbm>>
      %dma_wait3A_36 = tpu.memref_slice %arg5[%add3A_26] : memref<4096xi32, #tpu.memory_space<hbm>> -> memref<64xi32, #tpu.memory_space<hbm>>
      tpu.wait_dma2 semaphore(%run_scoped3A : memref<!tpu.dma_semaphore, #tpu.memory_space<semaphore_mem>>) src(%dma_wait3A_36 : memref<64xi32, #tpu.memory_space<hbm>>) dst(%arg8 : memref<64xi32, #tpu.memory_space<vmem>>)
      tpu.yield
    }) : () -> ()
    %dma_start3A_27 = arith.constant 0 : i32
    %dma_start3A_28 = arith.constant 0 : i32
    %dma_start3A_29 = tpu.memref_slice %arg3[%dma_start3A_27, %dma_start3A_28] : memref<1001x512xi32, #tpu.memory_space<hbm>> -> memref<1001x512xi32, #tpu.memory_space<hbm>>
    tpu.enqueue_indirect_dma source(%dma_start3A_29 : memref<1001x512xi32, #tpu.memory_space<hbm>>) target(%arg10 : memref<64x512xi32, #tpu.memory_space<vmem>>) offsets(%arg8 : memref<64xi32, #tpu.memory_space<vmem>>) semaphore(%arg11 : memref<!tpu.dma_semaphore, #tpu.memory_space<semaphore_mem>>)
    %dma_wait3A_30 = arith.constant 0 : i32
    %dma_wait3A_31 = arith.constant 0 : i32
    %dma_wait3A_32 = tpu.memref_slice %arg3[%dma_wait3A_30, %dma_wait3A_31] : memref<1001x512xi32, #tpu.memory_space<hbm>> -> memref<1001x512xi32, #tpu.memory_space<hbm>>
    tpu.wait_indirect_dma semaphore(%arg11 : memref<!tpu.dma_semaphore, #tpu.memory_space<semaphore_mem>>) src(%dma_wait3A_32 : memref<1001x512xi32, #tpu.memory_space<hbm>>) dst(%arg10 : memref<64x512xi32, #tpu.memory_space<vmem>>)
    "tpu.region"() ({
      %run_scoped3A = tpu.sem_alloc : memref<!tpu.dma_semaphore, #tpu.memory_space<semaphore_mem>>
      %dma_start3A_33 = arith.constant 0 : i32
      %dma_start3A_34 = tpu.memref_slice %arg7[%add3A_26, %dma_start3A_33] : memref<4096x512xi32, #tpu.memory_space<hbm>> -> memref<64x512xi32, #tpu.memory_space<hbm>>
      %dma_start3A_35 = arith.constant 0 : i32
      %dma_start3A_36 = tpu.memref_slice %arg7[%add3A_26, %dma_start3A_35] : memref<4096x512xi32, #tpu.memory_space<hbm>> -> memref<64x512xi32, #tpu.memory_space<hbm>>
      tpu.enqueue_dma source(%arg10 : memref<64x512xi32, #tpu.memory_space<vmem>>) target(%dma_start3A_36 : memref<64x512xi32, #tpu.memory_space<hbm>>) target_semaphore(%run_scoped3A : memref<!tpu.dma_semaphore, #tpu.memory_space<semaphore_mem>>)
      %dma_wait3A_37 = arith.constant 0 : i32
      %dma_wait3A_38 = tpu.memref_slice %arg7[%add3A_26, %dma_wait3A_37] : memref<4096x512xi32, #tpu.memory_space<hbm>> -> memref<64x512xi32, #tpu.memory_space<hbm>>
      %dma_wait3A_39 = arith.constant 0 : i32
      %dma_wait3A_40 = tpu.memref_slice %arg7[%add3A_26, %dma_wait3A_39] : memref<4096x512xi32, #tpu.memory_space<hbm>> -> memref<64x512xi32, #tpu.memory_space<hbm>>
      tpu.wait_dma2 semaphore(%run_scoped3A : memref<!tpu.dma_semaphore, #tpu.memory_space<semaphore_mem>>) src(%arg10 : memref<64x512xi32, #tpu.memory_space<vmem>>) dst(%dma_wait3A_40 : memref<64x512xi32, #tpu.memory_space<hbm>>)
      tpu.yield
    }) : () -> ()
    return
  }
}

#map = affine_map<(d0, d1) -> (0, 0)>
#map1 = affine_map<(d0, d1) -> (0)>
module attributes {stable_mosaic.version = 14 : i64} {
  func.func @_sc_gather_body(%arg0: i32, %arg1: i32, %arg2: memref<110000x1024xf32, #tpu.memory_space<hbm>>, %arg3: memref<1001x512xi32, #tpu.memory_space<hbm>>, %arg4: memref<4096xi32, #tpu.memory_space<hbm>>, %arg5: memref<4096xi32, #tpu.memory_space<hbm>>, %arg6: memref<4096x1024xf32, #tpu.memory_space<hbm>>, %arg7: memref<4096x512xi32, #tpu.memory_space<hbm>>, %arg8: memref<64xi32, #tpu.memory_space<vmem>>, %arg9: memref<64x1024xf32, #tpu.memory_space<vmem>>, %arg10: memref<64x512xi32, #tpu.memory_space<vmem>>, %arg11: memref<!tpu.dma_semaphore, #tpu.memory_space<semaphore_mem>>) attributes {dimension_semantics = [#tpu.dimension_semantics<core_parallel>, #tpu.dimension_semantics<subcore_parallel>], iteration_bounds = array<i64: 2, 16>, scalar_prefetch = 0 : i64, scratch_operands = 4 : i64, tpu.core_type = #tpu.core_type<sc_vector_subcore>, window_params = [{transform_indices = #map}, {transform_indices = #map}, {transform_indices = #map1}, {transform_indices = #map1}, {transform_indices = #map}, {transform_indices = #map}]} {
    %mul3A = arith.constant 2 : i32
    %mul3A_0 = arith.muli %arg1, %mul3A : i32
    %add3A = arith.addi %mul3A_0, %arg0 : i32
    %mul3A_1 = arith.constant 128 : i32
    %mul3A_2 = arith.muli %add3A, %mul3A_1 : i32
    %add3A_3 = arith.constant 0 : i32
    %add3A_4 = arith.addi %mul3A_2, %add3A_3 : i32
    "tpu.region"() ({
      %run_scoped3A = tpu.sem_alloc : memref<!tpu.dma_semaphore, #tpu.memory_space<semaphore_mem>>
      %dma_start3A_33 = tpu.memref_slice %arg4[%add3A_4] : memref<4096xi32, #tpu.memory_space<hbm>> -> memref<64xi32, #tpu.memory_space<hbm>>
      %dma_start3A_34 = tpu.memref_slice %arg4[%add3A_4] : memref<4096xi32, #tpu.memory_space<hbm>> -> memref<64xi32, #tpu.memory_space<hbm>>
      tpu.enqueue_dma source(%dma_start3A_34 : memref<64xi32, #tpu.memory_space<hbm>>) target(%arg8 : memref<64xi32, #tpu.memory_space<vmem>>) target_semaphore(%run_scoped3A : memref<!tpu.dma_semaphore, #tpu.memory_space<semaphore_mem>>)
      %dma_wait3A_35 = tpu.memref_slice %arg4[%add3A_4] : memref<4096xi32, #tpu.memory_space<hbm>> -> memref<64xi32, #tpu.memory_space<hbm>>
      %dma_wait3A_36 = tpu.memref_slice %arg4[%add3A_4] : memref<4096xi32, #tpu.memory_space<hbm>> -> memref<64xi32, #tpu.memory_space<hbm>>
      tpu.wait_dma2 semaphore(%run_scoped3A : memref<!tpu.dma_semaphore, #tpu.memory_space<semaphore_mem>>) src(%dma_wait3A_36 : memref<64xi32, #tpu.memory_space<hbm>>) dst(%arg8 : memref<64xi32, #tpu.memory_space<vmem>>)
      tpu.yield
    }) : () -> ()
    %dma_start3A = arith.constant 0 : i32
    %dma_start3A_5 = arith.constant 0 : i32
    %dma_start3A_6 = tpu.memref_slice %arg2[%dma_start3A, %dma_start3A_5] : memref<110000x1024xf32, #tpu.memory_space<hbm>> -> memref<110000x1024xf32, #tpu.memory_space<hbm>>
    tpu.enqueue_indirect_dma source(%dma_start3A_6 : memref<110000x1024xf32, #tpu.memory_space<hbm>>) target(%arg9 : memref<64x1024xf32, #tpu.memory_space<vmem>>) offsets(%arg8 : memref<64xi32, #tpu.memory_space<vmem>>) semaphore(%arg11 : memref<!tpu.dma_semaphore, #tpu.memory_space<semaphore_mem>>)
    %dma_wait3A = arith.constant 0 : i32
    %dma_wait3A_7 = arith.constant 0 : i32
    %dma_wait3A_8 = tpu.memref_slice %arg2[%dma_wait3A, %dma_wait3A_7] : memref<110000x1024xf32, #tpu.memory_space<hbm>> -> memref<110000x1024xf32, #tpu.memory_space<hbm>>
    tpu.wait_indirect_dma semaphore(%arg11 : memref<!tpu.dma_semaphore, #tpu.memory_space<semaphore_mem>>) src(%dma_wait3A_8 : memref<110000x1024xf32, #tpu.memory_space<hbm>>) dst(%arg9 : memref<64x1024xf32, #tpu.memory_space<vmem>>)
    "tpu.region"() ({
      %run_scoped3A = tpu.sem_alloc : memref<!tpu.dma_semaphore, #tpu.memory_space<semaphore_mem>>
      %dma_start3A_33 = arith.constant 0 : i32
      %dma_start3A_34 = tpu.memref_slice %arg6[%add3A_4, %dma_start3A_33] : memref<4096x1024xf32, #tpu.memory_space<hbm>> -> memref<64x1024xf32, #tpu.memory_space<hbm>>
      %dma_start3A_35 = arith.constant 0 : i32
      %dma_start3A_36 = tpu.memref_slice %arg6[%add3A_4, %dma_start3A_35] : memref<4096x1024xf32, #tpu.memory_space<hbm>> -> memref<64x1024xf32, #tpu.memory_space<hbm>>
      tpu.enqueue_dma source(%arg9 : memref<64x1024xf32, #tpu.memory_space<vmem>>) target(%dma_start3A_36 : memref<64x1024xf32, #tpu.memory_space<hbm>>) target_semaphore(%run_scoped3A : memref<!tpu.dma_semaphore, #tpu.memory_space<semaphore_mem>>)
      %dma_wait3A_37 = arith.constant 0 : i32
      %dma_wait3A_38 = tpu.memref_slice %arg6[%add3A_4, %dma_wait3A_37] : memref<4096x1024xf32, #tpu.memory_space<hbm>> -> memref<64x1024xf32, #tpu.memory_space<hbm>>
      %dma_wait3A_39 = arith.constant 0 : i32
      %dma_wait3A_40 = tpu.memref_slice %arg6[%add3A_4, %dma_wait3A_39] : memref<4096x1024xf32, #tpu.memory_space<hbm>> -> memref<64x1024xf32, #tpu.memory_space<hbm>>
      tpu.wait_dma2 semaphore(%run_scoped3A : memref<!tpu.dma_semaphore, #tpu.memory_space<semaphore_mem>>) src(%arg9 : memref<64x1024xf32, #tpu.memory_space<vmem>>) dst(%dma_wait3A_40 : memref<64x1024xf32, #tpu.memory_space<hbm>>)
      tpu.yield
    }) : () -> ()
    %add3A_9 = arith.constant 64 : i32
    %add3A_10 = arith.addi %mul3A_2, %add3A_9 : i32
    "tpu.region"() ({
      %run_scoped3A = tpu.sem_alloc : memref<!tpu.dma_semaphore, #tpu.memory_space<semaphore_mem>>
      %dma_start3A_33 = tpu.memref_slice %arg4[%add3A_10] : memref<4096xi32, #tpu.memory_space<hbm>> -> memref<64xi32, #tpu.memory_space<hbm>>
      %dma_start3A_34 = tpu.memref_slice %arg4[%add3A_10] : memref<4096xi32, #tpu.memory_space<hbm>> -> memref<64xi32, #tpu.memory_space<hbm>>
      tpu.enqueue_dma source(%dma_start3A_34 : memref<64xi32, #tpu.memory_space<hbm>>) target(%arg8 : memref<64xi32, #tpu.memory_space<vmem>>) target_semaphore(%run_scoped3A : memref<!tpu.dma_semaphore, #tpu.memory_space<semaphore_mem>>)
      %dma_wait3A_35 = tpu.memref_slice %arg4[%add3A_10] : memref<4096xi32, #tpu.memory_space<hbm>> -> memref<64xi32, #tpu.memory_space<hbm>>
      %dma_wait3A_36 = tpu.memref_slice %arg4[%add3A_10] : memref<4096xi32, #tpu.memory_space<hbm>> -> memref<64xi32, #tpu.memory_space<hbm>>
      tpu.wait_dma2 semaphore(%run_scoped3A : memref<!tpu.dma_semaphore, #tpu.memory_space<semaphore_mem>>) src(%dma_wait3A_36 : memref<64xi32, #tpu.memory_space<hbm>>) dst(%arg8 : memref<64xi32, #tpu.memory_space<vmem>>)
      tpu.yield
    }) : () -> ()
    %dma_start3A_11 = arith.constant 0 : i32
    %dma_start3A_12 = arith.constant 0 : i32
    %dma_start3A_13 = tpu.memref_slice %arg2[%dma_start3A_11, %dma_start3A_12] : memref<110000x1024xf32, #tpu.memory_space<hbm>> -> memref<110000x1024xf32, #tpu.memory_space<hbm>>
    tpu.enqueue_indirect_dma source(%dma_start3A_13 : memref<110000x1024xf32, #tpu.memory_space<hbm>>) target(%arg9 : memref<64x1024xf32, #tpu.memory_space<vmem>>) offsets(%arg8 : memref<64xi32, #tpu.memory_space<vmem>>) semaphore(%arg11 : memref<!tpu.dma_semaphore, #tpu.memory_space<semaphore_mem>>)
    %dma_wait3A_14 = arith.constant 0 : i32
    %dma_wait3A_15 = arith.constant 0 : i32
    %dma_wait3A_16 = tpu.memref_slice %arg2[%dma_wait3A_14, %dma_wait3A_15] : memref<110000x1024xf32, #tpu.memory_space<hbm>> -> memref<110000x1024xf32, #tpu.memory_space<hbm>>
    tpu.wait_indirect_dma semaphore(%arg11 : memref<!tpu.dma_semaphore, #tpu.memory_space<semaphore_mem>>) src(%dma_wait3A_16 : memref<110000x1024xf32, #tpu.memory_space<hbm>>) dst(%arg9 : memref<64x1024xf32, #tpu.memory_space<vmem>>)
    "tpu.region"() ({
      %run_scoped3A = tpu.sem_alloc : memref<!tpu.dma_semaphore, #tpu.memory_space<semaphore_mem>>
      %dma_start3A_33 = arith.constant 0 : i32
      %dma_start3A_34 = tpu.memref_slice %arg6[%add3A_10, %dma_start3A_33] : memref<4096x1024xf32, #tpu.memory_space<hbm>> -> memref<64x1024xf32, #tpu.memory_space<hbm>>
      %dma_start3A_35 = arith.constant 0 : i32
      %dma_start3A_36 = tpu.memref_slice %arg6[%add3A_10, %dma_start3A_35] : memref<4096x1024xf32, #tpu.memory_space<hbm>> -> memref<64x1024xf32, #tpu.memory_space<hbm>>
      tpu.enqueue_dma source(%arg9 : memref<64x1024xf32, #tpu.memory_space<vmem>>) target(%dma_start3A_36 : memref<64x1024xf32, #tpu.memory_space<hbm>>) target_semaphore(%run_scoped3A : memref<!tpu.dma_semaphore, #tpu.memory_space<semaphore_mem>>)
      %dma_wait3A_37 = arith.constant 0 : i32
      %dma_wait3A_38 = tpu.memref_slice %arg6[%add3A_10, %dma_wait3A_37] : memref<4096x1024xf32, #tpu.memory_space<hbm>> -> memref<64x1024xf32, #tpu.memory_space<hbm>>
      %dma_wait3A_39 = arith.constant 0 : i32
      %dma_wait3A_40 = tpu.memref_slice %arg6[%add3A_10, %dma_wait3A_39] : memref<4096x1024xf32, #tpu.memory_space<hbm>> -> memref<64x1024xf32, #tpu.memory_space<hbm>>
      tpu.wait_dma2 semaphore(%run_scoped3A : memref<!tpu.dma_semaphore, #tpu.memory_space<semaphore_mem>>) src(%arg9 : memref<64x1024xf32, #tpu.memory_space<vmem>>) dst(%dma_wait3A_40 : memref<64x1024xf32, #tpu.memory_space<hbm>>)
      tpu.yield
    }) : () -> ()
    %add3A_17 = arith.constant 0 : i32
    %add3A_18 = arith.addi %mul3A_2, %add3A_17 : i32
    "tpu.region"() ({
      %run_scoped3A = tpu.sem_alloc : memref<!tpu.dma_semaphore, #tpu.memory_space<semaphore_mem>>
      %dma_start3A_33 = tpu.memref_slice %arg5[%add3A_18] : memref<4096xi32, #tpu.memory_space<hbm>> -> memref<64xi32, #tpu.memory_space<hbm>>
      %dma_start3A_34 = tpu.memref_slice %arg5[%add3A_18] : memref<4096xi32, #tpu.memory_space<hbm>> -> memref<64xi32, #tpu.memory_space<hbm>>
      tpu.enqueue_dma source(%dma_start3A_34 : memref<64xi32, #tpu.memory_space<hbm>>) target(%arg8 : memref<64xi32, #tpu.memory_space<vmem>>) target_semaphore(%run_scoped3A : memref<!tpu.dma_semaphore, #tpu.memory_space<semaphore_mem>>)
      %dma_wait3A_35 = tpu.memref_slice %arg5[%add3A_18] : memref<4096xi32, #tpu.memory_space<hbm>> -> memref<64xi32, #tpu.memory_space<hbm>>
      %dma_wait3A_36 = tpu.memref_slice %arg5[%add3A_18] : memref<4096xi32, #tpu.memory_space<hbm>> -> memref<64xi32, #tpu.memory_space<hbm>>
      tpu.wait_dma2 semaphore(%run_scoped3A : memref<!tpu.dma_semaphore, #tpu.memory_space<semaphore_mem>>) src(%dma_wait3A_36 : memref<64xi32, #tpu.memory_space<hbm>>) dst(%arg8 : memref<64xi32, #tpu.memory_space<vmem>>)
      tpu.yield
    }) : () -> ()
    %dma_start3A_19 = arith.constant 0 : i32
    %dma_start3A_20 = arith.constant 0 : i32
    %dma_start3A_21 = tpu.memref_slice %arg3[%dma_start3A_19, %dma_start3A_20] : memref<1001x512xi32, #tpu.memory_space<hbm>> -> memref<1001x512xi32, #tpu.memory_space<hbm>>
    tpu.enqueue_indirect_dma source(%dma_start3A_21 : memref<1001x512xi32, #tpu.memory_space<hbm>>) target(%arg10 : memref<64x512xi32, #tpu.memory_space<vmem>>) offsets(%arg8 : memref<64xi32, #tpu.memory_space<vmem>>) semaphore(%arg11 : memref<!tpu.dma_semaphore, #tpu.memory_space<semaphore_mem>>)
    %dma_wait3A_22 = arith.constant 0 : i32
    %dma_wait3A_23 = arith.constant 0 : i32
    %dma_wait3A_24 = tpu.memref_slice %arg3[%dma_wait3A_22, %dma_wait3A_23] : memref<1001x512xi32, #tpu.memory_space<hbm>> -> memref<1001x512xi32, #tpu.memory_space<hbm>>
    tpu.wait_indirect_dma semaphore(%arg11 : memref<!tpu.dma_semaphore, #tpu.memory_space<semaphore_mem>>) src(%dma_wait3A_24 : memref<1001x512xi32, #tpu.memory_space<hbm>>) dst(%arg10 : memref<64x512xi32, #tpu.memory_space<vmem>>)
    "tpu.region"() ({
      %run_scoped3A = tpu.sem_alloc : memref<!tpu.dma_semaphore, #tpu.memory_space<semaphore_mem>>
      %dma_start3A_33 = arith.constant 0 : i32
      %dma_start3A_34 = tpu.memref_slice %arg7[%add3A_18, %dma_start3A_33] : memref<4096x512xi32, #tpu.memory_space<hbm>> -> memref<64x512xi32, #tpu.memory_space<hbm>>
      %dma_start3A_35 = arith.constant 0 : i32
      %dma_start3A_36 = tpu.memref_slice %arg7[%add3A_18, %dma_start3A_35] : memref<4096x512xi32, #tpu.memory_space<hbm>> -> memref<64x512xi32, #tpu.memory_space<hbm>>
      tpu.enqueue_dma source(%arg10 : memref<64x512xi32, #tpu.memory_space<vmem>>) target(%dma_start3A_36 : memref<64x512xi32, #tpu.memory_space<hbm>>) target_semaphore(%run_scoped3A : memref<!tpu.dma_semaphore, #tpu.memory_space<semaphore_mem>>)
      %dma_wait3A_37 = arith.constant 0 : i32
      %dma_wait3A_38 = tpu.memref_slice %arg7[%add3A_18, %dma_wait3A_37] : memref<4096x512xi32, #tpu.memory_space<hbm>> -> memref<64x512xi32, #tpu.memory_space<hbm>>
      %dma_wait3A_39 = arith.constant 0 : i32
      %dma_wait3A_40 = tpu.memref_slice %arg7[%add3A_18, %dma_wait3A_39] : memref<4096x512xi32, #tpu.memory_space<hbm>> -> memref<64x512xi32, #tpu.memory_space<hbm>>
      tpu.wait_dma2 semaphore(%run_scoped3A : memref<!tpu.dma_semaphore, #tpu.memory_space<semaphore_mem>>) src(%arg10 : memref<64x512xi32, #tpu.memory_space<vmem>>) dst(%dma_wait3A_40 : memref<64x512xi32, #tpu.memory_space<hbm>>)
      tpu.yield
    }) : () -> ()
    %add3A_25 = arith.constant 64 : i32
    %add3A_26 = arith.addi %mul3A_2, %add3A_25 : i32
    "tpu.region"() ({
      %run_scoped3A = tpu.sem_alloc : memref<!tpu.dma_semaphore, #tpu.memory_space<semaphore_mem>>
      %dma_start3A_33 = tpu.memref_slice %arg5[%add3A_26] : memref<4096xi32, #tpu.memory_space<hbm>> -> memref<64xi32, #tpu.memory_space<hbm>>
      %dma_start3A_34 = tpu.memref_slice %arg5[%add3A_26] : memref<4096xi32, #tpu.memory_space<hbm>> -> memref<64xi32, #tpu.memory_space<hbm>>
      tpu.enqueue_dma source(%dma_start3A_34 : memref<64xi32, #tpu.memory_space<hbm>>) target(%arg8 : memref<64xi32, #tpu.memory_space<vmem>>) target_semaphore(%run_scoped3A : memref<!tpu.dma_semaphore, #tpu.memory_space<semaphore_mem>>)
      %dma_wait3A_35 = tpu.memref_slice %arg5[%add3A_26] : memref<4096xi32, #tpu.memory_space<hbm>> -> memref<64xi32, #tpu.memory_space<hbm>>
      %dma_wait3A_36 = tpu.memref_slice %arg5[%add3A_26] : memref<4096xi32, #tpu.memory_space<hbm>> -> memref<64xi32, #tpu.memory_space<hbm>>
      tpu.wait_dma2 semaphore(%run_scoped3A : memref<!tpu.dma_semaphore, #tpu.memory_space<semaphore_mem>>) src(%dma_wait3A_36 : memref<64xi32, #tpu.memory_space<hbm>>) dst(%arg8 : memref<64xi32, #tpu.memory_space<vmem>>)
      tpu.yield
    }) : () -> ()
    %dma_start3A_27 = arith.constant 0 : i32
    %dma_start3A_28 = arith.constant 0 : i32
    %dma_start3A_29 = tpu.memref_slice %arg3[%dma_start3A_27, %dma_start3A_28] : memref<1001x512xi32, #tpu.memory_space<hbm>> -> memref<1001x512xi32, #tpu.memory_space<hbm>>
    tpu.enqueue_indirect_dma source(%dma_start3A_29 : memref<1001x512xi32, #tpu.memory_space<hbm>>) target(%arg10 : memref<64x512xi32, #tpu.memory_space<vmem>>) offsets(%arg8 : memref<64xi32, #tpu.memory_space<vmem>>) semaphore(%arg11 : memref<!tpu.dma_semaphore, #tpu.memory_space<semaphore_mem>>)
    %dma_wait3A_30 = arith.constant 0 : i32
    %dma_wait3A_31 = arith.constant 0 : i32
    %dma_wait3A_32 = tpu.memref_slice %arg3[%dma_wait3A_30, %dma_wait3A_31] : memref<1001x512xi32, #tpu.memory_space<hbm>> -> memref<1001x512xi32, #tpu.memory_space<hbm>>
    tpu.wait_indirect_dma semaphore(%arg11 : memref<!tpu.dma_semaphore, #tpu.memory_space<semaphore_mem>>) src(%dma_wait3A_32 : memref<1001x512xi32, #tpu.memory_space<hbm>>) dst(%arg10 : memref<64x512xi32, #tpu.memory_space<vmem>>)
    "tpu.region"() ({
      %run_scoped3A = tpu.sem_alloc : memref<!tpu.dma_semaphore, #tpu.memory_space<semaphore_mem>>
      %dma_start3A_33 = arith.constant 0 : i32
      %dma_start3A_34 = tpu.memref_slice %arg7[%add3A_26, %dma_start3A_33] : memref<4096x512xi32, #tpu.memory_space<hbm>> -> memref<64x512xi32, #tpu.memory_space<hbm>>
      %dma_start3A_35 = arith.constant 0 : i32
      %dma_start3A_36 = tpu.memref_slice %arg7[%add3A_26, %dma_start3A_35] : memref<4096x512xi32, #tpu.memory_space<hbm>> -> memref<64x512xi32, #tpu.memory_space<hbm>>
      tpu.enqueue_dma source(%arg10 : memref<64x512xi32, #tpu.memory_space<vmem>>) target(%dma_start3A_36 : memref<64x512xi32, #tpu.memory_space<hbm>>) target_semaphore(%run_scoped3A : memref<!tpu.dma_semaphore, #tpu.memory_space<semaphore_mem>>)
      %dma_wait3A_37 = arith.constant 0 : i32
      %dma_wait3A_38 = tpu.memref_slice %arg7[%add3A_26, %dma_wait3A_37] : memref<4096x512xi32, #tpu.memory_space<hbm>> -> memref<64x512xi32, #tpu.memory_space<hbm>>
      %dma_wait3A_39 = arith.constant 0 : i32
      %dma_wait3A_40 = tpu.memref_slice %arg7[%add3A_26, %dma_wait3A_39] : memref<4096x512xi32, #tpu.memory_space<hbm>> -> memref<64x512xi32, #tpu.memory_space<hbm>>
      tpu.wait_dma2 semaphore(%run_scoped3A : memref<!tpu.dma_semaphore, #tpu.memory_space<semaphore_mem>>) src(%arg10 : memref<64x512xi32, #tpu.memory_space<vmem>>) dst(%dma_wait3A_40 : memref<64x512xi32, #tpu.memory_space<hbm>>)
      tpu.yield
    }) : () -> ()
    return
  }
}

#map = affine_map<(d0, d1) -> (0, 0)>
#map1 = affine_map<(d0, d1) -> (0)>
module attributes {stable_mosaic.version = 14 : i64} {
  func.func @_sc_gather_body(%arg0: i32, %arg1: i32, %arg2: memref<110000x1024xf32, #tpu.memory_space<hbm>>, %arg3: memref<1001x512xi32, #tpu.memory_space<hbm>>, %arg4: memref<4096xi32, #tpu.memory_space<hbm>>, %arg5: memref<4096xi32, #tpu.memory_space<hbm>>, %arg6: memref<4096x1024xf32, #tpu.memory_space<hbm>>, %arg7: memref<4096x512xi32, #tpu.memory_space<hbm>>, %arg8: memref<64xi32, #tpu.memory_space<vmem>>, %arg9: memref<64x1024xf32, #tpu.memory_space<vmem>>, %arg10: memref<64x512xi32, #tpu.memory_space<vmem>>, %arg11: memref<!tpu.dma_semaphore, #tpu.memory_space<semaphore_mem>>) attributes {dimension_semantics = [#tpu.dimension_semantics<core_parallel>, #tpu.dimension_semantics<subcore_parallel>], iteration_bounds = array<i64: 2, 16>, scalar_prefetch = 0 : i64, scratch_operands = 4 : i64, tpu.core_type = #tpu.core_type<sc_vector_subcore>, window_params = [{transform_indices = #map}, {transform_indices = #map}, {transform_indices = #map1}, {transform_indices = #map1}, {transform_indices = #map}, {transform_indices = #map}]} {
    %mul3A = arith.constant 2 : i32
    %mul3A_0 = arith.muli %arg1, %mul3A : i32
    %add3A = arith.addi %mul3A_0, %arg0 : i32
    %mul3A_1 = arith.constant 128 : i32
    %mul3A_2 = arith.muli %add3A, %mul3A_1 : i32
    %add3A_3 = arith.constant 0 : i32
    %add3A_4 = arith.addi %mul3A_2, %add3A_3 : i32
    "tpu.region"() ({
      %run_scoped3A = tpu.sem_alloc : memref<!tpu.dma_semaphore, #tpu.memory_space<semaphore_mem>>
      %dma_start3A_33 = tpu.memref_slice %arg4[%add3A_4] : memref<4096xi32, #tpu.memory_space<hbm>> -> memref<64xi32, #tpu.memory_space<hbm>>
      %dma_start3A_34 = tpu.memref_slice %arg4[%add3A_4] : memref<4096xi32, #tpu.memory_space<hbm>> -> memref<64xi32, #tpu.memory_space<hbm>>
      tpu.enqueue_dma source(%dma_start3A_34 : memref<64xi32, #tpu.memory_space<hbm>>) target(%arg8 : memref<64xi32, #tpu.memory_space<vmem>>) target_semaphore(%run_scoped3A : memref<!tpu.dma_semaphore, #tpu.memory_space<semaphore_mem>>)
      %dma_wait3A_35 = tpu.memref_slice %arg4[%add3A_4] : memref<4096xi32, #tpu.memory_space<hbm>> -> memref<64xi32, #tpu.memory_space<hbm>>
      %dma_wait3A_36 = tpu.memref_slice %arg4[%add3A_4] : memref<4096xi32, #tpu.memory_space<hbm>> -> memref<64xi32, #tpu.memory_space<hbm>>
      tpu.wait_dma2 semaphore(%run_scoped3A : memref<!tpu.dma_semaphore, #tpu.memory_space<semaphore_mem>>) src(%dma_wait3A_36 : memref<64xi32, #tpu.memory_space<hbm>>) dst(%arg8 : memref<64xi32, #tpu.memory_space<vmem>>)
      tpu.yield
    }) : () -> ()
    %dma_start3A = arith.constant 0 : i32
    %dma_start3A_5 = arith.constant 0 : i32
    %dma_start3A_6 = tpu.memref_slice %arg2[%dma_start3A, %dma_start3A_5] : memref<110000x1024xf32, #tpu.memory_space<hbm>> -> memref<110000x1024xf32, #tpu.memory_space<hbm>>
    tpu.enqueue_indirect_dma source(%dma_start3A_6 : memref<110000x1024xf32, #tpu.memory_space<hbm>>) target(%arg9 : memref<64x1024xf32, #tpu.memory_space<vmem>>) offsets(%arg8 : memref<64xi32, #tpu.memory_space<vmem>>) semaphore(%arg11 : memref<!tpu.dma_semaphore, #tpu.memory_space<semaphore_mem>>)
    %dma_wait3A = arith.constant 0 : i32
    %dma_wait3A_7 = arith.constant 0 : i32
    %dma_wait3A_8 = tpu.memref_slice %arg2[%dma_wait3A, %dma_wait3A_7] : memref<110000x1024xf32, #tpu.memory_space<hbm>> -> memref<110000x1024xf32, #tpu.memory_space<hbm>>
    tpu.wait_indirect_dma semaphore(%arg11 : memref<!tpu.dma_semaphore, #tpu.memory_space<semaphore_mem>>) src(%dma_wait3A_8 : memref<110000x1024xf32, #tpu.memory_space<hbm>>) dst(%arg9 : memref<64x1024xf32, #tpu.memory_space<vmem>>)
    "tpu.region"() ({
      %run_scoped3A = tpu.sem_alloc : memref<!tpu.dma_semaphore, #tpu.memory_space<semaphore_mem>>
      %dma_start3A_33 = arith.constant 0 : i32
      %dma_start3A_34 = tpu.memref_slice %arg6[%add3A_4, %dma_start3A_33] : memref<4096x1024xf32, #tpu.memory_space<hbm>> -> memref<64x1024xf32, #tpu.memory_space<hbm>>
      %dma_start3A_35 = arith.constant 0 : i32
      %dma_start3A_36 = tpu.memref_slice %arg6[%add3A_4, %dma_start3A_35] : memref<4096x1024xf32, #tpu.memory_space<hbm>> -> memref<64x1024xf32, #tpu.memory_space<hbm>>
      tpu.enqueue_dma source(%arg9 : memref<64x1024xf32, #tpu.memory_space<vmem>>) target(%dma_start3A_36 : memref<64x1024xf32, #tpu.memory_space<hbm>>) target_semaphore(%run_scoped3A : memref<!tpu.dma_semaphore, #tpu.memory_space<semaphore_mem>>)
      %dma_wait3A_37 = arith.constant 0 : i32
      %dma_wait3A_38 = tpu.memref_slice %arg6[%add3A_4, %dma_wait3A_37] : memref<4096x1024xf32, #tpu.memory_space<hbm>> -> memref<64x1024xf32, #tpu.memory_space<hbm>>
      %dma_wait3A_39 = arith.constant 0 : i32
      %dma_wait3A_40 = tpu.memref_slice %arg6[%add3A_4, %dma_wait3A_39] : memref<4096x1024xf32, #tpu.memory_space<hbm>> -> memref<64x1024xf32, #tpu.memory_space<hbm>>
      tpu.wait_dma2 semaphore(%run_scoped3A : memref<!tpu.dma_semaphore, #tpu.memory_space<semaphore_mem>>) src(%arg9 : memref<64x1024xf32, #tpu.memory_space<vmem>>) dst(%dma_wait3A_40 : memref<64x1024xf32, #tpu.memory_space<hbm>>)
      tpu.yield
    }) : () -> ()
    %add3A_9 = arith.constant 64 : i32
    %add3A_10 = arith.addi %mul3A_2, %add3A_9 : i32
    "tpu.region"() ({
      %run_scoped3A = tpu.sem_alloc : memref<!tpu.dma_semaphore, #tpu.memory_space<semaphore_mem>>
      %dma_start3A_33 = tpu.memref_slice %arg4[%add3A_10] : memref<4096xi32, #tpu.memory_space<hbm>> -> memref<64xi32, #tpu.memory_space<hbm>>
      %dma_start3A_34 = tpu.memref_slice %arg4[%add3A_10] : memref<4096xi32, #tpu.memory_space<hbm>> -> memref<64xi32, #tpu.memory_space<hbm>>
      tpu.enqueue_dma source(%dma_start3A_34 : memref<64xi32, #tpu.memory_space<hbm>>) target(%arg8 : memref<64xi32, #tpu.memory_space<vmem>>) target_semaphore(%run_scoped3A : memref<!tpu.dma_semaphore, #tpu.memory_space<semaphore_mem>>)
      %dma_wait3A_35 = tpu.memref_slice %arg4[%add3A_10] : memref<4096xi32, #tpu.memory_space<hbm>> -> memref<64xi32, #tpu.memory_space<hbm>>
      %dma_wait3A_36 = tpu.memref_slice %arg4[%add3A_10] : memref<4096xi32, #tpu.memory_space<hbm>> -> memref<64xi32, #tpu.memory_space<hbm>>
      tpu.wait_dma2 semaphore(%run_scoped3A : memref<!tpu.dma_semaphore, #tpu.memory_space<semaphore_mem>>) src(%dma_wait3A_36 : memref<64xi32, #tpu.memory_space<hbm>>) dst(%arg8 : memref<64xi32, #tpu.memory_space<vmem>>)
      tpu.yield
    }) : () -> ()
    %dma_start3A_11 = arith.constant 0 : i32
    %dma_start3A_12 = arith.constant 0 : i32
    %dma_start3A_13 = tpu.memref_slice %arg2[%dma_start3A_11, %dma_start3A_12] : memref<110000x1024xf32, #tpu.memory_space<hbm>> -> memref<110000x1024xf32, #tpu.memory_space<hbm>>
    tpu.enqueue_indirect_dma source(%dma_start3A_13 : memref<110000x1024xf32, #tpu.memory_space<hbm>>) target(%arg9 : memref<64x1024xf32, #tpu.memory_space<vmem>>) offsets(%arg8 : memref<64xi32, #tpu.memory_space<vmem>>) semaphore(%arg11 : memref<!tpu.dma_semaphore, #tpu.memory_space<semaphore_mem>>)
    %dma_wait3A_14 = arith.constant 0 : i32
    %dma_wait3A_15 = arith.constant 0 : i32
    %dma_wait3A_16 = tpu.memref_slice %arg2[%dma_wait3A_14, %dma_wait3A_15] : memref<110000x1024xf32, #tpu.memory_space<hbm>> -> memref<110000x1024xf32, #tpu.memory_space<hbm>>
    tpu.wait_indirect_dma semaphore(%arg11 : memref<!tpu.dma_semaphore, #tpu.memory_space<semaphore_mem>>) src(%dma_wait3A_16 : memref<110000x1024xf32, #tpu.memory_space<hbm>>) dst(%arg9 : memref<64x1024xf32, #tpu.memory_space<vmem>>)
    "tpu.region"() ({
      %run_scoped3A = tpu.sem_alloc : memref<!tpu.dma_semaphore, #tpu.memory_space<semaphore_mem>>
      %dma_start3A_33 = arith.constant 0 : i32
      %dma_start3A_34 = tpu.memref_slice %arg6[%add3A_10, %dma_start3A_33] : memref<4096x1024xf32, #tpu.memory_space<hbm>> -> memref<64x1024xf32, #tpu.memory_space<hbm>>
      %dma_start3A_35 = arith.constant 0 : i32
      %dma_start3A_36 = tpu.memref_slice %arg6[%add3A_10, %dma_start3A_35] : memref<4096x1024xf32, #tpu.memory_space<hbm>> -> memref<64x1024xf32, #tpu.memory_space<hbm>>
      tpu.enqueue_dma source(%arg9 : memref<64x1024xf32, #tpu.memory_space<vmem>>) target(%dma_start3A_36 : memref<64x1024xf32, #tpu.memory_space<hbm>>) target_semaphore(%run_scoped3A : memref<!tpu.dma_semaphore, #tpu.memory_space<semaphore_mem>>)
      %dma_wait3A_37 = arith.constant 0 : i32
      %dma_wait3A_38 = tpu.memref_slice %arg6[%add3A_10, %dma_wait3A_37] : memref<4096x1024xf32, #tpu.memory_space<hbm>> -> memref<64x1024xf32, #tpu.memory_space<hbm>>
      %dma_wait3A_39 = arith.constant 0 : i32
      %dma_wait3A_40 = tpu.memref_slice %arg6[%add3A_10, %dma_wait3A_39] : memref<4096x1024xf32, #tpu.memory_space<hbm>> -> memref<64x1024xf32, #tpu.memory_space<hbm>>
      tpu.wait_dma2 semaphore(%run_scoped3A : memref<!tpu.dma_semaphore, #tpu.memory_space<semaphore_mem>>) src(%arg9 : memref<64x1024xf32, #tpu.memory_space<vmem>>) dst(%dma_wait3A_40 : memref<64x1024xf32, #tpu.memory_space<hbm>>)
      tpu.yield
    }) : () -> ()
    %add3A_17 = arith.constant 0 : i32
    %add3A_18 = arith.addi %mul3A_2, %add3A_17 : i32
    "tpu.region"() ({
      %run_scoped3A = tpu.sem_alloc : memref<!tpu.dma_semaphore, #tpu.memory_space<semaphore_mem>>
      %dma_start3A_33 = tpu.memref_slice %arg5[%add3A_18] : memref<4096xi32, #tpu.memory_space<hbm>> -> memref<64xi32, #tpu.memory_space<hbm>>
      %dma_start3A_34 = tpu.memref_slice %arg5[%add3A_18] : memref<4096xi32, #tpu.memory_space<hbm>> -> memref<64xi32, #tpu.memory_space<hbm>>
      tpu.enqueue_dma source(%dma_start3A_34 : memref<64xi32, #tpu.memory_space<hbm>>) target(%arg8 : memref<64xi32, #tpu.memory_space<vmem>>) target_semaphore(%run_scoped3A : memref<!tpu.dma_semaphore, #tpu.memory_space<semaphore_mem>>)
      %dma_wait3A_35 = tpu.memref_slice %arg5[%add3A_18] : memref<4096xi32, #tpu.memory_space<hbm>> -> memref<64xi32, #tpu.memory_space<hbm>>
      %dma_wait3A_36 = tpu.memref_slice %arg5[%add3A_18] : memref<4096xi32, #tpu.memory_space<hbm>> -> memref<64xi32, #tpu.memory_space<hbm>>
      tpu.wait_dma2 semaphore(%run_scoped3A : memref<!tpu.dma_semaphore, #tpu.memory_space<semaphore_mem>>) src(%dma_wait3A_36 : memref<64xi32, #tpu.memory_space<hbm>>) dst(%arg8 : memref<64xi32, #tpu.memory_space<vmem>>)
      tpu.yield
    }) : () -> ()
    %dma_start3A_19 = arith.constant 0 : i32
    %dma_start3A_20 = arith.constant 0 : i32
    %dma_start3A_21 = tpu.memref_slice %arg3[%dma_start3A_19, %dma_start3A_20] : memref<1001x512xi32, #tpu.memory_space<hbm>> -> memref<1001x512xi32, #tpu.memory_space<hbm>>
    tpu.enqueue_indirect_dma source(%dma_start3A_21 : memref<1001x512xi32, #tpu.memory_space<hbm>>) target(%arg10 : memref<64x512xi32, #tpu.memory_space<vmem>>) offsets(%arg8 : memref<64xi32, #tpu.memory_space<vmem>>) semaphore(%arg11 : memref<!tpu.dma_semaphore, #tpu.memory_space<semaphore_mem>>)
    %dma_wait3A_22 = arith.constant 0 : i32
    %dma_wait3A_23 = arith.constant 0 : i32
    %dma_wait3A_24 = tpu.memref_slice %arg3[%dma_wait3A_22, %dma_wait3A_23] : memref<1001x512xi32, #tpu.memory_space<hbm>> -> memref<1001x512xi32, #tpu.memory_space<hbm>>
    tpu.wait_indirect_dma semaphore(%arg11 : memref<!tpu.dma_semaphore, #tpu.memory_space<semaphore_mem>>) src(%dma_wait3A_24 : memref<1001x512xi32, #tpu.memory_space<hbm>>) dst(%arg10 : memref<64x512xi32, #tpu.memory_space<vmem>>)
    "tpu.region"() ({
      %run_scoped3A = tpu.sem_alloc : memref<!tpu.dma_semaphore, #tpu.memory_space<semaphore_mem>>
      %dma_start3A_33 = arith.constant 0 : i32
      %dma_start3A_34 = tpu.memref_slice %arg7[%add3A_18, %dma_start3A_33] : memref<4096x512xi32, #tpu.memory_space<hbm>> -> memref<64x512xi32, #tpu.memory_space<hbm>>
      %dma_start3A_35 = arith.constant 0 : i32
      %dma_start3A_36 = tpu.memref_slice %arg7[%add3A_18, %dma_start3A_35] : memref<4096x512xi32, #tpu.memory_space<hbm>> -> memref<64x512xi32, #tpu.memory_space<hbm>>
      tpu.enqueue_dma source(%arg10 : memref<64x512xi32, #tpu.memory_space<vmem>>) target(%dma_start3A_36 : memref<64x512xi32, #tpu.memory_space<hbm>>) target_semaphore(%run_scoped3A : memref<!tpu.dma_semaphore, #tpu.memory_space<semaphore_mem>>)
      %dma_wait3A_37 = arith.constant 0 : i32
      %dma_wait3A_38 = tpu.memref_slice %arg7[%add3A_18, %dma_wait3A_37] : memref<4096x512xi32, #tpu.memory_space<hbm>> -> memref<64x512xi32, #tpu.memory_space<hbm>>
      %dma_wait3A_39 = arith.constant 0 : i32
      %dma_wait3A_40 = tpu.memref_slice %arg7[%add3A_18, %dma_wait3A_39] : memref<4096x512xi32, #tpu.memory_space<hbm>> -> memref<64x512xi32, #tpu.memory_space<hbm>>
      tpu.wait_dma2 semaphore(%run_scoped3A : memref<!tpu.dma_semaphore, #tpu.memory_space<semaphore_mem>>) src(%arg10 : memref<64x512xi32, #tpu.memory_space<vmem>>) dst(%dma_wait3A_40 : memref<64x512xi32, #tpu.memory_space<hbm>>)
      tpu.yield
    }) : () -> ()
    %add3A_25 = arith.constant 64 : i32
    %add3A_26 = arith.addi %mul3A_2, %add3A_25 : i32
    "tpu.region"() ({
      %run_scoped3A = tpu.sem_alloc : memref<!tpu.dma_semaphore, #tpu.memory_space<semaphore_mem>>
      %dma_start3A_33 = tpu.memref_slice %arg5[%add3A_26] : memref<4096xi32, #tpu.memory_space<hbm>> -> memref<64xi32, #tpu.memory_space<hbm>>
      %dma_start3A_34 = tpu.memref_slice %arg5[%add3A_26] : memref<4096xi32, #tpu.memory_space<hbm>> -> memref<64xi32, #tpu.memory_space<hbm>>
      tpu.enqueue_dma source(%dma_start3A_34 : memref<64xi32, #tpu.memory_space<hbm>>) target(%arg8 : memref<64xi32, #tpu.memory_space<vmem>>) target_semaphore(%run_scoped3A : memref<!tpu.dma_semaphore, #tpu.memory_space<semaphore_mem>>)
      %dma_wait3A_35 = tpu.memref_slice %arg5[%add3A_26] : memref<4096xi32, #tpu.memory_space<hbm>> -> memref<64xi32, #tpu.memory_space<hbm>>
      %dma_wait3A_36 = tpu.memref_slice %arg5[%add3A_26] : memref<4096xi32, #tpu.memory_space<hbm>> -> memref<64xi32, #tpu.memory_space<hbm>>
      tpu.wait_dma2 semaphore(%run_scoped3A : memref<!tpu.dma_semaphore, #tpu.memory_space<semaphore_mem>>) src(%dma_wait3A_36 : memref<64xi32, #tpu.memory_space<hbm>>) dst(%arg8 : memref<64xi32, #tpu.memory_space<vmem>>)
      tpu.yield
    }) : () -> ()
    %dma_start3A_27 = arith.constant 0 : i32
    %dma_start3A_28 = arith.constant 0 : i32
    %dma_start3A_29 = tpu.memref_slice %arg3[%dma_start3A_27, %dma_start3A_28] : memref<1001x512xi32, #tpu.memory_space<hbm>> -> memref<1001x512xi32, #tpu.memory_space<hbm>>
    tpu.enqueue_indirect_dma source(%dma_start3A_29 : memref<1001x512xi32, #tpu.memory_space<hbm>>) target(%arg10 : memref<64x512xi32, #tpu.memory_space<vmem>>) offsets(%arg8 : memref<64xi32, #tpu.memory_space<vmem>>) semaphore(%arg11 : memref<!tpu.dma_semaphore, #tpu.memory_space<semaphore_mem>>)
    %dma_wait3A_30 = arith.constant 0 : i32
    %dma_wait3A_31 = arith.constant 0 : i32
    %dma_wait3A_32 = tpu.memref_slice %arg3[%dma_wait3A_30, %dma_wait3A_31] : memref<1001x512xi32, #tpu.memory_space<hbm>> -> memref<1001x512xi32, #tpu.memory_space<hbm>>
    tpu.wait_indirect_dma semaphore(%arg11 : memref<!tpu.dma_semaphore, #tpu.memory_space<semaphore_mem>>) src(%dma_wait3A_32 : memref<1001x512xi32, #tpu.memory_space<hbm>>) dst(%arg10 : memref<64x512xi32, #tpu.memory_space<vmem>>)
    "tpu.region"() ({
      %run_scoped3A = tpu.sem_alloc : memref<!tpu.dma_semaphore, #tpu.memory_space<semaphore_mem>>
      %dma_start3A_33 = arith.constant 0 : i32
      %dma_start3A_34 = tpu.memref_slice %arg7[%add3A_26, %dma_start3A_33] : memref<4096x512xi32, #tpu.memory_space<hbm>> -> memref<64x512xi32, #tpu.memory_space<hbm>>
      %dma_start3A_35 = arith.constant 0 : i32
      %dma_start3A_36 = tpu.memref_slice %arg7[%add3A_26, %dma_start3A_35] : memref<4096x512xi32, #tpu.memory_space<hbm>> -> memref<64x512xi32, #tpu.memory_space<hbm>>
      tpu.enqueue_dma source(%arg10 : memref<64x512xi32, #tpu.memory_space<vmem>>) target(%dma_start3A_36 : memref<64x512xi32, #tpu.memory_space<hbm>>) target_semaphore(%run_scoped3A : memref<!tpu.dma_semaphore, #tpu.memory_space<semaphore_mem>>)
      %dma_wait3A_37 = arith.constant 0 : i32
      %dma_wait3A_38 = tpu.memref_slice %arg7[%add3A_26, %dma_wait3A_37] : memref<4096x512xi32, #tpu.memory_space<hbm>> -> memref<64x512xi32, #tpu.memory_space<hbm>>
      %dma_wait3A_39 = arith.constant 0 : i32
      %dma_wait3A_40 = tpu.memref_slice %arg7[%add3A_26, %dma_wait3A_39] : memref<4096x512xi32, #tpu.memory_space<hbm>> -> memref<64x512xi32, #tpu.memory_space<hbm>>
      tpu.wait_dma2 semaphore(%run_scoped3A : memref<!tpu.dma_semaphore, #tpu.memory_space<semaphore_mem>>) src(%arg10 : memref<64x512xi32, #tpu.memory_space<vmem>>) dst(%dma_wait3A_40 : memref<64x512xi32, #tpu.memory_space<hbm>>)
      tpu.yield
    }) : () -> ()
    return
  }
}

#map = affine_map<(d0, d1) -> (0, 0)>
#map1 = affine_map<(d0, d1) -> (0)>
module attributes {stable_mosaic.version = 14 : i64} {
  func.func @_sc_gather_body(%arg0: i32, %arg1: i32, %arg2: memref<110000x1024xf32, #tpu.memory_space<hbm>>, %arg3: memref<1001x512xi32, #tpu.memory_space<hbm>>, %arg4: memref<4096xi32, #tpu.memory_space<hbm>>, %arg5: memref<4096xi32, #tpu.memory_space<hbm>>, %arg6: memref<4096x1024xf32, #tpu.memory_space<hbm>>, %arg7: memref<4096x512xi32, #tpu.memory_space<hbm>>, %arg8: memref<64xi32, #tpu.memory_space<vmem>>, %arg9: memref<64x1024xf32, #tpu.memory_space<vmem>>, %arg10: memref<64x512xi32, #tpu.memory_space<vmem>>, %arg11: memref<!tpu.dma_semaphore, #tpu.memory_space<semaphore_mem>>) attributes {dimension_semantics = [#tpu.dimension_semantics<core_parallel>, #tpu.dimension_semantics<subcore_parallel>], iteration_bounds = array<i64: 2, 16>, scalar_prefetch = 0 : i64, scratch_operands = 4 : i64, tpu.core_type = #tpu.core_type<sc_vector_subcore>, window_params = [{transform_indices = #map}, {transform_indices = #map}, {transform_indices = #map1}, {transform_indices = #map1}, {transform_indices = #map}, {transform_indices = #map}]} {
    %mul3A = arith.constant 2 : i32
    %mul3A_0 = arith.muli %arg1, %mul3A : i32
    %add3A = arith.addi %mul3A_0, %arg0 : i32
    %mul3A_1 = arith.constant 128 : i32
    %mul3A_2 = arith.muli %add3A, %mul3A_1 : i32
    %add3A_3 = arith.constant 0 : i32
    %add3A_4 = arith.addi %mul3A_2, %add3A_3 : i32
    "tpu.region"() ({
      %run_scoped3A = tpu.sem_alloc : memref<!tpu.dma_semaphore, #tpu.memory_space<semaphore_mem>>
      %dma_start3A_33 = tpu.memref_slice %arg4[%add3A_4] : memref<4096xi32, #tpu.memory_space<hbm>> -> memref<64xi32, #tpu.memory_space<hbm>>
      %dma_start3A_34 = tpu.memref_slice %arg4[%add3A_4] : memref<4096xi32, #tpu.memory_space<hbm>> -> memref<64xi32, #tpu.memory_space<hbm>>
      tpu.enqueue_dma source(%dma_start3A_34 : memref<64xi32, #tpu.memory_space<hbm>>) target(%arg8 : memref<64xi32, #tpu.memory_space<vmem>>) target_semaphore(%run_scoped3A : memref<!tpu.dma_semaphore, #tpu.memory_space<semaphore_mem>>)
      %dma_wait3A_35 = tpu.memref_slice %arg4[%add3A_4] : memref<4096xi32, #tpu.memory_space<hbm>> -> memref<64xi32, #tpu.memory_space<hbm>>
      %dma_wait3A_36 = tpu.memref_slice %arg4[%add3A_4] : memref<4096xi32, #tpu.memory_space<hbm>> -> memref<64xi32, #tpu.memory_space<hbm>>
      tpu.wait_dma2 semaphore(%run_scoped3A : memref<!tpu.dma_semaphore, #tpu.memory_space<semaphore_mem>>) src(%dma_wait3A_36 : memref<64xi32, #tpu.memory_space<hbm>>) dst(%arg8 : memref<64xi32, #tpu.memory_space<vmem>>)
      tpu.yield
    }) : () -> ()
    %dma_start3A = arith.constant 0 : i32
    %dma_start3A_5 = arith.constant 0 : i32
    %dma_start3A_6 = tpu.memref_slice %arg2[%dma_start3A, %dma_start3A_5] : memref<110000x1024xf32, #tpu.memory_space<hbm>> -> memref<110000x1024xf32, #tpu.memory_space<hbm>>
    tpu.enqueue_indirect_dma source(%dma_start3A_6 : memref<110000x1024xf32, #tpu.memory_space<hbm>>) target(%arg9 : memref<64x1024xf32, #tpu.memory_space<vmem>>) offsets(%arg8 : memref<64xi32, #tpu.memory_space<vmem>>) semaphore(%arg11 : memref<!tpu.dma_semaphore, #tpu.memory_space<semaphore_mem>>)
    %dma_wait3A = arith.constant 0 : i32
    %dma_wait3A_7 = arith.constant 0 : i32
    %dma_wait3A_8 = tpu.memref_slice %arg2[%dma_wait3A, %dma_wait3A_7] : memref<110000x1024xf32, #tpu.memory_space<hbm>> -> memref<110000x1024xf32, #tpu.memory_space<hbm>>
    tpu.wait_indirect_dma semaphore(%arg11 : memref<!tpu.dma_semaphore, #tpu.memory_space<semaphore_mem>>) src(%dma_wait3A_8 : memref<110000x1024xf32, #tpu.memory_space<hbm>>) dst(%arg9 : memref<64x1024xf32, #tpu.memory_space<vmem>>)
    "tpu.region"() ({
      %run_scoped3A = tpu.sem_alloc : memref<!tpu.dma_semaphore, #tpu.memory_space<semaphore_mem>>
      %dma_start3A_33 = arith.constant 0 : i32
      %dma_start3A_34 = tpu.memref_slice %arg6[%add3A_4, %dma_start3A_33] : memref<4096x1024xf32, #tpu.memory_space<hbm>> -> memref<64x1024xf32, #tpu.memory_space<hbm>>
      %dma_start3A_35 = arith.constant 0 : i32
      %dma_start3A_36 = tpu.memref_slice %arg6[%add3A_4, %dma_start3A_35] : memref<4096x1024xf32, #tpu.memory_space<hbm>> -> memref<64x1024xf32, #tpu.memory_space<hbm>>
      tpu.enqueue_dma source(%arg9 : memref<64x1024xf32, #tpu.memory_space<vmem>>) target(%dma_start3A_36 : memref<64x1024xf32, #tpu.memory_space<hbm>>) target_semaphore(%run_scoped3A : memref<!tpu.dma_semaphore, #tpu.memory_space<semaphore_mem>>)
      %dma_wait3A_37 = arith.constant 0 : i32
      %dma_wait3A_38 = tpu.memref_slice %arg6[%add3A_4, %dma_wait3A_37] : memref<4096x1024xf32, #tpu.memory_space<hbm>> -> memref<64x1024xf32, #tpu.memory_space<hbm>>
      %dma_wait3A_39 = arith.constant 0 : i32
      %dma_wait3A_40 = tpu.memref_slice %arg6[%add3A_4, %dma_wait3A_39] : memref<4096x1024xf32, #tpu.memory_space<hbm>> -> memref<64x1024xf32, #tpu.memory_space<hbm>>
      tpu.wait_dma2 semaphore(%run_scoped3A : memref<!tpu.dma_semaphore, #tpu.memory_space<semaphore_mem>>) src(%arg9 : memref<64x1024xf32, #tpu.memory_space<vmem>>) dst(%dma_wait3A_40 : memref<64x1024xf32, #tpu.memory_space<hbm>>)
      tpu.yield
    }) : () -> ()
    %add3A_9 = arith.constant 64 : i32
    %add3A_10 = arith.addi %mul3A_2, %add3A_9 : i32
    "tpu.region"() ({
      %run_scoped3A = tpu.sem_alloc : memref<!tpu.dma_semaphore, #tpu.memory_space<semaphore_mem>>
      %dma_start3A_33 = tpu.memref_slice %arg4[%add3A_10] : memref<4096xi32, #tpu.memory_space<hbm>> -> memref<64xi32, #tpu.memory_space<hbm>>
      %dma_start3A_34 = tpu.memref_slice %arg4[%add3A_10] : memref<4096xi32, #tpu.memory_space<hbm>> -> memref<64xi32, #tpu.memory_space<hbm>>
      tpu.enqueue_dma source(%dma_start3A_34 : memref<64xi32, #tpu.memory_space<hbm>>) target(%arg8 : memref<64xi32, #tpu.memory_space<vmem>>) target_semaphore(%run_scoped3A : memref<!tpu.dma_semaphore, #tpu.memory_space<semaphore_mem>>)
      %dma_wait3A_35 = tpu.memref_slice %arg4[%add3A_10] : memref<4096xi32, #tpu.memory_space<hbm>> -> memref<64xi32, #tpu.memory_space<hbm>>
      %dma_wait3A_36 = tpu.memref_slice %arg4[%add3A_10] : memref<4096xi32, #tpu.memory_space<hbm>> -> memref<64xi32, #tpu.memory_space<hbm>>
      tpu.wait_dma2 semaphore(%run_scoped3A : memref<!tpu.dma_semaphore, #tpu.memory_space<semaphore_mem>>) src(%dma_wait3A_36 : memref<64xi32, #tpu.memory_space<hbm>>) dst(%arg8 : memref<64xi32, #tpu.memory_space<vmem>>)
      tpu.yield
    }) : () -> ()
    %dma_start3A_11 = arith.constant 0 : i32
    %dma_start3A_12 = arith.constant 0 : i32
    %dma_start3A_13 = tpu.memref_slice %arg2[%dma_start3A_11, %dma_start3A_12] : memref<110000x1024xf32, #tpu.memory_space<hbm>> -> memref<110000x1024xf32, #tpu.memory_space<hbm>>
    tpu.enqueue_indirect_dma source(%dma_start3A_13 : memref<110000x1024xf32, #tpu.memory_space<hbm>>) target(%arg9 : memref<64x1024xf32, #tpu.memory_space<vmem>>) offsets(%arg8 : memref<64xi32, #tpu.memory_space<vmem>>) semaphore(%arg11 : memref<!tpu.dma_semaphore, #tpu.memory_space<semaphore_mem>>)
    %dma_wait3A_14 = arith.constant 0 : i32
    %dma_wait3A_15 = arith.constant 0 : i32
    %dma_wait3A_16 = tpu.memref_slice %arg2[%dma_wait3A_14, %dma_wait3A_15] : memref<110000x1024xf32, #tpu.memory_space<hbm>> -> memref<110000x1024xf32, #tpu.memory_space<hbm>>
    tpu.wait_indirect_dma semaphore(%arg11 : memref<!tpu.dma_semaphore, #tpu.memory_space<semaphore_mem>>) src(%dma_wait3A_16 : memref<110000x1024xf32, #tpu.memory_space<hbm>>) dst(%arg9 : memref<64x1024xf32, #tpu.memory_space<vmem>>)
    "tpu.region"() ({
      %run_scoped3A = tpu.sem_alloc : memref<!tpu.dma_semaphore, #tpu.memory_space<semaphore_mem>>
      %dma_start3A_33 = arith.constant 0 : i32
      %dma_start3A_34 = tpu.memref_slice %arg6[%add3A_10, %dma_start3A_33] : memref<4096x1024xf32, #tpu.memory_space<hbm>> -> memref<64x1024xf32, #tpu.memory_space<hbm>>
      %dma_start3A_35 = arith.constant 0 : i32
      %dma_start3A_36 = tpu.memref_slice %arg6[%add3A_10, %dma_start3A_35] : memref<4096x1024xf32, #tpu.memory_space<hbm>> -> memref<64x1024xf32, #tpu.memory_space<hbm>>
      tpu.enqueue_dma source(%arg9 : memref<64x1024xf32, #tpu.memory_space<vmem>>) target(%dma_start3A_36 : memref<64x1024xf32, #tpu.memory_space<hbm>>) target_semaphore(%run_scoped3A : memref<!tpu.dma_semaphore, #tpu.memory_space<semaphore_mem>>)
      %dma_wait3A_37 = arith.constant 0 : i32
      %dma_wait3A_38 = tpu.memref_slice %arg6[%add3A_10, %dma_wait3A_37] : memref<4096x1024xf32, #tpu.memory_space<hbm>> -> memref<64x1024xf32, #tpu.memory_space<hbm>>
      %dma_wait3A_39 = arith.constant 0 : i32
      %dma_wait3A_40 = tpu.memref_slice %arg6[%add3A_10, %dma_wait3A_39] : memref<4096x1024xf32, #tpu.memory_space<hbm>> -> memref<64x1024xf32, #tpu.memory_space<hbm>>
      tpu.wait_dma2 semaphore(%run_scoped3A : memref<!tpu.dma_semaphore, #tpu.memory_space<semaphore_mem>>) src(%arg9 : memref<64x1024xf32, #tpu.memory_space<vmem>>) dst(%dma_wait3A_40 : memref<64x1024xf32, #tpu.memory_space<hbm>>)
      tpu.yield
    }) : () -> ()
    %add3A_17 = arith.constant 0 : i32
    %add3A_18 = arith.addi %mul3A_2, %add3A_17 : i32
    "tpu.region"() ({
      %run_scoped3A = tpu.sem_alloc : memref<!tpu.dma_semaphore, #tpu.memory_space<semaphore_mem>>
      %dma_start3A_33 = tpu.memref_slice %arg5[%add3A_18] : memref<4096xi32, #tpu.memory_space<hbm>> -> memref<64xi32, #tpu.memory_space<hbm>>
      %dma_start3A_34 = tpu.memref_slice %arg5[%add3A_18] : memref<4096xi32, #tpu.memory_space<hbm>> -> memref<64xi32, #tpu.memory_space<hbm>>
      tpu.enqueue_dma source(%dma_start3A_34 : memref<64xi32, #tpu.memory_space<hbm>>) target(%arg8 : memref<64xi32, #tpu.memory_space<vmem>>) target_semaphore(%run_scoped3A : memref<!tpu.dma_semaphore, #tpu.memory_space<semaphore_mem>>)
      %dma_wait3A_35 = tpu.memref_slice %arg5[%add3A_18] : memref<4096xi32, #tpu.memory_space<hbm>> -> memref<64xi32, #tpu.memory_space<hbm>>
      %dma_wait3A_36 = tpu.memref_slice %arg5[%add3A_18] : memref<4096xi32, #tpu.memory_space<hbm>> -> memref<64xi32, #tpu.memory_space<hbm>>
      tpu.wait_dma2 semaphore(%run_scoped3A : memref<!tpu.dma_semaphore, #tpu.memory_space<semaphore_mem>>) src(%dma_wait3A_36 : memref<64xi32, #tpu.memory_space<hbm>>) dst(%arg8 : memref<64xi32, #tpu.memory_space<vmem>>)
      tpu.yield
    }) : () -> ()
    %dma_start3A_19 = arith.constant 0 : i32
    %dma_start3A_20 = arith.constant 0 : i32
    %dma_start3A_21 = tpu.memref_slice %arg3[%dma_start3A_19, %dma_start3A_20] : memref<1001x512xi32, #tpu.memory_space<hbm>> -> memref<1001x512xi32, #tpu.memory_space<hbm>>
    tpu.enqueue_indirect_dma source(%dma_start3A_21 : memref<1001x512xi32, #tpu.memory_space<hbm>>) target(%arg10 : memref<64x512xi32, #tpu.memory_space<vmem>>) offsets(%arg8 : memref<64xi32, #tpu.memory_space<vmem>>) semaphore(%arg11 : memref<!tpu.dma_semaphore, #tpu.memory_space<semaphore_mem>>)
    %dma_wait3A_22 = arith.constant 0 : i32
    %dma_wait3A_23 = arith.constant 0 : i32
    %dma_wait3A_24 = tpu.memref_slice %arg3[%dma_wait3A_22, %dma_wait3A_23] : memref<1001x512xi32, #tpu.memory_space<hbm>> -> memref<1001x512xi32, #tpu.memory_space<hbm>>
    tpu.wait_indirect_dma semaphore(%arg11 : memref<!tpu.dma_semaphore, #tpu.memory_space<semaphore_mem>>) src(%dma_wait3A_24 : memref<1001x512xi32, #tpu.memory_space<hbm>>) dst(%arg10 : memref<64x512xi32, #tpu.memory_space<vmem>>)
    "tpu.region"() ({
      %run_scoped3A = tpu.sem_alloc : memref<!tpu.dma_semaphore, #tpu.memory_space<semaphore_mem>>
      %dma_start3A_33 = arith.constant 0 : i32
      %dma_start3A_34 = tpu.memref_slice %arg7[%add3A_18, %dma_start3A_33] : memref<4096x512xi32, #tpu.memory_space<hbm>> -> memref<64x512xi32, #tpu.memory_space<hbm>>
      %dma_start3A_35 = arith.constant 0 : i32
      %dma_start3A_36 = tpu.memref_slice %arg7[%add3A_18, %dma_start3A_35] : memref<4096x512xi32, #tpu.memory_space<hbm>> -> memref<64x512xi32, #tpu.memory_space<hbm>>
      tpu.enqueue_dma source(%arg10 : memref<64x512xi32, #tpu.memory_space<vmem>>) target(%dma_start3A_36 : memref<64x512xi32, #tpu.memory_space<hbm>>) target_semaphore(%run_scoped3A : memref<!tpu.dma_semaphore, #tpu.memory_space<semaphore_mem>>)
      %dma_wait3A_37 = arith.constant 0 : i32
      %dma_wait3A_38 = tpu.memref_slice %arg7[%add3A_18, %dma_wait3A_37] : memref<4096x512xi32, #tpu.memory_space<hbm>> -> memref<64x512xi32, #tpu.memory_space<hbm>>
      %dma_wait3A_39 = arith.constant 0 : i32
      %dma_wait3A_40 = tpu.memref_slice %arg7[%add3A_18, %dma_wait3A_39] : memref<4096x512xi32, #tpu.memory_space<hbm>> -> memref<64x512xi32, #tpu.memory_space<hbm>>
      tpu.wait_dma2 semaphore(%run_scoped3A : memref<!tpu.dma_semaphore, #tpu.memory_space<semaphore_mem>>) src(%arg10 : memref<64x512xi32, #tpu.memory_space<vmem>>) dst(%dma_wait3A_40 : memref<64x512xi32, #tpu.memory_space<hbm>>)
      tpu.yield
    }) : () -> ()
    %add3A_25 = arith.constant 64 : i32
    %add3A_26 = arith.addi %mul3A_2, %add3A_25 : i32
    "tpu.region"() ({
      %run_scoped3A = tpu.sem_alloc : memref<!tpu.dma_semaphore, #tpu.memory_space<semaphore_mem>>
      %dma_start3A_33 = tpu.memref_slice %arg5[%add3A_26] : memref<4096xi32, #tpu.memory_space<hbm>> -> memref<64xi32, #tpu.memory_space<hbm>>
      %dma_start3A_34 = tpu.memref_slice %arg5[%add3A_26] : memref<4096xi32, #tpu.memory_space<hbm>> -> memref<64xi32, #tpu.memory_space<hbm>>
      tpu.enqueue_dma source(%dma_start3A_34 : memref<64xi32, #tpu.memory_space<hbm>>) target(%arg8 : memref<64xi32, #tpu.memory_space<vmem>>) target_semaphore(%run_scoped3A : memref<!tpu.dma_semaphore, #tpu.memory_space<semaphore_mem>>)
      %dma_wait3A_35 = tpu.memref_slice %arg5[%add3A_26] : memref<4096xi32, #tpu.memory_space<hbm>> -> memref<64xi32, #tpu.memory_space<hbm>>
      %dma_wait3A_36 = tpu.memref_slice %arg5[%add3A_26] : memref<4096xi32, #tpu.memory_space<hbm>> -> memref<64xi32, #tpu.memory_space<hbm>>
      tpu.wait_dma2 semaphore(%run_scoped3A : memref<!tpu.dma_semaphore, #tpu.memory_space<semaphore_mem>>) src(%dma_wait3A_36 : memref<64xi32, #tpu.memory_space<hbm>>) dst(%arg8 : memref<64xi32, #tpu.memory_space<vmem>>)
      tpu.yield
    }) : () -> ()
    %dma_start3A_27 = arith.constant 0 : i32
    %dma_start3A_28 = arith.constant 0 : i32
    %dma_start3A_29 = tpu.memref_slice %arg3[%dma_start3A_27, %dma_start3A_28] : memref<1001x512xi32, #tpu.memory_space<hbm>> -> memref<1001x512xi32, #tpu.memory_space<hbm>>
    tpu.enqueue_indirect_dma source(%dma_start3A_29 : memref<1001x512xi32, #tpu.memory_space<hbm>>) target(%arg10 : memref<64x512xi32, #tpu.memory_space<vmem>>) offsets(%arg8 : memref<64xi32, #tpu.memory_space<vmem>>) semaphore(%arg11 : memref<!tpu.dma_semaphore, #tpu.memory_space<semaphore_mem>>)
    %dma_wait3A_30 = arith.constant 0 : i32
    %dma_wait3A_31 = arith.constant 0 : i32
    %dma_wait3A_32 = tpu.memref_slice %arg3[%dma_wait3A_30, %dma_wait3A_31] : memref<1001x512xi32, #tpu.memory_space<hbm>> -> memref<1001x512xi32, #tpu.memory_space<hbm>>
    tpu.wait_indirect_dma semaphore(%arg11 : memref<!tpu.dma_semaphore, #tpu.memory_space<semaphore_mem>>) src(%dma_wait3A_32 : memref<1001x512xi32, #tpu.memory_space<hbm>>) dst(%arg10 : memref<64x512xi32, #tpu.memory_space<vmem>>)
    "tpu.region"() ({
      %run_scoped3A = tpu.sem_alloc : memref<!tpu.dma_semaphore, #tpu.memory_space<semaphore_mem>>
      %dma_start3A_33 = arith.constant 0 : i32
      %dma_start3A_34 = tpu.memref_slice %arg7[%add3A_26, %dma_start3A_33] : memref<4096x512xi32, #tpu.memory_space<hbm>> -> memref<64x512xi32, #tpu.memory_space<hbm>>
      %dma_start3A_35 = arith.constant 0 : i32
      %dma_start3A_36 = tpu.memref_slice %arg7[%add3A_26, %dma_start3A_35] : memref<4096x512xi32, #tpu.memory_space<hbm>> -> memref<64x512xi32, #tpu.memory_space<hbm>>
      tpu.enqueue_dma source(%arg10 : memref<64x512xi32, #tpu.memory_space<vmem>>) target(%dma_start3A_36 : memref<64x512xi32, #tpu.memory_space<hbm>>) target_semaphore(%run_scoped3A : memref<!tpu.dma_semaphore, #tpu.memory_space<semaphore_mem>>)
      %dma_wait3A_37 = arith.constant 0 : i32
      %dma_wait3A_38 = tpu.memref_slice %arg7[%add3A_26, %dma_wait3A_37] : memref<4096x512xi32, #tpu.memory_space<hbm>> -> memref<64x512xi32, #tpu.memory_space<hbm>>
      %dma_wait3A_39 = arith.constant 0 : i32
      %dma_wait3A_40 = tpu.memref_slice %arg7[%add3A_26, %dma_wait3A_39] : memref<4096x512xi32, #tpu.memory_space<hbm>> -> memref<64x512xi32, #tpu.memory_space<hbm>>
      tpu.wait_dma2 semaphore(%run_scoped3A : memref<!tpu.dma_semaphore, #tpu.memory_space<semaphore_mem>>) src(%arg10 : memref<64x512xi32, #tpu.memory_space<vmem>>) dst(%dma_wait3A_40 : memref<64x512xi32, #tpu.memory_space<hbm>>)
      tpu.yield
    }) : () -> ()
    return
  }
}

module attributes {stable_mosaic.version = 14 : i64} {
  func.func @_tc_partial_body(%arg0: i32, %arg1: memref<512x1024xf32, #tpu.memory_space<vmem>>, %arg2: memref<512x512xi32, #tpu.memory_space<vmem>>, %arg3: memref<2048x1024xbf16, #tpu.memory_space<vmem>>, %arg4: memref<1x1024xf32, #tpu.memory_space<vmem>>, %arg5: memref<1x1024xf32, #tpu.memory_space<vmem>>, %arg6: memref<1x1024xf32, #tpu.memory_space<vmem>>) attributes {dimension_semantics = [#tpu.dimension_semantics<arbitrary>], iteration_bounds = array<i64: 8>, scalar_prefetch = 0 : i64, scratch_operands = 1 : i64, tpu.core_type = #tpu.core_type<tc>, window_params = [{transform_indices = @transform_0, window_bounds = array<i64: 512, 1024>}, {transform_indices = @transform_1, window_bounds = array<i64: 512, 512>}, {pipeline_mode = #tpu.pipeline_mode<synchronous>, transform_indices = @transform_2, window_bounds = array<i64: 2048, 1024>}, {pipeline_mode = #tpu.pipeline_mode<synchronous>, transform_indices = @transform_3, window_bounds = array<i64: 1, 1024>}, {pipeline_mode = #tpu.pipeline_mode<synchronous>, transform_indices = @transform_4, window_bounds = array<i64: 1, 1024>}]} {
    %eq3A = arith.constant 0 : i32
    %eq3A_0 = arith.cmpi eq, %arg0, %eq3A : i32
    %convert_element_type3A = arith.extui %eq3A_0 : i1 to i32
    %cond3A = arith.constant 0 : i32
    %cond3A_1 = arith.cmpi ne, %convert_element_type3A, %cond3A : i32
    scf.if %cond3A_1 {
      %broadcast_in_dim3A_49 = arith.constant 0.000000e+00 : f32
      %broadcast_in_dim3A_50 = vector.broadcast %broadcast_in_dim3A_49 : f32 to vector<1x1024xf32>
      %swap3A_51 = arith.constant 0 : index
      %swap3A_52 = arith.constant 0 : index
      %swap3A_53 = vector.load %arg6[%swap3A_51, %swap3A_52] : memref<1x1024xf32, #tpu.memory_space<vmem>>, vector<1x1024xf32>
      tpu.vector_store %arg6[%swap3A_51, %swap3A_52], %broadcast_in_dim3A_50 {strides = array<i32>} : memref<1x1024xf32, #tpu.memory_space<vmem>>, vector<1x1024xf32>,
    } else {
    }
    %get3A = arith.constant 0 : index
    %get3A_2 = arith.constant 0 : index
    %get3A_3 = vector.load %arg2[%get3A, %get3A_2] : memref<512x512xi32, #tpu.memory_space<vmem>>, vector<512x512xi32>
    %shift_left3A = arith.constant 16 : i32
    %shift_left3A_4 = vector.broadcast %shift_left3A : i32 to vector<512x512xi32>
    %shift_left3A_5 = arith.shli %get3A_3, %shift_left3A_4 : vector<512x512xi32>
    %bitcast_convert_type3A = tpu.bitcast %shift_left3A_5 : vector<512x512xi32> -> vector<512x512xf32>
    %convert_element_type3A_6 = arith.truncf %bitcast_convert_type3A : vector<512x512xf32> to vector<512x512xbf16>
    %and3A = arith.constant -65536 : i32
    %and3A_7 = vector.broadcast %and3A : i32 to vector<512x512xi32>
    %and3A_8 = arith.andi %get3A_3, %and3A_7 : vector<512x512xi32>
    %bitcast_convert_type3A_9 = tpu.bitcast %and3A_8 : vector<512x512xi32> -> vector<512x512xf32>
    %convert_element_type3A_10 = arith.truncf %bitcast_convert_type3A_9 : vector<512x512xf32> to vector<512x512xbf16>
    %get3A_11 = arith.constant 0 : index
    %get3A_12 = arith.constant 0 : index
    %get3A_13 = vector.load %arg1[%get3A_11, %get3A_12] : memref<512x1024xf32, #tpu.memory_space<vmem>>, vector<512x1024xf32>
    %convert_element_type3A_14 = arith.truncf %get3A_13 : vector<512x1024xf32> to vector<512x1024xbf16>
    %get3A_15 = arith.constant 0 : index
    %get3A_16 = arith.constant 0 : index
    %get3A_17 = vector.load %arg3[%get3A_15, %get3A_16] : memref<2048x1024xbf16, #tpu.memory_space<vmem>>, vector<1024x1024xbf16>
    %dot_general3A = arith.constant dense<0.000000e+00> : vector<512x1024xf32>
    %dot_general3A_18 = tpu.matmul %convert_element_type3A_14, %get3A_17, %dot_general3A {dimension_numbers = #tpu.dot_dimension_numbers<[1], [0], [0], [1], [0, 0, 1, 1], [], []>, transpose_lhs_hint = false} : vector<512x1024xbf16>, vector<1024x1024xbf16>, vector<512x1024xf32> -> vector<512x1024xf32>
    %get3A_19 = arith.constant 1024 : index
    %get3A_20 = arith.constant 0 : index
    %get3A_21 = vector.load %arg3[%get3A_19, %get3A_20] : memref<2048x1024xbf16, #tpu.memory_space<vmem>>, vector<512x1024xbf16>
    %dot_general3A_22 = arith.constant dense<0.000000e+00> : vector<512x1024xf32>
    %dot_general3A_23 = tpu.matmul %convert_element_type3A_6, %get3A_21, %dot_general3A_22 {dimension_numbers = #tpu.dot_dimension_numbers<[1], [0], [0], [1], [0, 0, 1, 1], [], []>, transpose_lhs_hint = false} : vector<512x512xbf16>, vector<512x1024xbf16>, vector<512x1024xf32> -> vector<512x1024xf32>
    %add3A = arith.addf %dot_general3A_18, %dot_general3A_23 : vector<512x1024xf32>
    %get3A_24 = arith.constant 1536 : index
    %get3A_25 = arith.constant 0 : index
    %get3A_26 = vector.load %arg3[%get3A_24, %get3A_25] : memref<2048x1024xbf16, #tpu.memory_space<vmem>>, vector<512x1024xbf16>
    %dot_general3A_27 = arith.constant dense<0.000000e+00> : vector<512x1024xf32>
    %dot_general3A_28 = tpu.matmul %convert_element_type3A_10, %get3A_26, %dot_general3A_27 {dimension_numbers = #tpu.dot_dimension_numbers<[1], [0], [0], [1], [0, 0, 1, 1], [], []>, transpose_lhs_hint = false} : vector<512x512xbf16>, vector<512x1024xbf16>, vector<512x1024xf32> -> vector<512x1024xf32>
    %add3A_29 = arith.addf %add3A, %dot_general3A_28 : vector<512x1024xf32>
    %get3A_30 = arith.constant 0 : index
    %get3A_31 = arith.constant 0 : index
    %get3A_32 = vector.load %arg4[%get3A_30, %get3A_31] : memref<1x1024xf32, #tpu.memory_space<vmem>>, vector<1x1024xf32>
    %add3A_33 = vector.broadcast %get3A_32 : vector<1x1024xf32> to vector<512x1024xf32>
    %add3A_34 = arith.addf %add3A_29, %add3A_33 : vector<512x1024xf32>
    %max3A = arith.constant 0.000000e+00 : f32
    %max3A_35 = vector.broadcast %max3A : f32 to vector<512x1024xf32>
    %max3A_36 = arith.maximumf %add3A_34, %max3A_35 : vector<512x1024xf32>
    %get3A_37 = arith.constant 0 : index
    %get3A_38 = arith.constant 0 : index
    %get3A_39 = vector.load %arg6[%get3A_37, %get3A_38] : memref<1x1024xf32, #tpu.memory_space<vmem>>, vector<1x1024xf32>
    %reduce_sum3A = arith.constant dense<0.000000e+00> : vector<1024xf32>
    %reduce_sum3A_40 = vector.multi_reduction <add>, %max3A_36, %reduce_sum3A [0] : vector<512x1024xf32> to vector<1024xf32>
    %broadcast_in_dim3A = vector.shape_cast %reduce_sum3A_40 : vector<1024xf32> to vector<1x1024xf32>
    %add3A_41 = arith.addf %get3A_39, %broadcast_in_dim3A : vector<1x1024xf32>
    %swap3A = arith.constant 0 : index
    %swap3A_42 = arith.constant 0 : index
    %swap3A_43 = vector.load %arg6[%swap3A, %swap3A_42] : memref<1x1024xf32, #tpu.memory_space<vmem>>, vector<1x1024xf32>
    tpu.vector_store %arg6[%swap3A, %swap3A_42], %add3A_41 {strides = array<i32>} : memref<1x1024xf32, #tpu.memory_space<vmem>>, vector<1x1024xf32>,
    %eq3A_44 = arith.constant 7 : i32
    %eq3A_45 = arith.cmpi eq, %arg0, %eq3A_44 : i32
    %convert_element_type3A_46 = arith.extui %eq3A_45 : i1 to i32
    %cond3A_47 = arith.constant 0 : i32
    %cond3A_48 = arith.cmpi ne, %convert_element_type3A_46, %cond3A_47 : i32
    scf.if %cond3A_48 {
      %get3A_49 = arith.constant 0 : index
      %get3A_50 = arith.constant 0 : index
      %get3A_51 = vector.load %arg6[%get3A_49, %get3A_50] : memref<1x1024xf32, #tpu.memory_space<vmem>>, vector<1x1024xf32>
      %swap3A_52 = arith.constant 0 : index
      %swap3A_53 = arith.constant 0 : index
      %swap3A_54 = vector.load %arg5[%swap3A_52, %swap3A_53] : memref<1x1024xf32, #tpu.memory_space<vmem>>, vector<1x1024xf32>
      tpu.vector_store %arg5[%swap3A_52, %swap3A_53], %get3A_51 {strides = array<i32>} : memref<1x1024xf32, #tpu.memory_space<vmem>>, vector<1x1024xf32>,
    } else {
    }
    return
  }
  func.func @transform_0(%arg0: i32) -> (i32, i32) {
    %c0_i32 = arith.constant 0 : i32
    %c0_i32_0 = arith.constant 0 : i32
    return %arg0, %c0_i32 : i32, i32
  }
  func.func @transform_1(%arg0: i32) -> (i32, i32) {
    %c0_i32 = arith.constant 0 : i32
    %c0_i32_0 = arith.constant 0 : i32
    return %arg0, %c0_i32 : i32, i32
  }
  func.func @transform_2(%arg0: i32) -> (i32, i32) {
    %c0_i32 = arith.constant 0 : i32
    %c0_i32_0 = arith.constant 0 : i32
    %c0_i32_1 = arith.constant 0 : i32
    return %c0_i32, %c0_i32_0 : i32, i32
  }
  func.func @transform_3(%arg0: i32) -> (i32, i32) {
    %c0_i32 = arith.constant 0 : i32
    %c0_i32_0 = arith.constant 0 : i32
    %c0_i32_1 = arith.constant 0 : i32
    return %c0_i32, %c0_i32_0 : i32, i32
  }
  func.func @transform_4(%arg0: i32) -> (i32, i32) {
    %c0_i32 = arith.constant 0 : i32
    %c0_i32_0 = arith.constant 0 : i32
    %c0_i32_1 = arith.constant 0 : i32
    return %c0_i32, %c0_i32_0 : i32, i32
  }
}

module attributes {stable_mosaic.version = 14 : i64} {
  func.func @_tc_final_body(%arg0: memref<4x1024xf32, #tpu.memory_space<vmem>>, %arg1: memref<1024x1024xf32, #tpu.memory_space<vmem>>, %arg2: memref<1x1024xf32, #tpu.memory_space<vmem>>, %arg3: memref<8x1024xf32, #tpu.memory_space<vmem>>, %arg4: memref<1x1024xf32, #tpu.memory_space<vmem>>, %arg5: memref<1x8xf32, #tpu.memory_space<vmem>>, %arg6: memref<1x8xf32, #tpu.memory_space<vmem>>, %arg7: memref<1x8xf32, #tpu.memory_space<vmem>>) attributes {dimension_semantics = [], scalar_prefetch = 0 : i64, scratch_operands = 0 : i64, tpu.core_type = #tpu.core_type<tc>} {
    %get3A = arith.constant 0 : index
    %get3A_0 = arith.constant 0 : index
    %get3A_1 = vector.load %arg0[%get3A, %get3A_0] : memref<4x1024xf32, #tpu.memory_space<vmem>>, vector<4x1024xf32>
    %reduce_sum3A = arith.constant dense<0.000000e+00> : vector<1024xf32>
    %reduce_sum3A_2 = vector.multi_reduction <add>, %get3A_1, %reduce_sum3A [0] : vector<4x1024xf32> to vector<1024xf32>
    %broadcast_in_dim3A = vector.shape_cast %reduce_sum3A_2 : vector<1024xf32> to vector<1x1024xf32>
    %mul3A = arith.constant 6.10351563E-5 : f32
    %mul3A_3 = vector.broadcast %mul3A : f32 to vector<1x1024xf32>
    %mul3A_4 = arith.mulf %broadcast_in_dim3A, %mul3A_3 : vector<1x1024xf32>
    %get3A_5 = arith.constant 0 : index
    %get3A_6 = arith.constant 0 : index
    %get3A_7 = vector.load %arg1[%get3A_5, %get3A_6] : memref<1024x1024xf32, #tpu.memory_space<vmem>>, vector<1024x1024xf32>
    %dot_general3A = arith.constant dense<0.000000e+00> : vector<1x1024xf32>
    %dot_general3A_8 = tpu.matmul %mul3A_4, %get3A_7, %dot_general3A {dimension_numbers = #tpu.dot_dimension_numbers<[1], [0], [0], [1], [0, 0, 1, 1], [], []>, transpose_lhs_hint = false} : vector<1x1024xf32>, vector<1024x1024xf32>, vector<1x1024xf32> -> vector<1x1024xf32>
    %get3A_9 = arith.constant 0 : index
    %get3A_10 = arith.constant 0 : index
    %get3A_11 = vector.load %arg2[%get3A_9, %get3A_10] : memref<1x1024xf32, #tpu.memory_space<vmem>>, vector<1x1024xf32>
    %add3A = arith.addf %dot_general3A_8, %get3A_11 : vector<1x1024xf32>
    %get3A_12 = arith.constant 0 : index
    %get3A_13 = arith.constant 0 : index
    %get3A_14 = vector.load %arg3[%get3A_12, %get3A_13] : memref<8x1024xf32, #tpu.memory_space<vmem>>, vector<8x1024xf32>
    %dot_general3A_15 = arith.constant dense<0.000000e+00> : vector<1x8xf32>
    %dot_general3A_16 = tpu.matmul %add3A, %get3A_14, %dot_general3A_15 {dimension_numbers = #tpu.dot_dimension_numbers<[1], [1], [0], [0], [0, 0, 1, 0], [], []>, transpose_lhs_hint = false} : vector<1x1024xf32>, vector<8x1024xf32>, vector<1x8xf32> -> vector<1x8xf32>
    %get3A_17 = arith.constant 0 : index
    %get3A_18 = arith.constant 0 : index
    %get3A_19 = vector.load %arg4[%get3A_17, %get3A_18] : memref<1x1024xf32, #tpu.memory_space<vmem>>, vector<1x1024xf32>
    %mul3A_20 = arith.mulf %add3A, %get3A_19 : vector<1x1024xf32>
    %reduce_sum3A_21 = vector.shape_cast %mul3A_20 : vector<1x1024xf32> to vector<1x1x1024xf32>
    %reduce_sum3A_22 = arith.constant dense<0.000000e+00> : vector<1xf32>
    %reduce_sum3A_23 = vector.multi_reduction <add>, %reduce_sum3A_21, %reduce_sum3A_22 [1, 2] : vector<1x1x1024xf32> to vector<1xf32>
    %reduce_sum3A_24 = vector.shape_cast %reduce_sum3A_23 : vector<1xf32> to vector<1x1x1xf32>
    %reduce_sum3A_25 = vector.extract %reduce_sum3A_24[0, 0, 0] : f32 from vector<1x1x1xf32>
    %max3A = arith.constant 0.000000e+00 : f32
    %max3A_26 = arith.maximumf %reduce_sum3A_25, %max3A : f32
    %abs3A = math.absf %reduce_sum3A_25 : f32
    %neg3A = arith.constant 0.000000e+00 : f32
    %neg3A_27 = arith.subf %neg3A, %abs3A : f32
    %exp3A = math.exp %neg3A_27 : f32
    %log1p3A = math.log1p %exp3A : f32
    %add3A_28 = arith.addf %max3A_26, %log1p3A : f32
    %get3A_29 = arith.constant 0 : index
    %get3A_30 = arith.constant 0 : index
    %get3A_31 = vector.load %arg5[%get3A_29, %get3A_30] : memref<1x8xf32, #tpu.memory_space<vmem>>, vector<1x8xf32>
    %mul3A_32 = vector.broadcast %add3A_28 : f32 to vector<1x8xf32>
    %mul3A_33 = arith.mulf %get3A_31, %mul3A_32 : vector<1x8xf32>
    %add3A_34 = arith.addf %dot_general3A_16, %mul3A_33 : vector<1x8xf32>
    %iota3A = tpu.iota {dimensions = array<i32: 1>} : vector<1x8xi32>
    %broadcast_in_dim3A_35 = arith.constant 0 : i32
    %broadcast_in_dim3A_36 = vector.broadcast %broadcast_in_dim3A_35 : i32 to vector<1x8xi32>
    %slice3A = vector.extract_strided_slice %add3A_34 {offsets = [0, 0], sizes = [1, 1], strides = [1, 1]} : vector<1x8xf32> to vector<1x1xf32>
    %squeeze3A = vector.extract %slice3A[0, 0] : f32 from vector<1x1xf32>
    %gt3A = vector.broadcast %squeeze3A : f32 to vector<1x8xf32>
    %gt3A_37 = arith.cmpf ogt, %gt3A, %add3A_34 : vector<1x8xf32>
    %eq3A = vector.broadcast %squeeze3A : f32 to vector<1x8xf32>
    %eq3A_38 = arith.cmpf oeq, %eq3A, %add3A_34 : vector<1x8xf32>
    %gt3A_39 = arith.constant 0 : i32
    %gt3A_40 = vector.broadcast %gt3A_39 : i32 to vector<1x8xi32>
    %gt3A_41 = arith.cmpi sgt, %iota3A, %gt3A_40 : vector<1x8xi32>
    %and3A = arith.andi %eq3A_38, %gt3A_41 : vector<1x8xi1>
    %or3A = arith.ori %gt3A_37, %and3A : vector<1x8xi1>
    %convert_element_type3A = arith.extui %or3A : vector<1x8xi1> to vector<1x8xi32>
    %add3A_42 = arith.addi %broadcast_in_dim3A_36, %convert_element_type3A : vector<1x8xi32>
    %slice3A_43 = vector.extract_strided_slice %add3A_34 {offsets = [0, 1], sizes = [1, 1], strides = [1, 1]} : vector<1x8xf32> to vector<1x1xf32>
    %squeeze3A_44 = vector.extract %slice3A_43[0, 0] : f32 from vector<1x1xf32>
    %gt3A_45 = vector.broadcast %squeeze3A_44 : f32 to vector<1x8xf32>
    %gt3A_46 = arith.cmpf ogt, %gt3A_45, %add3A_34 : vector<1x8xf32>
    %eq3A_47 = vector.broadcast %squeeze3A_44 : f32 to vector<1x8xf32>
    %eq3A_48 = arith.cmpf oeq, %eq3A_47, %add3A_34 : vector<1x8xf32>
    %gt3A_49 = arith.constant 1 : i32
    %gt3A_50 = vector.broadcast %gt3A_49 : i32 to vector<1x8xi32>
    %gt3A_51 = arith.cmpi sgt, %iota3A, %gt3A_50 : vector<1x8xi32>
    %and3A_52 = arith.andi %eq3A_48, %gt3A_51 : vector<1x8xi1>
    %or3A_53 = arith.ori %gt3A_46, %and3A_52 : vector<1x8xi1>
    %convert_element_type3A_54 = arith.extui %or3A_53 : vector<1x8xi1> to vector<1x8xi32>
    %add3A_55 = arith.addi %add3A_42, %convert_element_type3A_54 : vector<1x8xi32>
    %slice3A_56 = vector.extract_strided_slice %add3A_34 {offsets = [0, 2], sizes = [1, 1], strides = [1, 1]} : vector<1x8xf32> to vector<1x1xf32>
    %squeeze3A_57 = vector.extract %slice3A_56[0, 0] : f32 from vector<1x1xf32>
    %gt3A_58 = vector.broadcast %squeeze3A_57 : f32 to vector<1x8xf32>
    %gt3A_59 = arith.cmpf ogt, %gt3A_58, %add3A_34 : vector<1x8xf32>
    %eq3A_60 = vector.broadcast %squeeze3A_57 : f32 to vector<1x8xf32>
    %eq3A_61 = arith.cmpf oeq, %eq3A_60, %add3A_34 : vector<1x8xf32>
    %gt3A_62 = arith.constant 2 : i32
    %gt3A_63 = vector.broadcast %gt3A_62 : i32 to vector<1x8xi32>
    %gt3A_64 = arith.cmpi sgt, %iota3A, %gt3A_63 : vector<1x8xi32>
    %and3A_65 = arith.andi %eq3A_61, %gt3A_64 : vector<1x8xi1>
    %or3A_66 = arith.ori %gt3A_59, %and3A_65 : vector<1x8xi1>
    %convert_element_type3A_67 = arith.extui %or3A_66 : vector<1x8xi1> to vector<1x8xi32>
    %add3A_68 = arith.addi %add3A_55, %convert_element_type3A_67 : vector<1x8xi32>
    %slice3A_69 = vector.extract_strided_slice %add3A_34 {offsets = [0, 3], sizes = [1, 1], strides = [1, 1]} : vector<1x8xf32> to vector<1x1xf32>
    %squeeze3A_70 = vector.extract %slice3A_69[0, 0] : f32 from vector<1x1xf32>
    %gt3A_71 = vector.broadcast %squeeze3A_70 : f32 to vector<1x8xf32>
    %gt3A_72 = arith.cmpf ogt, %gt3A_71, %add3A_34 : vector<1x8xf32>
    %eq3A_73 = vector.broadcast %squeeze3A_70 : f32 to vector<1x8xf32>
    %eq3A_74 = arith.cmpf oeq, %eq3A_73, %add3A_34 : vector<1x8xf32>
    %gt3A_75 = arith.constant 3 : i32
    %gt3A_76 = vector.broadcast %gt3A_75 : i32 to vector<1x8xi32>
    %gt3A_77 = arith.cmpi sgt, %iota3A, %gt3A_76 : vector<1x8xi32>
    %and3A_78 = arith.andi %eq3A_74, %gt3A_77 : vector<1x8xi1>
    %or3A_79 = arith.ori %gt3A_72, %and3A_78 : vector<1x8xi1>
    %convert_element_type3A_80 = arith.extui %or3A_79 : vector<1x8xi1> to vector<1x8xi32>
    %add3A_81 = arith.addi %add3A_68, %convert_element_type3A_80 : vector<1x8xi32>
    %slice3A_82 = vector.extract_strided_slice %add3A_34 {offsets = [0, 4], sizes = [1, 1], strides = [1, 1]} : vector<1x8xf32> to vector<1x1xf32>
    %squeeze3A_83 = vector.extract %slice3A_82[0, 0] : f32 from vector<1x1xf32>
    %gt3A_84 = vector.broadcast %squeeze3A_83 : f32 to vector<1x8xf32>
    %gt3A_85 = arith.cmpf ogt, %gt3A_84, %add3A_34 : vector<1x8xf32>
    %eq3A_86 = vector.broadcast %squeeze3A_83 : f32 to vector<1x8xf32>
    %eq3A_87 = arith.cmpf oeq, %eq3A_86, %add3A_34 : vector<1x8xf32>
    %gt3A_88 = arith.constant 4 : i32
    %gt3A_89 = vector.broadcast %gt3A_88 : i32 to vector<1x8xi32>
    %gt3A_90 = arith.cmpi sgt, %iota3A, %gt3A_89 : vector<1x8xi32>
    %and3A_91 = arith.andi %eq3A_87, %gt3A_90 : vector<1x8xi1>
    %or3A_92 = arith.ori %gt3A_85, %and3A_91 : vector<1x8xi1>
    %convert_element_type3A_93 = arith.extui %or3A_92 : vector<1x8xi1> to vector<1x8xi32>
    %add3A_94 = arith.addi %add3A_81, %convert_element_type3A_93 : vector<1x8xi32>
    %slice3A_95 = vector.extract_strided_slice %add3A_34 {offsets = [0, 5], sizes = [1, 1], strides = [1, 1]} : vector<1x8xf32> to vector<1x1xf32>
    %squeeze3A_96 = vector.extract %slice3A_95[0, 0] : f32 from vector<1x1xf32>
    %gt3A_97 = vector.broadcast %squeeze3A_96 : f32 to vector<1x8xf32>
    %gt3A_98 = arith.cmpf ogt, %gt3A_97, %add3A_34 : vector<1x8xf32>
    %eq3A_99 = vector.broadcast %squeeze3A_96 : f32 to vector<1x8xf32>
    %eq3A_100 = arith.cmpf oeq, %eq3A_99, %add3A_34 : vector<1x8xf32>
    %gt3A_101 = arith.constant 5 : i32
    %gt3A_102 = vector.broadcast %gt3A_101 : i32 to vector<1x8xi32>
    %gt3A_103 = arith.cmpi sgt, %iota3A, %gt3A_102 : vector<1x8xi32>
    %and3A_104 = arith.andi %eq3A_100, %gt3A_103 : vector<1x8xi1>
    %or3A_105 = arith.ori %gt3A_98, %and3A_104 : vector<1x8xi1>
    %convert_element_type3A_106 = arith.extui %or3A_105 : vector<1x8xi1> to vector<1x8xi32>
    %add3A_107 = arith.addi %add3A_94, %convert_element_type3A_106 : vector<1x8xi32>
    %slice3A_108 = vector.extract_strided_slice %add3A_34 {offsets = [0, 6], sizes = [1, 1], strides = [1, 1]} : vector<1x8xf32> to vector<1x1xf32>
    %squeeze3A_109 = vector.extract %slice3A_108[0, 0] : f32 from vector<1x1xf32>
    %gt3A_110 = vector.broadcast %squeeze3A_109 : f32 to vector<1x8xf32>
    %gt3A_111 = arith.cmpf ogt, %gt3A_110, %add3A_34 : vector<1x8xf32>
    %eq3A_112 = vector.broadcast %squeeze3A_109 : f32 to vector<1x8xf32>
    %eq3A_113 = arith.cmpf oeq, %eq3A_112, %add3A_34 : vector<1x8xf32>
    %gt3A_114 = arith.constant 6 : i32
    %gt3A_115 = vector.broadcast %gt3A_114 : i32 to vector<1x8xi32>
    %gt3A_116 = arith.cmpi sgt, %iota3A, %gt3A_115 : vector<1x8xi32>
    %and3A_117 = arith.andi %eq3A_113, %gt3A_116 : vector<1x8xi1>
    %or3A_118 = arith.ori %gt3A_111, %and3A_117 : vector<1x8xi1>
    %convert_element_type3A_119 = arith.extui %or3A_118 : vector<1x8xi1> to vector<1x8xi32>
    %add3A_120 = arith.addi %add3A_107, %convert_element_type3A_119 : vector<1x8xi32>
    %slice3A_121 = vector.extract_strided_slice %add3A_34 {offsets = [0, 7], sizes = [1, 1], strides = [1, 1]} : vector<1x8xf32> to vector<1x1xf32>
    %squeeze3A_122 = vector.extract %slice3A_121[0, 0] : f32 from vector<1x1xf32>
    %gt3A_123 = vector.broadcast %squeeze3A_122 : f32 to vector<1x8xf32>
    %gt3A_124 = arith.cmpf ogt, %gt3A_123, %add3A_34 : vector<1x8xf32>
    %eq3A_125 = vector.broadcast %squeeze3A_122 : f32 to vector<1x8xf32>
    %eq3A_126 = arith.cmpf oeq, %eq3A_125, %add3A_34 : vector<1x8xf32>
    %gt3A_127 = arith.constant 7 : i32
    %gt3A_128 = vector.broadcast %gt3A_127 : i32 to vector<1x8xi32>
    %gt3A_129 = arith.cmpi sgt, %iota3A, %gt3A_128 : vector<1x8xi32>
    %and3A_130 = arith.andi %eq3A_126, %gt3A_129 : vector<1x8xi1>
    %or3A_131 = arith.ori %gt3A_124, %and3A_130 : vector<1x8xi1>
    %convert_element_type3A_132 = arith.extui %or3A_131 : vector<1x8xi1> to vector<1x8xi32>
    %add3A_133 = arith.addi %add3A_120, %convert_element_type3A_132 : vector<1x8xi32>
    %lt3A = arith.constant 4 : i32
    %lt3A_134 = vector.broadcast %lt3A : i32 to vector<1x8xi32>
    %lt3A_135 = arith.cmpi slt, %add3A_133, %lt3A_134 : vector<1x8xi32>
    %jit3A = arith.constant -1.000000e+30 : f32
    %broadcast_in_dim3A_136 = vector.broadcast %jit3A : f32 to vector<1x8xf32>
    %select_n3A = arith.select %lt3A_135, %add3A_34, %broadcast_in_dim3A_136 : vector<1x8xi1>, vector<1x8xf32>
    %reduce_max3A = vector.shape_cast %select_n3A : vector<1x8xf32> to vector<1x1x8xf32>
    %reduce_max3A_137 = arith.constant dense<0xFF800000> : vector<1xf32>
    %reduce_max3A_138 = vector.multi_reduction <maximumf>, %reduce_max3A, %reduce_max3A_137 [1, 2] : vector<1x1x8xf32> to vector<1xf32>
    %reduce_max3A_139 = vector.shape_cast %reduce_max3A_138 : vector<1xf32> to vector<1x1x1xf32>
    %reduce_max3A_140 = vector.extract %reduce_max3A_139[0, 0, 0] : f32 from vector<1x1x1xf32>
    %sub3A = vector.broadcast %reduce_max3A_140 : f32 to vector<1x8xf32>
    %sub3A_141 = arith.subf %add3A_34, %sub3A : vector<1x8xf32>
    %exp3A_142 = math.exp %sub3A_141 : vector<1x8xf32>
    %jit3A_143 = arith.constant 0.000000e+00 : f32
    %broadcast_in_dim3A_144 = vector.broadcast %jit3A_143 : f32 to vector<1x8xf32>
    %select_n3A_145 = arith.select %lt3A_135, %exp3A_142, %broadcast_in_dim3A_144 : vector<1x8xi1>, vector<1x8xf32>
    %reduce_sum3A_146 = vector.shape_cast %select_n3A_145 : vector<1x8xf32> to vector<1x1x8xf32>
    %reduce_sum3A_147 = arith.constant dense<0.000000e+00> : vector<1xf32>
    %reduce_sum3A_148 = vector.multi_reduction <add>, %reduce_sum3A_146, %reduce_sum3A_147 [1, 2] : vector<1x1x8xf32> to vector<1xf32>
    %reduce_sum3A_149 = vector.shape_cast %reduce_sum3A_148 : vector<1xf32> to vector<1x1x1xf32>
    %reduce_sum3A_150 = vector.extract %reduce_sum3A_149[0, 0, 0] : f32 from vector<1x1x1xf32>
    %div3A = vector.broadcast %reduce_sum3A_150 : f32 to vector<1x8xf32>
    %div3A_151 = arith.divf %select_n3A_145, %div3A : vector<1x8xf32>
    %swap3A = arith.constant 0 : index
    %swap3A_152 = arith.constant 0 : index
    %swap3A_153 = vector.load %arg6[%swap3A, %swap3A_152] : memref<1x8xf32, #tpu.memory_space<vmem>>, vector<1x8xf32>
    tpu.vector_store %arg6[%swap3A, %swap3A_152], %div3A_151 {strides = array<i32>} : memref<1x8xf32, #tpu.memory_space<vmem>>, vector<1x8xf32>,
    %swap3A_154 = arith.constant 0 : index
    %swap3A_155 = arith.constant 0 : index
    %swap3A_156 = vector.load %arg7[%swap3A_154, %swap3A_155] : memref<1x8xf32, #tpu.memory_space<vmem>>, vector<1x8xf32>
    tpu.vector_store %arg7[%swap3A_154, %swap3A_155], %add3A_34 {strides = array<i32>} : memref<1x8xf32, #tpu.memory_space<vmem>>, vector<1x8xf32>,
    return
  }
}

module attributes {stable_mosaic.version = 14 : i64} {
  func.func @_pack_body(%arg0: i32, %arg1: memref<128x1024xf32, #tpu.memory_space<vmem>>, %arg2: memref<128x512xi32, #tpu.memory_space<vmem>>) attributes {dimension_semantics = [#tpu.dimension_semantics<arbitrary>], iteration_bounds = array<i64: 8>, scalar_prefetch = 0 : i64, scratch_operands = 0 : i64, tpu.core_type = #tpu.core_type<tc>, window_params = [{transform_indices = @transform_0, window_bounds = array<i64: 128, 1024>}, {transform_indices = @transform_1, window_bounds = array<i64: 128, 512>}]} {
    %get3A = arith.constant 0 : index
    %get3A_0 = arith.constant 0 : index
    %get3A_1 = vector.load %arg1[%get3A, %get3A_0] : memref<128x1024xf32, #tpu.memory_space<vmem>>, vector<128x512xf32>
    %convert_element_type3A = arith.truncf %get3A_1 : vector<128x512xf32> to vector<128x512xbf16>
    %convert_element_type3A_2 = arith.extf %convert_element_type3A : vector<128x512xbf16> to vector<128x512xf32>
    %get3A_3 = arith.constant 0 : index
    %get3A_4 = arith.constant 512 : index
    %get3A_5 = vector.load %arg1[%get3A_3, %get3A_4] : memref<128x1024xf32, #tpu.memory_space<vmem>>, vector<128x512xf32>
    %convert_element_type3A_6 = arith.truncf %get3A_5 : vector<128x512xf32> to vector<128x512xbf16>
    %convert_element_type3A_7 = arith.extf %convert_element_type3A_6 : vector<128x512xbf16> to vector<128x512xf32>
    %bitcast_convert_type3A = tpu.bitcast %convert_element_type3A_2 : vector<128x512xf32> -> vector<128x512xi32>
    %bitcast_convert_type3A_8 = tpu.bitcast %convert_element_type3A_7 : vector<128x512xf32> -> vector<128x512xi32>
    %shift_right_logical3A = arith.constant 16 : i32
    %shift_right_logical3A_9 = vector.broadcast %shift_right_logical3A : i32 to vector<128x512xi32>
    %shift_right_logical3A_10 = arith.shrui %bitcast_convert_type3A, %shift_right_logical3A_9 : vector<128x512xi32>
    %and3A = arith.constant -65536 : i32
    %and3A_11 = vector.broadcast %and3A : i32 to vector<128x512xi32>
    %and3A_12 = arith.andi %bitcast_convert_type3A_8, %and3A_11 : vector<128x512xi32>
    %or3A = arith.ori %shift_right_logical3A_10, %and3A_12 : vector<128x512xi32>
    %swap3A = arith.constant 0 : index
    %swap3A_13 = arith.constant 0 : index
    %swap3A_14 = vector.load %arg2[%swap3A, %swap3A_13] : memref<128x512xi32, #tpu.memory_space<vmem>>, vector<128x512xi32>
    tpu.vector_store %arg2[%swap3A, %swap3A_13], %or3A {strides = array<i32>} : memref<128x512xi32, #tpu.memory_space<vmem>>, vector<128x512xi32>,
    return
  }
  func.func @transform_0(%arg0: i32) -> (i32, i32) {
    %c0_i32 = arith.constant 0 : i32
    %c0_i32_0 = arith.constant 0 : i32
    return %arg0, %c0_i32 : i32, i32
  }
  func.func @transform_1(%arg0: i32) -> (i32, i32) {
    %c0_i32 = arith.constant 0 : i32
    %c0_i32_0 = arith.constant 0 : i32
    return %arg0, %c0_i32 : i32, i32
  }
}

</mosaic_0001>

<sc_bundles>
// kernel: kernel.12.cloned.1.call-start
scs
__scs_entry_jumppad:
0x0: {  	(pc) =	sbr.rel $0x88, $3  }
0x1: {  	(tag) =	ssettag $0x0;
	lr =	simm.s32 $0x1  }
0x2: {  	[smem:$0x3F96] =	sst lr;
	_ =	strace $0xD0000000  }
0x3: {  	_ = 	snop  }
0x4: {  	_ = 	snop  }
0x5: {  	_ = 	snop  }
0x6: {  	_ = 	snop  }
0x7: {  	_ = 	snop  }
__scs_overlays_trampoline_lowered:
0x8: {  	[smem:$0x3FA5] =	sst s0  }
0x9: {  	[smem:$0x3FA6] =	sst s1  }
0xa: {  	[smem:$0x3FA7] =	sst s2  }
0xb: {  	[smem:$0x3FA8] =	sst s3  }
0xc: {  	[smem:$0x3FA9] =	sst s4  }
0xd: {  	[smem:$0x3FAA] =	sst s5  }
0xe: {  	[smem:$0x3FAB] =	sst s6  }
0xf: {  	[smem:$0x3FAC] =	sst s7  }
0x10: {  	[smem:$0x3FAD] =	sst s8  }
0x11: {  	[smem:$0x3FAE] =	sst s9;
	s0 =	simm.s32 @!p0 $0x0  }
0x12: {  	s1 =	sld [smem:$0x3F94];
	s0 =	simm.s32 @p0 $0x1  }
0x13: {  	[smem:$0x3FAF] =	sst s0;
	s0 =	simm.s32 @!p1 $0x0  }
0x14: {  	s2 =	sld [smem:$0x3F93];
	s0 =	simm.s32 @p1 $0x1  }
0x15: {  	[smem:$0x3FB0] =	sst s0;
	s0 =	simm.s32 @!p2 $0x0  }
0x16: {  	s3 =	sld [smem:$0x3FDB];
	s0 =	simm.s32 @p2 $0x1  }
0x17: {  	s4 =	simm.s32 $0x1BF5;
	[smem:$0x3FB2] =	sst s0  }
0x18: {  	s0 =	sld [smem:$0x3F95];
	_ =	swait.ge [sflag:s4], $0x0  }
0x19: {  	s7 =	sld [smem:$0x3F96]  }
0x1a: {  	s8 =	sadd.s32 $0xFFFFE003, lr  }
0x1b: {  	s9 =	sadd.s32 $0xFFFFFEF7, lr;
	s5 =	simm.s32 $0xFFFFFFFF;
	p2 =	slt.u32 s8, $0xFFFFF086  }
0x1c: {  	p1 =	slt.u32 s9, $0xF7A;
	s5 =	simm.s32 @!p2 $0x0  }
0x1d: {  	s5 =	simm.s32 @p1 $0x1;
	p0 =	seq.s32 s7, s2  }
0x1e: {  	s7 =	smul.u32 @!p0 $0xF7A, s2;
	p2 =	seq.s32 @!p0 s5, $0x0  }
0x1f: {  	s9 =	smul.u32 $0xF7A, s1;
	s8 =	simm.s32 @!p0 $0x1BF5;
	p2 =	por !p2, p0  }
0x20: {  	[sflag:s8] =	ssyncset.s32 @!p0 $0xFFFFF086;
	s6 =	sadd.s32 @!p0 s3, s7;
	s7 =	simm.s32 @!p0 $0x108  }
0x21: {  	s3 =	sadd.s32 s3, s9;
	s6 =	sadd.s32 @!p0 $0x88, s6;
	s7 =	simm.s32 @p2 $0x1082  }
0x22: {  	[simem:s7], [sflag:s8] =	dma.local @!p0 [hbm:s6], $0xF7A  }
0x23: {  	s9 =	sor.u32 $0xD0000000, s2;
	s6 =	simm.s32 $0x108;
	_ =	swait.ge @!p0 [sflag:s8], $0x0  }
0x24: {  	s3 =	sadd.s32 $0x88, s3;
	s6 =	simm.s32 @!p1 $0x1082;
	[sflag:s4] =	ssyncset.s32 $0xFFFFF086  }
0x25: {  	[simem:s6], [sflag:s4] =	dma.local [hbm:s3], $0xF7A  }
0x26: {  	[smem:$0x3F96] =	sst s1;
	(tag) =	ssettag s2;
	_ =	strace s9  }
0x27: {  	s1 =	sld [smem:$0x3FA6]  }
0x28: {  	s2 =	sld [smem:$0x3FA7]  }
0x29: {  	s4 =	sld [smem:$0x3FA9]  }
0x2a: {  	p0 =	seq.s32 s5, $0x0;
	s5 =	sld [smem:$0x3FAA]  }
0x2b: {  	s6 =	sld [smem:$0x3FAB]  }
0x2c: {  	s7 =	sld [smem:$0x3FAC]  }
0x2d: {  	s3 =	simm.s32 $0x108;
	s8 =	sld [smem:$0x3FAD]  }
0x2e: {  	s3 =	simm.s32 @!p0 $0x1082;
	s9 =	sld [smem:$0x3FAE]  }
0x2f: {  	lr =	sadd.s32 s0, s3;
	s0 =	sld [smem:$0x3FA5]  }
0x30: {  	s3 =	sld [smem:$0x3FA8]  }
0x31: {  	[smem:$0x3FB1] =	sst s10  }
0x32: {  	s10 =	sld [smem:$0x3FAF];
	_ =	sdelay $0x3  }
0x33: {  	p0 =	seq.s32 s10, $0x1;
	s10 =	sld [smem:$0x3FB1];
	_ =	sdelay $0x3  }
0x34: {  	[smem:$0x3FB1] =	sst s10  }
0x35: {  	s10 =	sld [smem:$0x3FB0];
	_ =	sdelay $0x3  }
0x36: {  	p1 =	seq.s32 s10, $0x1;
	s10 =	sld [smem:$0x3FB1];
	_ =	sdelay $0x3  }
0x37: {  	[smem:$0x3FB1] =	sst s10  }
0x38: {  	s10 =	sld [smem:$0x3FB2]  }
0x39: {  	_ = 	snop;
	(pc) =	sbr.ind lr, $3  }
0x3a: {  	_ = 	snop  }
0x3b: {  	_ = 	snop  }
0x3c: {  	p2 =	seq.s32 s10, $0x1;
	s10 =	sld [smem:$0x3FB1]  }
0x3d: {  	_ =	shalt  }
0x3e: {  	_ =	shalt  }
0x3f: {  	_ =	shalt  }
0x40: {  	_ =	shalt  }
0x41: {  	_ =	shalt  }
0x42: {  	_ =	shalt  }
0x43: {  	_ =	shalt  }
0x44: {  	_ =	shalt  }
0x45: {  	_ =	shalt  }
0x46: {  	_ =	shalt  }
0x47: {  	_ =	shalt  }
0x48: {  	_ =	shalt  }
0x49: {  	_ =	shalt  }
0x4a: {  	_ =	shalt  }
0x4b: {  	_ =	shalt  }
0x4c: {  	_ =	shalt  }
0x4d: {  	_ =	shalt  }
0x4e: {  	_ =	shalt  }
0x4f: {  	_ =	shalt  }
0x50: {  	_ =	shalt  }
0x51: {  	_ =	shalt  }
0x52: {  	_ =	shalt  }
0x53: {  	_ =	shalt  }
0x54: {  	_ =	shalt  }
0x55: {  	_ =	shalt  }
0x56: {  	_ =	shalt  }
0x57: {  	_ =	shalt  }
0x58: {  	_ =	shalt  }
0x59: {  	_ =	shalt  }
0x5a: {  	_ =	shalt  }
0x5b: {  	_ =	shalt  }
0x5c: {  	_ =	shalt  }
0x5d: {  	_ =	shalt  }
0x5e: {  	_ =	shalt  }
0x5f: {  	_ =	shalt  }
0x60: {  	_ =	shalt  }
0x61: {  	_ =	shalt  }
0x62: {  	_ =	shalt  }
0x63: {  	_ =	shalt  }
0x64: {  	_ =	shalt  }
0x65: {  	_ =	shalt  }
0x66: {  	_ =	shalt  }
0x67: {  	_ =	shalt  }
0x68: {  	_ =	shalt  }
0x69: {  	_ =	shalt  }
0x6a: {  	_ =	shalt  }
0x6b: {  	_ =	shalt  }
0x6c: {  	_ =	shalt  }
0x6d: {  	_ =	shalt  }
0x6e: {  	_ =	shalt  }
0x6f: {  	_ =	shalt  }
0x70: {  	_ =	shalt  }
0x71: {  	_ =	shalt  }
0x72: {  	_ =	shalt  }
0x73: {  	_ =	shalt  }
0x74: {  	_ =	shalt  }
0x75: {  	_ =	shalt  }
0x76: {  	_ =	shalt  }
0x77: {  	_ =	shalt  }
0x78: {  	_ =	shalt  }
0x79: {  	_ =	shalt  }
0x7a: {  	_ =	shalt  }
0x7b: {  	_ =	shalt  }
0x7c: {  	_ =	shalt  }
0x7d: {  	_ =	shalt  }
0x7e: {  	_ =	shalt  }
0x7f: {  	_ =	shalt  }
0x80: {  	_ =	shalt  }
0x81: {  	_ =	shalt  }
0x82: {  	_ =	shalt  }
0x83: {  	_ =	shalt  }
0x84: {  	_ =	shalt  }
0x85: {  	_ =	shalt  }
0x86: {  	_ =	shalt  }
0x87: {  	_ =	shalt  }
.Lfunc_end0:
.L_simem_size_0:
called_computation_lowered:
.L_overlay_start_0:
0x88: {  	s2 =	sld [smem:$0x3FD9]  }
0x89: {  	s3 =	sld [smem:$0x3FFE];
	_ =	sdelay $0x1  }
0x8a: {  	s1 =	srdreg.scid  }
0x8b: {  	s0 =	sand.u32 $0x1, s1  }
0x8c: {  	s17 =	sshll.u32 s0, $0xA;
	s2 =	sadd.s32 s3, s2  }
0x8d: {  	s2 =	sadd.s32 s2, s17  }
0x8e: {  	[smem:$0x3FBD] =	sst s2  }
0x8f: {  	_ = 	snop  }
0x90: {  	s2 =	sld [smem:$0x3FC7];
	(tm) =	ssettm $0x1  }
0x91: {  	s18 =	sld [smem:$0x3FFB];
	_ =	sdelay $0x3  }
0x92: {  	_ =	strace s18  }
0x93: {  	s3 =	sld [smem:$0x3FFC];
	_ =	sdelay $0x3  }
0x94: {  	_ =	strace s3  }
0x95: {  	s3 =	sld [smem:$0x3FFD];
	_ =	sdelay $0x3  }
0x96: {  	_ =	strace s3  }
0x97: {  	_ =	strace $0x8FFFFFFF  }
0x98: {  	s19 =	sld [smem:$0x3FDB];
	_ =	sdelay $0x1  }
0x99: {  	s4 =	simm.s32 $_scs_section_size  }
0x9a: {  	s5 =	simm.s32 $_size__tile_overlayer_lowered;
	s6 =	simm.s32 $_tile_overlayer_lowered  }
0x9b: {  	s22 =	simm.s32 $0x1BFF;
	s21 =	sshll.u32 s6, $0x1;
	s3 =	sadd.s32 s4, s19  }
0x9c: {  	s7 =	simm.s32 $0x0;
	s20 =	sshll.u32 s5, $0x1;
	s5 =	sadd.s32 s21, s3  }
0x9d: {  	[timem:s7], [sflag:s22] =	dma.local [hbm:s5], s20  }
0x9e: {  	_ =	swait.ge [sflag:s22], s20  }
0x9f: {  	s4 =	ssub.s32 $0x0, s20;
	[sflag:s22] =	ssyncset.done $0x0  }
0xa0: {  	[sflag:s22] =	ssyncadd.s32 s4;
	_ =	sdelay $0x1  }
0xa1: {  	s23 =	simm.s32 $0x1B8B  }
0xa2: {  	_ =	swait.ge [sflag:s23], $0x1  }
0xa3: {  	[sflag:s23] =	ssyncset.done $0x0  }
0xa4: {  	s25 =	simm.s32 $0x1B8E;
	s24 =	sld [smem:$0x3FFE];
	[sflag:s23] =	ssyncadd.s32 $0xFFFFFFFF  }
0xa5: {  	s26 =	simm.s32 $execute0_lowered;
	[smem:$0x3FD2] =	sst s25  }
0xa6: {  	s5 =	sshll.u32 s26, $0x1;
	_ =	strace $0x80000046;
	[dreg:$0x1] =	wrdreg $0xFFFFFFFF  }
0xa7: {  	s28 =	simm.s32 $_size_execute0_lowered;
	s3 =	sadd.s32 s3, s5;
	[dreg:$0x0] =	wrdreg $0x0  }
0xa8: {  	s5 =	sshll.u32 s28, $0x1;
	[dreg:$0x2] =	wrdreg s3  }
0xa9: {  	[dreg:$0x3] =	wrdreg s5  }
0xaa: {  	[dreg:$0x4] =	wrdreg $0xC0  }
0xab: {  	_ =	task [dreg:s7], $0x5FFFF  }
0xac: {  	[dreg:$0x1] =	wrdreg $0xFFFFFFFF  }
0xad: {  	[dreg:$0x0] =	wrdreg $0x60  }
0xae: {  	[dreg:$0x2] =	wrdreg s2  }
0xaf: {  	[dreg:$0x3] =	wrdreg s24  }
0xb0: {  	[dreg:$0x4] =	wrdreg $0x9  }
0xb1: {  	_ =	task.clear_ibuf [dreg:s7], $0x5FFFF;
	_ =	strace $0x90000046  }
0xb2: {  	s29 =	simm.s32 $0x9;
	_ =	strace $0x80000048  }
0xb3: {  	_ =	swait.ge [sflag:s29], $0x1  }
0xb4: {  	[sflag:s29] =	ssyncadd.s32 $0xFFFFFFFF  }
0xb5: {  	_ =	strace $0x90000048  }
0xb6: {  	_ =	sfence  }
0xb7: {  	s30 =	sld [smem:$0x0];
	_ =	sdelay $0x2  }
0xb8: {  	s31 =	sshll.u32 s1, $0xD;
	s1 =	sshrl.u32 s1, $0x2  }
0xb9: {  	s3 =	sand.u32 $0x4000, s31;
	s1 =	sadd.s32 s1, s30  }
0xba: {  	s0 =	sor.u32 s3, s0;
	s1 =	sshll.u32 s1, $0x11  }
0xbb: {  	s0 =	sor.u32 s1, s0  }
0xbc: {  	s0 =	sadd.s32 $0x8F2B, s0  }
0xbd: {  	[sflag:s0] =	ssyncadd.remote.s32 $0x1  }
0xbe: {  	_ =	sfence.sel $0xFFFF  }
0xbf: {  	[dreg:$0x0] =	wrdreg $0xFFFFFFFF;
	(pc) =	sbr.abs _section_cstart, $3  }
0xc0: {  	[dreg:$0x1] =	wrdreg $0xFFFFFFFF  }
0xc1: {  	_ =	task.clear_ibuf [dreg:s7], $0x2FFFF;
	_ =	strace $0x9FFFFFFF  }
0xc2: {  	(tm) =	ssettm $0x7FFFFFFF  }
0xc3: {  	_ =	shalt  }
tec
execute0_lowered:
.L_overlay_start_1:
0x0: {  	(tag) =	ssettag $0x1  }
0x1: {  	s1 =	rddreg [dreg:$0x0]  }
0x2: {  	s0 =	rddreg [dreg:$0x1]  }
0x3: {  	s2 =	simm.s32 $0x0;
	s3 =	srdreg.scid;
	s7 =	stileid.u32  }
0x4: {  	s28 =	simm.s32 $0x3880;
	s29 =	simm.s32 $0x4080;
	s30 =	simm.s32 $0x4880  }
0x5: {  	s31 =	simm.s32 $0x5080;
	[smem:$0x7FF] =	sst s2;
	s4 =	sadd.s32 $0x3E00, s0  }
0x6: {  	s5 =	sadd.s32 $0x13C00, s0;
	s3 =	sand.u32 $0x1, s3;
	s6 =	sadd.s32 $0x13A00, s0  }
0x7: {  	s7 =	sshll.u32 s7, $0x8;
	s9 =	sadd.s32 $0x54A00, s0;
	s19 =	sadd.s32 $0x14A00, s0  }
0x8: {  	_ =	strace $0x80000047;
	s8 =	sshll.u32 s3, $0x7;
	s3 =	ssub.s32 $0x2, s3  }
0x9: {  	s7 =	sor.u32 s8, s7;
	s10 =	sshrl.u32 s3, $0x1;
	s8 =	sadd.s32 $0x3F00, s0  }
0xa: {  	s11 =	sshrl.u32 s7, $0x3;
	s13 =	sshll.u32 s7, $0x7;
	s14 =	sor.u32 $0x40, s7  }
0xb: {  	s3 =	ssub.s32 s3, s10;
	s7 =	sshll.u32 s7, $0x6;
	s12 =	sadd.s32 s5, s11  }
0xc: {  	s10 =	simm.s32 $0x2;
	s20 =	sadd.s32 s9, s13;
	[dreg:$0x3] =	wrdreg s12  }
0xd: {  	s21 =	sshrl.u32 s14, $0x3;
	s24 =	sadd.s32 s6, s11;
	[dreg:$0x4] =	wrdreg s20  }
0xe: {  	s22 =	sshll.u32 s14, $0x7;
	s7 =	sadd.s32 s19, s7;
	[dreg:$0x7] =	wrdreg s24  }
0xf: {  	s26 =	sshll.u32 s14, $0x6;
	s5 =	sadd.s32 s5, s21;
	[dreg:$0x8] =	wrdreg s7  }
0x10: {  	s23 =	sadd.s32 s9, s22;
	s25 =	sadd.s32 s6, s21;
	[dreg:$0x5] =	wrdreg s5  }
0x11: {  	v2 =	vlaneseq.u32;
	s6 =	sadd.s32 $0x200, s1;
	s9 =	sadd.s32 s19, s26;
	[dreg:$0x6] =	wrdreg s23  }
0x12: {  	vm0 =	vmmov $0xffff;
	v1 =	vshrl.u32 v2, $0x3;
	s7 =	sadd.s32 $0x300, s1;
	s22 =	simm.s32 $0x1;
	[dreg:$0x9] =	wrdreg s25  }
0x13: {  	v0 =	vand.u32 $0x7, v2;
	v2 =	vor.u32 $0x8, v2;
	v1 =	vmul.u32 $0x8, v1;
	s5 =	sadd.s32 $0x100, s1;
	[dreg:$0xa] =	wrdreg s9;
	s9 =	smax.u32 s3, $0x1  }
.LBB2_1:
0x14: {  	s18 =	rddreg [dreg:$0x3]  }
0x15: {  	[tilespmem:s2], [sflag:$0x2] =	stream.linear.gather [hbm4b:s18+s2], $0x40, $0x38;
	[tilespmem:$0x18080] =	vst v63  }
0x16: {  	_ =	swait.ge [sflag:s10], $0x40  }
0x17: {  	[sflag:s10] =	ssyncset.done $0x0  }
0x18: {  	[sflag:s10] =	ssyncadd.s32 $0xFFFFFFC0  }
0x19: {  	v3 =	vld [tilespmem:$0x0];
	_ =	sdelay $0x4  }
0x1a: {  	v4 =	vshll.u32 v3, $0x3  }
0x1b: {  	v3 =	vand.u32 $0x7, v3;
	v4 =	vand.u32 $0xFFFFFFC0, v4  }
0x1c: {  	v3 =	vor.u32 v3, v4  }
0x1d: {  	v4 =	vperm.xlane v3, v0;
	_ =	sdelay $0x1  }
0x1e: {  	v4 =	vadd.s32 v1, v4;
	_ =	sdelay $0x3  }
0x1f: {  	s23 =	simm.s32 $0x80  }
0x20: {  	[tilespmem:s23], [sflag:$0x1] =	stream.indirect_vreg.gather [hbm4b:s1+s2], $0x80, v4, vm0, $0xb8;
	[tilespmem:$0x18080] =	vst v63  }
0x21: {  	s19 =	simm.s32 $0x880;
	v3 =	vperm.xlane v3, v2  }
0x22: {  	[tilespmem:s19], [sflag:$0x1] =	stream.indirect_vreg.gather [hbm4b:s5+s2], $0x80, v4, vm0, $0xb8;
	[tilespmem:$0x18080] =	vst v63  }
0x23: {  	s20 =	simm.s32 $0x1080;
	v3 =	vadd.s32 v1, v3  }
0x24: {  	[tilespmem:s20], [sflag:$0x1] =	stream.indirect_vreg.gather [hbm4b:s6+s2], $0x80, v4, vm0, $0xb8;
	[tilespmem:$0x18080] =	vst v63  }
0x25: {  	s21 =	simm.s32 $0x1880  }
0x26: {  	[tilespmem:s21], [sflag:$0x1] =	stream.indirect_vreg.gather [hbm4b:s7+s2], $0x80, v4, vm0, $0xb8;
	[tilespmem:$0x18080] =	vst v63  }
0x27: {  	s24 =	simm.s32 $0x2080  }
0x28: {  	[tilespmem:s24], [sflag:$0x1] =	stream.indirect_vreg.gather [hbm4b:s1+s2], $0x80, v3, vm0, $0xb8;
	[tilespmem:$0x18080] =	vst v63  }
0x29: {  	s25 =	simm.s32 $0x2880  }
0x2a: {  	[tilespmem:s25], [sflag:$0x1] =	stream.indirect_vreg.gather [hbm4b:s5+s2], $0x80, v3, vm0, $0xb8;
	[tilespmem:$0x18080] =	vst v63  }
0x2b: {  	s26 =	simm.s32 $0x3080  }
0x2c: {  	[tilespmem:s26], [sflag:$0x1] =	stream.indirect_vreg.gather [hbm4b:s6+s2], $0x80, v3, vm0, $0xb8;
	[tilespmem:$0x18080] =	vst v63  }
0x2d: {  	_ = 	snop  }
0x2e: {  	[tilespmem:s28], [sflag:$0x1] =	stream.indirect_vreg.gather [hbm4b:s7+s2], $0x80, v3, vm0, $0xb8;
	[tilespmem:$0x18080] =	vst v63  }
0x2f: {  	v3 =	vld [tilespmem:$0x10];
	_ =	sdelay $0x4  }
0x30: {  	v49 =	vshll.u32 v3, $0x3  }
0x31: {  	v3 =	vand.u32 $0x7, v3;
	v4 =	vand.u32 $0xFFFFFFC0, v49  }
0x32: {  	v3 =	vor.u32 v3, v4  }
0x33: {  	v4 =	vperm.xlane v3, v0;
	_ =	sdelay $0x1  }
0x34: {  	v4 =	vadd.s32 v1, v4;
	_ =	sdelay $0x4  }
0x35: {  	[tilespmem:s29], [sflag:$0x1] =	stream.indirect_vreg.gather [hbm4b:s1+s2], $0x80, v4, vm0, $0xb8;
	[tilespmem:$0x18080] =	vst v63  }
0x36: {  	v3 =	vperm.xlane v3, v2  }
0x37: {  	[tilespmem:s30], [sflag:$0x1] =	stream.indirect_vreg.gather [hbm4b:s5+s2], $0x80, v4, vm0, $0xb8;
	[tilespmem:$0x18080] =	vst v63  }
0x38: {  	v3 =	vadd.s32 v1, v3  }
0x39: {  	[tilespmem:s31], [sflag:$0x1] =	stream.indirect_vreg.gather [hbm4b:s6+s2], $0x80, v4, vm0, $0xb8;
	[tilespmem:$0x18080] =	vst v63  }
0x3a: {  	s0 =	simm.s32 $0x5880  }
0x3b: {  	[tilespmem:s0], [sflag:$0x1] =	stream.indirect_vreg.gather [hbm4b:s7+s2], $0x80, v4, vm0, $0xb8;
	[tilespmem:$0x18080] =	vst v63  }
0x3c: {  	s3 =	simm.s32 $0x6080  }
0x3d: {  	[tilespmem:s3], [sflag:$0x1] =	stream.indirect_vreg.gather [hbm4b:s1+s2], $0x80, v3, vm0, $0xb8;
	[tilespmem:$0x18080] =	vst v63  }
0x3e: {  	s12 =	simm.s32 $0x6880  }
0x3f: {  	[tilespmem:s12], [sflag:$0x1] =	stream.indirect_vreg.gather [hbm4b:s5+s2], $0x80, v3, vm0, $0xb8;
	[tilespmem:$0x18080] =	vst v63  }
0x40: {  	s13 =	simm.s32 $0x7080  }
0x41: {  	[tilespmem:s13], [sflag:$0x1] =	stream.indirect_vreg.gather [hbm4b:s6+s2], $0x80, v3, vm0, $0xb8;
	[tilespmem:$0x18080] =	vst v63  }
0x42: {  	s14 =	simm.s32 $0x7880  }
0x43: {  	[tilespmem:s14], [sflag:$0x1] =	stream.indirect_vreg.gather [hbm4b:s7+s2], $0x80, v3, vm0, $0xb8;
	[tilespmem:$0x18080] =	vst v63  }
0x44: {  	v3 =	vld [tilespmem:$0x20];
	_ =	sdelay $0x4  }
0x45: {  	v50 =	vshll.u32 v3, $0x3  }
0x46: {  	v3 =	vand.u32 $0x7, v3;
	v4 =	vand.u32 $0xFFFFFFC0, v50  }
0x47: {  	v3 =	vor.u32 v3, v4  }
0x48: {  	v4 =	vperm.xlane v3, v0;
	_ =	sdelay $0x1  }
0x49: {  	v4 =	vadd.s32 v1, v4;
	_ =	sdelay $0x3  }
0x4a: {  	s15 =	simm.s32 $0x8080  }
0x4b: {  	[tilespmem:s15], [sflag:$0x1] =	stream.indirect_vreg.gather [hbm4b:s1+s2], $0x80, v4, vm0, $0xb8;
	[tilespmem:$0x18080] =	vst v63  }
0x4c: {  	s16 =	simm.s32 $0x8880;
	v3 =	vperm.xlane v3, v2  }
0x4d: {  	[tilespmem:s16], [sflag:$0x1] =	stream.indirect_vreg.gather [hbm4b:s5+s2], $0x80, v4, vm0, $0xb8;
	[tilespmem:$0x18080] =	vst v63  }
0x4e: {  	s17 =	simm.s32 $0x9080;
	v3 =	vadd.s32 v1, v3  }
0x4f: {  	[tilespmem:s17], [sflag:$0x1] =	stream.indirect_vreg.gather [hbm4b:s6+s2], $0x80, v4, vm0, $0xb8;
	[tilespmem:$0x18080] =	vst v63  }
0x50: {  	s11 =	simm.s32 $0x9880  }
0x51: {  	[tilespmem:s11], [sflag:$0x1] =	stream.indirect_vreg.gather [hbm4b:s7+s2], $0x80, v4, vm0, $0xb8;
	[tilespmem:$0x18080] =	vst v63  }
0x52: {  	s18 =	simm.s32 $0xA080  }
0x53: {  	[tilespmem:s18], [sflag:$0x1] =	stream.indirect_vreg.gather [hbm4b:s1+s2], $0x80, v3, vm0, $0xb8;
	[tilespmem:$0x18080] =	vst v63  }
0x54: {  	s18 =	simm.s32 $0xA880  }
0x55: {  	[tilespmem:s18], [sflag:$0x1] =	stream.indirect_vreg.gather [hbm4b:s5+s2], $0x80, v3, vm0, $0xb8;
	[tilespmem:$0x18080] =	vst v63  }
0x56: {  	s18 =	simm.s32 $0xB080  }
0x57: {  	[tilespmem:s18], [sflag:$0x1] =	stream.indirect_vreg.gather [hbm4b:s6+s2], $0x80, v3, vm0, $0xb8;
	[tilespmem:$0x18080] =	vst v63  }
0x58: {  	s18 =	simm.s32 $0xB880  }
0x59: {  	[tilespmem:s18], [sflag:$0x1] =	stream.indirect_vreg.gather [hbm4b:s7+s2], $0x80, v3, vm0, $0xb8;
	[tilespmem:$0x18080] =	vst v63  }
0x5a: {  	v3 =	vld [tilespmem:$0x30];
	_ =	sdelay $0x4  }
0x5b: {  	v51 =	vshll.u32 v3, $0x3  }
0x5c: {  	v3 =	vand.u32 $0x7, v3;
	v4 =	vand.u32 $0xFFFFFFC0, v51  }
0x5d: {  	v3 =	vor.u32 v3, v4  }
0x5e: {  	v4 =	vperm.xlane v3, v0;
	_ =	sdelay $0x1  }
0x5f: {  	v4 =	vadd.s32 v1, v4;
	_ =	sdelay $0x3  }
0x60: {  	s18 =	simm.s32 $0xC080  }
0x61: {  	[tilespmem:s18], [sflag:$0x1] =	stream.indirect_vreg.gather [hbm4b:s1+s2], $0x80, v4, vm0, $0xb8;
	[tilespmem:$0x18080] =	vst v63  }
0x62: {  	v3 =	vperm.xlane v3, v2;
	s18 =	simm.s32 $0xC880  }
0x63: {  	[tilespmem:s18], [sflag:$0x1] =	stream.indirect_vreg.gather [hbm4b:s5+s2], $0x80, v4, vm0, $0xb8;
	[tilespmem:$0x18080] =	vst v63  }
0x64: {  	v3 =	vadd.s32 v1, v3;
	s18 =	simm.s32 $0xD080  }
0x65: {  	[tilespmem:s18], [sflag:$0x1] =	stream.indirect_vreg.gather [hbm4b:s6+s2], $0x80, v4, vm0, $0xb8;
	[tilespmem:$0x18080] =	vst v63  }
0x66: {  	s18 =	simm.s32 $0xD880  }
0x67: {  	[tilespmem:s18], [sflag:$0x1] =	stream.indirect_vreg.gather [hbm4b:s7+s2], $0x80, v4, vm0, $0xb8;
	[tilespmem:$0x18080] =	vst v63  }
0x68: {  	s18 =	simm.s32 $0xE080  }
0x69: {  	[tilespmem:s18], [sflag:$0x1] =	stream.indirect_vreg.gather [hbm4b:s1+s2], $0x80, v3, vm0, $0xb8;
	[tilespmem:$0x18080] =	vst v63  }
0x6a: {  	s18 =	simm.s32 $0xE880  }
0x6b: {  	[tilespmem:s18], [sflag:$0x1] =	stream.indirect_vreg.gather [hbm4b:s5+s2], $0x80, v3, vm0, $0xb8;
	[tilespmem:$0x18080] =	vst v63  }
0x6c: {  	s18 =	simm.s32 $0xF080  }
0x6d: {  	[tilespmem:s18], [sflag:$0x1] =	stream.indirect_vreg.gather [hbm4b:s6+s2], $0x80, v3, vm0, $0xb8;
	[tilespmem:$0x18080] =	vst v63  }
0x6e: {  	s18 =	simm.s32 $0xF880  }
0x6f: {  	[tilespmem:s18], [sflag:$0x1] =	stream.indirect_vreg.gather [hbm4b:s7+s2], $0x80, v3, vm0, $0xb8;
	[tilespmem:$0x18080] =	vst v63  }
0x70: {  	_ =	swait.ge [sflag:s22], $0x10000  }
0x71: {  	[sflag:s22] =	ssyncset.done $0x0  }
0x72: {  	s18 =	rddreg [dreg:$0x4];
	[sflag:s22] =	ssyncadd.s32 $0xFFFF0000  }
0x73: {  	[hbm4b:s18+s2] =	stream.linear.scatter [tilespmem:s23], [sflag:$0x2], $0x10000, $0x38;
	[tilespmem:$0x18080] =	vst v63  }
0x74: {  	_ =	swait.ge [sflag:s10], $0x10000  }
0x75: {  	[sflag:s10] =	ssyncset.done $0x0  }
0x76: {  	s18 =	rddreg [dreg:$0x5];
	[sflag:s10] =	ssyncadd.s32 $0xFFFF0000  }
0x77: {  	[tilespmem:s2], [sflag:$0x2] =	stream.linear.gather [hbm4b:s18+s2], $0x40, $0x38;
	[tilespmem:$0x18080] =	vst v63  }
0x78: {  	_ =	swait.ge [sflag:s10], $0x40  }
0x79: {  	[sflag:s10] =	ssyncset.done $0x0  }
0x7a: {  	[sflag:s10] =	ssyncadd.s32 $0xFFFFFFC0  }
0x7b: {  	v3 =	vld [tilespmem:$0x0];
	_ =	sdelay $0x4  }
0x7c: {  	v52 =	vshll.u32 v3, $0x3  }
0x7d: {  	v3 =	vand.u32 $0x7, v3;
	v4 =	vand.u32 $0xFFFFFFC0, v52  }
0x7e: {  	v3 =	vor.u32 v3, v4  }
0x7f: {  	v4 =	vperm.xlane v3, v0;
	_ =	sdelay $0x1  }
0x80: {  	v4 =	vadd.s32 v1, v4;
	_ =	sdelay $0x4  }
0x81: {  	[tilespmem:s23], [sflag:$0x1] =	stream.indirect_vreg.gather [hbm4b:s1+s2], $0x80, v4, vm0, $0xb8;
	[tilespmem:$0x18080] =	vst v63  }
0x82: {  	v3 =	vperm.xlane v3, v2  }
0x83: {  	[tilespmem:s19], [sflag:$0x1] =	stream.indirect_vreg.gather [hbm4b:s5+s2], $0x80, v4, vm0, $0xb8;
	[tilespmem:$0x18080] =	vst v63  }
0x84: {  	v3 =	vadd.s32 v1, v3  }
0x85: {  	[tilespmem:s20], [sflag:$0x1] =	stream.indirect_vreg.gather [hbm4b:s6+s2], $0x80, v4, vm0, $0xb8;
	[tilespmem:$0x18080] =	vst v63  }
0x86: {  	_ = 	snop  }
0x87: {  	[tilespmem:s21], [sflag:$0x1] =	stream.indirect_vreg.gather [hbm4b:s7+s2], $0x80, v4, vm0, $0xb8;
	[tilespmem:$0x18080] =	vst v63  }
0x88: {  	_ = 	snop  }
0x89: {  	[tilespmem:s24], [sflag:$0x1] =	stream.indirect_vreg.gather [hbm4b:s1+s2], $0x80, v3, vm0, $0xb8;
	[tilespmem:$0x18080] =	vst v63  }
0x8a: {  	_ = 	snop  }
0x8b: {  	[tilespmem:s25], [sflag:$0x1] =	stream.indirect_vreg.gather [hbm4b:s5+s2], $0x80, v3, vm0, $0xb8;
	[tilespmem:$0x18080] =	vst v63  }
0x8c: {  	_ = 	snop  }
0x8d: {  	[tilespmem:s26], [sflag:$0x1] =	stream.indirect_vreg.gather [hbm4b:s6+s2], $0x80, v3, vm0, $0xb8;
	[tilespmem:$0x18080] =	vst v63  }
0x8e: {  	_ = 	snop  }
0x8f: {  	[tilespmem:s28], [sflag:$0x1] =	stream.indirect_vreg.gather [hbm4b:s7+s2], $0x80, v3, vm0, $0xb8;
	[tilespmem:$0x18080] =	vst v63  }
0x90: {  	v3 =	vld [tilespmem:$0x10];
	_ =	sdelay $0x4  }
0x91: {  	v53 =	vshll.u32 v3, $0x3  }
0x92: {  	v3 =	vand.u32 $0x7, v3;
	v4 =	vand.u32 $0xFFFFFFC0, v53  }
0x93: {  	v3 =	vor.u32 v3, v4  }
0x94: {  	v4 =	vperm.xlane v3, v0;
	_ =	sdelay $0x1  }
0x95: {  	v4 =	vadd.s32 v1, v4;
	_ =	sdelay $0x4  }
0x96: {  	[tilespmem:s29], [sflag:$0x1] =	stream.indirect_vreg.gather [hbm4b:s1+s2], $0x80, v4, vm0, $0xb8;
	[tilespmem:$0x18080] =	vst v63  }
0x97: {  	v3 =	vperm.xlane v3, v2  }
0x98: {  	[tilespmem:s30], [sflag:$0x1] =	stream.indirect_vreg.gather [hbm4b:s5+s2], $0x80, v4, vm0, $0xb8;
	[tilespmem:$0x18080] =	vst v63  }
0x99: {  	v3 =	vadd.s32 v1, v3  }
0x9a: {  	[tilespmem:s31], [sflag:$0x1] =	stream.indirect_vreg.gather [hbm4b:s6+s2], $0x80, v4, vm0, $0xb8;
	[tilespmem:$0x18080] =	vst v63  }
0x9b: {  	_ = 	snop  }
0x9c: {  	[tilespmem:s0], [sflag:$0x1] =	stream.indirect_vreg.gather [hbm4b:s7+s2], $0x80, v4, vm0, $0xb8;
	[tilespmem:$0x18080] =	vst v63  }
0x9d: {  	_ = 	snop  }
0x9e: {  	[tilespmem:s3], [sflag:$0x1] =	stream.indirect_vreg.gather [hbm4b:s1+s2], $0x80, v3, vm0, $0xb8;
	[tilespmem:$0x18080] =	vst v63  }
0x9f: {  	_ = 	snop  }
0xa0: {  	[tilespmem:s12], [sflag:$0x1] =	stream.indirect_vreg.gather [hbm4b:s5+s2], $0x80, v3, vm0, $0xb8;
	[tilespmem:$0x18080] =	vst v63  }
0xa1: {  	_ = 	snop  }
0xa2: {  	[tilespmem:s13], [sflag:$0x1] =	stream.indirect_vreg.gather [hbm4b:s6+s2], $0x80, v3, vm0, $0xb8;
	[tilespmem:$0x18080] =	vst v63  }
0xa3: {  	_ = 	snop  }
0xa4: {  	[tilespmem:s14], [sflag:$0x1] =	stream.indirect_vreg.gather [hbm4b:s7+s2], $0x80, v3, vm0, $0xb8;
	[tilespmem:$0x18080] =	vst v63  }
0xa5: {  	v3 =	vld [tilespmem:$0x20];
	_ =	sdelay $0x4  }
0xa6: {  	v54 =	vshll.u32 v3, $0x3  }
0xa7: {  	v3 =	vand.u32 $0x7, v3;
	v4 =	vand.u32 $0xFFFFFFC0, v54  }
0xa8: {  	v3 =	vor.u32 v3, v4  }
0xa9: {  	v4 =	vperm.xlane v3, v0;
	_ =	sdelay $0x1  }
0xaa: {  	v4 =	vadd.s32 v1, v4;
	_ =	sdelay $0x4  }
0xab: {  	[tilespmem:s15], [sflag:$0x1] =	stream.indirect_vreg.gather [hbm4b:s1+s2], $0x80, v4, vm0, $0xb8;
	[tilespmem:$0x18080] =	vst v63  }
0xac: {  	v3 =	vperm.xlane v3, v2  }
0xad: {  	[tilespmem:s16], [sflag:$0x1] =	stream.indirect_vreg.gather [hbm4b:s5+s2], $0x80, v4, vm0, $0xb8;
	[tilespmem:$0x18080] =	vst v63  }
0xae: {  	v3 =	vadd.s32 v1, v3  }
0xaf: {  	[tilespmem:s17], [sflag:$0x1] =	stream.indirect_vreg.gather [hbm4b:s6+s2], $0x80, v4, vm0, $0xb8;
	[tilespmem:$0x18080] =	vst v63  }
0xb0: {  	_ = 	snop  }
0xb1: {  	[tilespmem:s11], [sflag:$0x1] =	stream.indirect_vreg.gather [hbm4b:s7+s2], $0x80, v4, vm0, $0xb8;
	[tilespmem:$0x18080] =	vst v63  }
0xb2: {  	s3 =	simm.s32 $0xA080  }
0xb3: {  	[tilespmem:s3], [sflag:$0x1] =	stream.indirect_vreg.gather [hbm4b:s1+s2], $0x80, v3, vm0, $0xb8;
	[tilespmem:$0x18080] =	vst v63  }
0xb4: {  	s11 =	simm.s32 $0xA880  }
0xb5: {  	[tilespmem:s11], [sflag:$0x1] =	stream.indirect_vreg.gather [hbm4b:s5+s2], $0x80, v3, vm0, $0xb8;
	[tilespmem:$0x18080] =	vst v63  }
0xb6: {  	s12 =	simm.s32 $0xB080  }
0xb7: {  	[tilespmem:s12], [sflag:$0x1] =	stream.indirect_vreg.gather [hbm4b:s6+s2], $0x80, v3, vm0, $0xb8;
	[tilespmem:$0x18080] =	vst v63  }
0xb8: {  	s13 =	simm.s32 $0xB880  }
0xb9: {  	[tilespmem:s13], [sflag:$0x1] =	stream.indirect_vreg.gather [hbm4b:s7+s2], $0x80, v3, vm0, $0xb8;
	[tilespmem:$0x18080] =	vst v63  }
0xba: {  	v3 =	vld [tilespmem:$0x30];
	_ =	sdelay $0x4  }
0xbb: {  	v55 =	vshll.u32 v3, $0x3  }
0xbc: {  	v3 =	vand.u32 $0x7, v3;
	v4 =	vand.u32 $0xFFFFFFC0, v55  }
0xbd: {  	v3 =	vor.u32 v3, v4  }
0xbe: {  	v4 =	vperm.xlane v3, v0;
	_ =	sdelay $0x1  }
0xbf: {  	v4 =	vadd.s32 v1, v4;
	_ =	sdelay $0x3  }
0xc0: {  	s14 =	simm.s32 $0xC080  }
0xc1: {  	[tilespmem:s14], [sflag:$0x1] =	stream.indirect_vreg.gather [hbm4b:s1+s2], $0x80, v4, vm0, $0xb8;
	[tilespmem:$0x18080] =	vst v63  }
0xc2: {  	s15 =	simm.s32 $0xC880;
	v3 =	vperm.xlane v3, v2  }
0xc3: {  	[tilespmem:s15], [sflag:$0x1] =	stream.indirect_vreg.gather [hbm4b:s5+s2], $0x80, v4, vm0, $0xb8;
	[tilespmem:$0x18080] =	vst v63  }
0xc4: {  	s16 =	simm.s32 $0xD080;
	v3 =	vadd.s32 v1, v3  }
0xc5: {  	[tilespmem:s16], [sflag:$0x1] =	stream.indirect_vreg.gather [hbm4b:s6+s2], $0x80, v4, vm0, $0xb8;
	[tilespmem:$0x18080] =	vst v63  }
0xc6: {  	s17 =	simm.s32 $0xD880  }
0xc7: {  	[tilespmem:s17], [sflag:$0x1] =	stream.indirect_vreg.gather [hbm4b:s7+s2], $0x80, v4, vm0, $0xb8;
	[tilespmem:$0x18080] =	vst v63  }
0xc8: {  	s18 =	simm.s32 $0xE080  }
0xc9: {  	[tilespmem:s18], [sflag:$0x1] =	stream.indirect_vreg.gather [hbm4b:s1+s2], $0x80, v3, vm0, $0xb8;
	[tilespmem:$0x18080] =	vst v63  }
0xca: {  	s19 =	simm.s32 $0xE880  }
0xcb: {  	[tilespmem:s19], [sflag:$0x1] =	stream.indirect_vreg.gather [hbm4b:s5+s2], $0x80, v3, vm0, $0xb8;
	[tilespmem:$0x18080] =	vst v63  }
0xcc: {  	s20 =	simm.s32 $0xF080  }
0xcd: {  	[tilespmem:s20], [sflag:$0x1] =	stream.indirect_vreg.gather [hbm4b:s6+s2], $0x80, v3, vm0, $0xb8;
	[tilespmem:$0x18080] =	vst v63  }
0xce: {  	s21 =	simm.s32 $0xF880  }
0xcf: {  	[tilespmem:s21], [sflag:$0x1] =	stream.indirect_vreg.gather [hbm4b:s7+s2], $0x80, v3, vm0, $0xb8;
	[tilespmem:$0x18080] =	vst v63  }
0xd0: {  	_ =	swait.ge [sflag:s22], $0x10000  }
0xd1: {  	[sflag:s22] =	ssyncset.done $0x0  }
0xd2: {  	s24 =	rddreg [dreg:$0x6];
	[sflag:s22] =	ssyncadd.s32 $0xFFFF0000  }
0xd3: {  	[hbm4b:s24+s2] =	stream.linear.scatter [tilespmem:s23], [sflag:$0x2], $0x10000, $0x38;
	[tilespmem:$0x18080] =	vst v63  }
0xd4: {  	_ =	swait.ge [sflag:s10], $0x10000  }
0xd5: {  	[sflag:s10] =	ssyncset.done $0x0  }
0xd6: {  	s25 =	rddreg [dreg:$0x7];
	[sflag:s10] =	ssyncadd.s32 $0xFFFF0000  }
0xd7: {  	[tilespmem:s2], [sflag:$0x2] =	stream.linear.gather [hbm4b:s25+s2], $0x40, $0x38;
	[tilespmem:$0x18080] =	vst v63  }
0xd8: {  	_ =	swait.ge [sflag:s10], $0x40  }
0xd9: {  	[sflag:s10] =	ssyncset.done $0x0  }
0xda: {  	[sflag:s10] =	ssyncadd.s32 $0xFFFFFFC0  }
0xdb: {  	v3 =	vld [tilespmem:$0x0];
	_ =	sdelay $0x4  }
0xdc: {  	v56 =	vshll.u32 v3, $0x2  }
0xdd: {  	v3 =	vand.u32 $0x7, v3;
	v4 =	vand.u32 $0xFFFFFFE0, v56  }
0xde: {  	v3 =	vor.u32 v3, v4  }
0xdf: {  	v4 =	vperm.xlane v3, v0;
	_ =	sdelay $0x1  }
0xe0: {  	v4 =	vadd.s32 v1, v4;
	_ =	sdelay $0x1  }
0xe1: {  	v3 =	vperm.xlane v3, v2;
	_ =	sdelay $0x1  }
0xe2: {  	s0 =	simm.s32 $0x10080;
	v3 =	vadd.s32 v1, v3  }
0xe3: {  	[tilespmem:s0], [sflag:$0x1] =	stream.indirect_vreg.gather [hbm4b:s4+s2], $0x80, v4, vm0, $0xb8;
	[tilespmem:$0x18080] =	vst v63  }
0xe4: {  	s3 =	simm.s32 $0x10880  }
0xe5: {  	[tilespmem:s3], [sflag:$0x1] =	stream.indirect_vreg.gather [hbm4b:s8+s2], $0x80, v4, vm0, $0xb8;
	[tilespmem:$0x18080] =	vst v63  }
0xe6: {  	s11 =	simm.s32 $0x11080  }
0xe7: {  	[tilespmem:s11], [sflag:$0x1] =	stream.indirect_vreg.gather [hbm4b:s4+s2], $0x80, v3, vm0, $0xb8;
	[tilespmem:$0x18080] =	vst v63  }
0xe8: {  	s12 =	simm.s32 $0x11880  }
0xe9: {  	[tilespmem:s12], [sflag:$0x1] =	stream.indirect_vreg.gather [hbm4b:s8+s2], $0x80, v3, vm0, $0xb8;
	[tilespmem:$0x18080] =	vst v63  }
0xea: {  	v3 =	vld [tilespmem:$0x10];
	_ =	sdelay $0x4  }
0xeb: {  	v57 =	vshll.u32 v3, $0x2  }
0xec: {  	v3 =	vand.u32 $0x7, v3;
	v4 =	vand.u32 $0xFFFFFFE0, v57  }
0xed: {  	v3 =	vor.u32 v3, v4  }
0xee: {  	v4 =	vperm.xlane v3, v0;
	_ =	sdelay $0x1  }
0xef: {  	v4 =	vadd.s32 v1, v4;
	_ =	sdelay $0x1  }
0xf0: {  	v3 =	vperm.xlane v3, v2;
	_ =	sdelay $0x1  }
0xf1: {  	s13 =	simm.s32 $0x12080;
	v3 =	vadd.s32 v1, v3  }
0xf2: {  	[tilespmem:s13], [sflag:$0x1] =	stream.indirect_vreg.gather [hbm4b:s4+s2], $0x80, v4, vm0, $0xb8;
	[tilespmem:$0x18080] =	vst v63  }
0xf3: {  	s14 =	simm.s32 $0x12880  }
0xf4: {  	[tilespmem:s14], [sflag:$0x1] =	stream.indirect_vreg.gather [hbm4b:s8+s2], $0x80, v4, vm0, $0xb8;
	[tilespmem:$0x18080] =	vst v63  }
0xf5: {  	s15 =	simm.s32 $0x13080  }
0xf6: {  	[tilespmem:s15], [sflag:$0x1] =	stream.indirect_vreg.gather [hbm4b:s4+s2], $0x80, v3, vm0, $0xb8;
	[tilespmem:$0x18080] =	vst v63  }
0xf7: {  	s16 =	simm.s32 $0x13880  }
0xf8: {  	[tilespmem:s16], [sflag:$0x1] =	stream.indirect_vreg.gather [hbm4b:s8+s2], $0x80, v3, vm0, $0xb8;
	[tilespmem:$0x18080] =	vst v63  }
0xf9: {  	v3 =	vld [tilespmem:$0x20];
	_ =	sdelay $0x4  }
0xfa: {  	v58 =	vshll.u32 v3, $0x2  }
0xfb: {  	v3 =	vand.u32 $0x7, v3;
	v4 =	vand.u32 $0xFFFFFFE0, v58  }
0xfc: {  	v3 =	vor.u32 v3, v4  }
0xfd: {  	v4 =	vperm.xlane v3, v0;
	_ =	sdelay $0x1  }
0xfe: {  	v4 =	vadd.s32 v1, v4;
	_ =	sdelay $0x1  }
0xff: {  	v3 =	vperm.xlane v3, v2;
	_ =	sdelay $0x1  }
0x100: {  	s17 =	simm.s32 $0x14080;
	v3 =	vadd.s32 v1, v3  }
0x101: {  	[tilespmem:s17], [sflag:$0x1] =	stream.indirect_vreg.gather [hbm4b:s4+s2], $0x80, v4, vm0, $0xb8;
	[tilespmem:$0x18080] =	vst v63  }
0x102: {  	s19 =	simm.s32 $0x14880  }
0x103: {  	[tilespmem:s19], [sflag:$0x1] =	stream.indirect_vreg.gather [hbm4b:s8+s2], $0x80, v4, vm0, $0xb8;
	[tilespmem:$0x18080] =	vst v63  }
0x104: {  	s20 =	simm.s32 $0x15080  }
0x105: {  	[tilespmem:s20], [sflag:$0x1] =	stream.indirect_vreg.gather [hbm4b:s4+s2], $0x80, v3, vm0, $0xb8;
	[tilespmem:$0x18080] =	vst v63  }
0x106: {  	s21 =	simm.s32 $0x15880  }
0x107: {  	[tilespmem:s21], [sflag:$0x1] =	stream.indirect_vreg.gather [hbm4b:s8+s2], $0x80, v3, vm0, $0xb8;
	[tilespmem:$0x18080] =	vst v63  }
0x108: {  	v3 =	vld [tilespmem:$0x30];
	_ =	sdelay $0x4  }
0x109: {  	v59 =	vshll.u32 v3, $0x2  }
0x10a: {  	v3 =	vand.u32 $0x7, v3;
	v4 =	vand.u32 $0xFFFFFFE0, v59  }
0x10b: {  	v3 =	vor.u32 v3, v4  }
0x10c: {  	v4 =	vperm.xlane v3, v0;
	_ =	sdelay $0x1  }
0x10d: {  	v4 =	vadd.s32 v1, v4;
	_ =	sdelay $0x1  }
0x10e: {  	v3 =	vperm.xlane v3, v2;
	_ =	sdelay $0x1  }
0x10f: {  	s23 =	simm.s32 $0x16080;
	v3 =	vadd.s32 v1, v3  }
0x110: {  	[tilespmem:s23], [sflag:$0x1] =	stream.indirect_vreg.gather [hbm4b:s4+s2], $0x80, v4, vm0, $0xb8;
	[tilespmem:$0x18080] =	vst v63  }
0x111: {  	s24 =	simm.s32 $0x16880  }
0x112: {  	[tilespmem:s24], [sflag:$0x1] =	stream.indirect_vreg.gather [hbm4b:s8+s2], $0x80, v4, vm0, $0xb8;
	[tilespmem:$0x18080] =	vst v63  }
0x113: {  	s25 =	simm.s32 $0x17080  }
0x114: {  	[tilespmem:s25], [sflag:$0x1] =	stream.indirect_vreg.gather [hbm4b:s4+s2], $0x80, v3, vm0, $0xb8;
	[tilespmem:$0x18080] =	vst v63  }
0x115: {  	s26 =	simm.s32 $0x17880  }
0x116: {  	[tilespmem:s26], [sflag:$0x1] =	stream.indirect_vreg.gather [hbm4b:s8+s2], $0x80, v3, vm0, $0xb8;
	[tilespmem:$0x18080] =	vst v63  }
0x117: {  	_ =	swait.ge [sflag:s22], $0x8000  }
0x118: {  	[sflag:s22] =	ssyncset.done $0x0  }
0x119: {  	s18 =	rddreg [dreg:$0x8];
	[sflag:s22] =	ssyncadd.s32 $0xFFFF8000  }
0x11a: {  	[hbm4b:s18+s2] =	stream.linear.scatter [tilespmem:s0], [sflag:$0x2], $0x8000, $0x38;
	[tilespmem:$0x18080] =	vst v63  }
0x11b: {  	_ =	swait.ge [sflag:s10], $0x8000  }
0x11c: {  	[sflag:s10] =	ssyncset.done $0x0  }
0x11d: {  	s18 =	rddreg [dreg:$0x9];
	[sflag:s10] =	ssyncadd.s32 $0xFFFF8000  }
0x11e: {  	[tilespmem:s2], [sflag:$0x2] =	stream.linear.gather [hbm4b:s18+s2], $0x40, $0x38;
	[tilespmem:$0x18080] =	vst v63  }
0x11f: {  	_ =	swait.ge [sflag:s10], $0x40  }
0x120: {  	[sflag:s10] =	ssyncset.done $0x0  }
0x121: {  	[sflag:s10] =	ssyncadd.s32 $0xFFFFFFC0  }
0x122: {  	v3 =	vld [tilespmem:$0x0];
	_ =	sdelay $0x4  }
0x123: {  	v60 =	vshll.u32 v3, $0x2  }
0x124: {  	v3 =	vand.u32 $0x7, v3;
	v4 =	vand.u32 $0xFFFFFFE0, v60  }
0x125: {  	v3 =	vor.u32 v3, v4  }
0x126: {  	v4 =	vperm.xlane v3, v0;
	_ =	sdelay $0x1  }
0x127: {  	v4 =	vadd.s32 v1, v4;
	_ =	sdelay $0x1  }
0x128: {  	v3 =	vperm.xlane v3, v2;
	_ =	sdelay $0x1  }
0x129: {  	v3 =	vadd.s32 v1, v3  }
0x12a: {  	[tilespmem:s0], [sflag:$0x1] =	stream.indirect_vreg.gather [hbm4b:s4+s2], $0x80, v4, vm0, $0xb8;
	[tilespmem:$0x18080] =	vst v63  }
0x12b: {  	_ = 	snop  }
0x12c: {  	[tilespmem:s3], [sflag:$0x1] =	stream.indirect_vreg.gather [hbm4b:s8+s2], $0x80, v4, vm0, $0xb8;
	[tilespmem:$0x18080] =	vst v63  }
0x12d: {  	_ = 	snop  }
0x12e: {  	[tilespmem:s11], [sflag:$0x1] =	stream.indirect_vreg.gather [hbm4b:s4+s2], $0x80, v3, vm0, $0xb8;
	[tilespmem:$0x18080] =	vst v63  }
0x12f: {  	_ = 	snop  }
0x130: {  	[tilespmem:s12], [sflag:$0x1] =	stream.indirect_vreg.gather [hbm4b:s8+s2], $0x80, v3, vm0, $0xb8;
	[tilespmem:$0x18080] =	vst v63  }
0x131: {  	v3 =	vld [tilespmem:$0x10];
	_ =	sdelay $0x4  }
0x132: {  	v61 =	vshll.u32 v3, $0x2  }
0x133: {  	v3 =	vand.u32 $0x7, v3;
	v4 =	vand.u32 $0xFFFFFFE0, v61  }
0x134: {  	v3 =	vor.u32 v3, v4  }
0x135: {  	v4 =	vperm.xlane v3, v0;
	_ =	sdelay $0x1  }
0x136: {  	v4 =	vadd.s32 v1, v4;
	_ =	sdelay $0x1  }
0x137: {  	v3 =	vperm.xlane v3, v2;
	_ =	sdelay $0x1  }
0x138: {  	v3 =	vadd.s32 v1, v3  }
0x139: {  	[tilespmem:s13], [sflag:$0x1] =	stream.indirect_vreg.gather [hbm4b:s4+s2], $0x80, v4, vm0, $0xb8;
	[tilespmem:$0x18080] =	vst v63  }
0x13a: {  	_ = 	snop  }
0x13b: {  	[tilespmem:s14], [sflag:$0x1] =	stream.indirect_vreg.gather [hbm4b:s8+s2], $0x80, v4, vm0, $0xb8;
	[tilespmem:$0x18080] =	vst v63  }
0x13c: {  	_ = 	snop  }
0x13d: {  	[tilespmem:s15], [sflag:$0x1] =	stream.indirect_vreg.gather [hbm4b:s4+s2], $0x80, v3, vm0, $0xb8;
	[tilespmem:$0x18080] =	vst v63  }
0x13e: {  	_ = 	snop  }
0x13f: {  	[tilespmem:s16], [sflag:$0x1] =	stream.indirect_vreg.gather [hbm4b:s8+s2], $0x80, v3, vm0, $0xb8;
	[tilespmem:$0x18080] =	vst v63  }
0x140: {  	v3 =	vld [tilespmem:$0x20];
	_ =	sdelay $0x4  }
0x141: {  	v62 =	vshll.u32 v3, $0x2  }
0x142: {  	v3 =	vand.u32 $0x7, v3;
	v4 =	vand.u32 $0xFFFFFFE0, v62  }
0x143: {  	v3 =	vor.u32 v3, v4  }
0x144: {  	v4 =	vperm.xlane v3, v0;
	_ =	sdelay $0x1  }
0x145: {  	v4 =	vadd.s32 v1, v4;
	_ =	sdelay $0x1  }
0x146: {  	v3 =	vperm.xlane v3, v2;
	_ =	sdelay $0x1  }
0x147: {  	v3 =	vadd.s32 v1, v3  }
0x148: {  	[tilespmem:s17], [sflag:$0x1] =	stream.indirect_vreg.gather [hbm4b:s4+s2], $0x80, v4, vm0, $0xb8;
	[tilespmem:$0x18080] =	vst v63  }
0x149: {  	_ = 	snop  }
0x14a: {  	[tilespmem:s19], [sflag:$0x1] =	stream.indirect_vreg.gather [hbm4b:s8+s2], $0x80, v4, vm0, $0xb8;
	[tilespmem:$0x18080] =	vst v63  }
0x14b: {  	_ = 	snop  }
0x14c: {  	[tilespmem:s20], [sflag:$0x1] =	stream.indirect_vreg.gather [hbm4b:s4+s2], $0x80, v3, vm0, $0xb8;
	[tilespmem:$0x18080] =	vst v63  }
0x14d: {  	_ = 	snop  }
0x14e: {  	[tilespmem:s21], [sflag:$0x1] =	stream.indirect_vreg.gather [hbm4b:s8+s2], $0x80, v3, vm0, $0xb8;
	[tilespmem:$0x18080] =	vst v63  }
0x14f: {  	v3 =	vld [tilespmem:$0x30];
	_ =	sdelay $0x4  }
0x150: {  	v63 =	vshll.u32 v3, $0x2  }
0x151: {  	v3 =	vand.u32 $0x7, v3;
	v4 =	vand.u32 $0xFFFFFFE0, v63  }
0x152: {  	v3 =	vor.u32 v3, v4  }
0x153: {  	v4 =	vperm.xlane v3, v0;
	_ =	sdelay $0x1  }
0x154: {  	v4 =	vadd.s32 v1, v4;
	_ =	sdelay $0x1  }
0x155: {  	v3 =	vperm.xlane v3, v2;
	_ =	sdelay $0x1  }
0x156: {  	v3 =	vadd.s32 v1, v3  }
0x157: {  	[tilespmem:s23], [sflag:$0x1] =	stream.indirect_vreg.gather [hbm4b:s4+s2], $0x80, v4, vm0, $0xb8;
	[tilespmem:$0x18080] =	vst v63  }
0x158: {  	_ = 	snop  }
0x159: {  	[tilespmem:s24], [sflag:$0x1] =	stream.indirect_vreg.gather [hbm4b:s8+s2], $0x80, v4, vm0, $0xb8;
	[tilespmem:$0x18080] =	vst v63  }
0x15a: {  	_ = 	snop  }
0x15b: {  	[tilespmem:s25], [sflag:$0x1] =	stream.indirect_vreg.gather [hbm4b:s4+s2], $0x80, v3, vm0, $0xb8;
	[tilespmem:$0x18080] =	vst v63  }
0x15c: {  	_ = 	snop  }
0x15d: {  	[tilespmem:s26], [sflag:$0x1] =	stream.indirect_vreg.gather [hbm4b:s8+s2], $0x80, v3, vm0, $0xb8;
	[tilespmem:$0x18080] =	vst v63  }
0x15e: {  	_ =	swait.ge [sflag:s22], $0x8000  }
0x15f: {  	p0 =	sne.s32 s9, $0x1;
	[sflag:s22] =	ssyncset.done $0x0  }
.Ltmp0:
0x160: {  	s26 =	rddreg [dreg:$0xa];
	[sflag:s22] =	ssyncadd.s32 $0xFFFF8000;
	(pc) =	sbr.rel @p0 .LBB2_1-.Ltmp0, $4  }
0x161: {  	[hbm4b:s26+s2] =	stream.linear.scatter [tilespmem:s0], [sflag:$0x2], $0x8000, $0x38;
	[tilespmem:$0x18080] =	vst v63  }
0x162: {  	_ =	swait.ge [sflag:s10], $0x8000  }
0x163: {  	[sflag:s10] =	ssyncset.done $0x0  }
0x164: {  	s9 =	sadd.s32 $0xFFFFFFFF, s9;
	[sflag:s10] =	ssyncadd.s32 $0xFFFF8000  }
0x165: {  	_ =	sfence.sel $0x180000  }
0x166: {  	[bflag:$0x0] =	sbarrier.arrive $0xFFFF  }
0x167: {  	_ =	strace $0x90000047  }
0x168: {  	s0 =	stileid.u32;
	[bflag:$0x2] =	sbarrier.arrive $0xFFFF  }
0x169: {  	p0 =	sne.s32 s0, $0x0;
	s0 =	rddreg [dreg:$0x2]  }
0x16a: {  	s0 =	sadd.s32 @!p0 $0x100000, s0  }
0x16b: {  	[sflag:s0] =	ssyncadd.tile.s32 @!p0 $0x1;
	_ =	shalt  }
.Lfunc_end2:
_tile_overlayer_lowered:
.L_overlay_start_2:
0x16c: {  	(tag) =	ssettag $0x2  }
0x16d: {  	s0 =	rddreg [dreg:$0x0];
	s2 =	stileid.u32  }
0x16e: {  	s1 =	rddreg [dreg:$0x1];
	p0 =	sne.s32 s2, $0x0  }
0x16f: {  	s3 =	rddreg [dreg:$0x2];
	[bflag:$0x3] =	sbarrier.arrive $0xFFFF;
	s2 =	simm.s32 @!p0 $0x1C02  }
0x170: {  	[timem:s3], [sflag:s2] =	dma.local @!p0 [hbm:s0], s1  }
0x171: {  	s0 =	simm.s32 @!p0 $0x2  }
0x172: {  	_ =	swait.ge @!p0 [sflag:s0], s1  }
0x173: {  	s1 =	ssub.s32 @!p0 $0x0, s1;
	[sflag:s0] =	ssyncset.done @!p0 $0x0  }
0x174: {  	[sflag:s0] =	ssyncadd.s32 @!p0 s1  }
0x175: {  	[bflag:$0x3] =	sbarrier.arrive $0xFFFF  }
0x176: {  	_ =	shalt  }

// kernel: kernel.15.cloned.1.call-start
scs
__scs_entry_jumppad:
0x0: {  	(pc) =	sbr.rel $0x88, $3  }
0x1: {  	(tag) =	ssettag $0x0;
	lr =	simm.s32 $0x1  }
0x2: {  	[smem:$0x3F96] =	sst lr;
	_ =	strace $0xD0000000  }
0x3: {  	_ = 	snop  }
0x4: {  	_ = 	snop  }
0x5: {  	_ = 	snop  }
0x6: {  	_ = 	snop  }
0x7: {  	_ = 	snop  }
__scs_overlays_trampoline_lowered:
0x8: {  	[smem:$0x3FA5] =	sst s0  }
0x9: {  	[smem:$0x3FA6] =	sst s1  }
0xa: {  	[smem:$0x3FA7] =	sst s2  }
0xb: {  	[smem:$0x3FA8] =	sst s3  }
0xc: {  	[smem:$0x3FA9] =	sst s4  }
0xd: {  	[smem:$0x3FAA] =	sst s5  }
0xe: {  	[smem:$0x3FAB] =	sst s6  }
0xf: {  	[smem:$0x3FAC] =	sst s7  }
0x10: {  	[smem:$0x3FAD] =	sst s8  }
0x11: {  	[smem:$0x3FAE] =	sst s9;
	s0 =	simm.s32 @!p0 $0x0  }
0x12: {  	s1 =	sld [smem:$0x3F94];
	s0 =	simm.s32 @p0 $0x1  }
0x13: {  	[smem:$0x3FAF] =	sst s0;
	s0 =	simm.s32 @!p1 $0x0  }
0x14: {  	s2 =	sld [smem:$0x3F93];
	s0 =	simm.s32 @p1 $0x1  }
0x15: {  	[smem:$0x3FB0] =	sst s0;
	s0 =	simm.s32 @!p2 $0x0  }
0x16: {  	s3 =	sld [smem:$0x3FDB];
	s0 =	simm.s32 @p2 $0x1  }
0x17: {  	s4 =	simm.s32 $0x1BF5;
	[smem:$0x3FB2] =	sst s0  }
0x18: {  	s0 =	sld [smem:$0x3F95];
	_ =	swait.ge [sflag:s4], $0x0  }
0x19: {  	s7 =	sld [smem:$0x3F96]  }
0x1a: {  	s8 =	sadd.s32 $0xFFFFE003, lr  }
0x1b: {  	s9 =	sadd.s32 $0xFFFFFEF7, lr;
	s5 =	simm.s32 $0xFFFFFFFF;
	p2 =	slt.u32 s8, $0xFFFFF086  }
0x1c: {  	p1 =	slt.u32 s9, $0xF7A;
	s5 =	simm.s32 @!p2 $0x0  }
0x1d: {  	s5 =	simm.s32 @p1 $0x1;
	p0 =	seq.s32 s7, s2  }
0x1e: {  	s7 =	smul.u32 @!p0 $0xF7A, s2;
	p2 =	seq.s32 @!p0 s5, $0x0  }
0x1f: {  	s9 =	smul.u32 $0xF7A, s1;
	s8 =	simm.s32 @!p0 $0x1BF5;
	p2 =	por !p2, p0  }
0x20: {  	[sflag:s8] =	ssyncset.s32 @!p0 $0xFFFFF086;
	s6 =	sadd.s32 @!p0 s3, s7;
	s7 =	simm.s32 @!p0 $0x108  }
0x21: {  	s3 =	sadd.s32 s3, s9;
	s6 =	sadd.s32 @!p0 $0x88, s6;
	s7 =	simm.s32 @p2 $0x1082  }
0x22: {  	[simem:s7], [sflag:s8] =	dma.local @!p0 [hbm:s6], $0xF7A  }
0x23: {  	s9 =	sor.u32 $0xD0000000, s2;
	s6 =	simm.s32 $0x108;
	_ =	swait.ge @!p0 [sflag:s8], $0x0  }
0x24: {  	s3 =	sadd.s32 $0x88, s3;
	s6 =	simm.s32 @!p1 $0x1082;
	[sflag:s4] =	ssyncset.s32 $0xFFFFF086  }
0x25: {  	[simem:s6], [sflag:s4] =	dma.local [hbm:s3], $0xF7A  }
0x26: {  	[smem:$0x3F96] =	sst s1;
	(tag) =	ssettag s2;
	_ =	strace s9  }
0x27: {  	s1 =	sld [smem:$0x3FA6]  }
0x28: {  	s2 =	sld [smem:$0x3FA7]  }
0x29: {  	s4 =	sld [smem:$0x3FA9]  }
0x2a: {  	p0 =	seq.s32 s5, $0x0;
	s5 =	sld [smem:$0x3FAA]  }
0x2b: {  	s6 =	sld [smem:$0x3FAB]  }
0x2c: {  	s7 =	sld [smem:$0x3FAC]  }
0x2d: {  	s3 =	simm.s32 $0x108;
	s8 =	sld [smem:$0x3FAD]  }
0x2e: {  	s3 =	simm.s32 @!p0 $0x1082;
	s9 =	sld [smem:$0x3FAE]  }
0x2f: {  	lr =	sadd.s32 s0, s3;
	s0 =	sld [smem:$0x3FA5]  }
0x30: {  	s3 =	sld [smem:$0x3FA8]  }
0x31: {  	[smem:$0x3FB1] =	sst s10  }
0x32: {  	s10 =	sld [smem:$0x3FAF];
	_ =	sdelay $0x3  }
0x33: {  	p0 =	seq.s32 s10, $0x1;
	s10 =	sld [smem:$0x3FB1];
	_ =	sdelay $0x3  }
0x34: {  	[smem:$0x3FB1] =	sst s10  }
0x35: {  	s10 =	sld [smem:$0x3FB0];
	_ =	sdelay $0x3  }
0x36: {  	p1 =	seq.s32 s10, $0x1;
	s10 =	sld [smem:$0x3FB1];
	_ =	sdelay $0x3  }
0x37: {  	[smem:$0x3FB1] =	sst s10  }
0x38: {  	s10 =	sld [smem:$0x3FB2]  }
0x39: {  	_ = 	snop;
	(pc) =	sbr.ind lr, $3  }
0x3a: {  	_ = 	snop  }
0x3b: {  	_ = 	snop  }
0x3c: {  	p2 =	seq.s32 s10, $0x1;
	s10 =	sld [smem:$0x3FB1]  }
0x3d: {  	_ =	shalt  }
0x3e: {  	_ =	shalt  }
0x3f: {  	_ =	shalt  }
0x40: {  	_ =	shalt  }
0x41: {  	_ =	shalt  }
0x42: {  	_ =	shalt  }
0x43: {  	_ =	shalt  }
0x44: {  	_ =	shalt  }
0x45: {  	_ =	shalt  }
0x46: {  	_ =	shalt  }
0x47: {  	_ =	shalt  }
0x48: {  	_ =	shalt  }
0x49: {  	_ =	shalt  }
0x4a: {  	_ =	shalt  }
0x4b: {  	_ =	shalt  }
0x4c: {  	_ =	shalt  }
0x4d: {  	_ =	shalt  }
0x4e: {  	_ =	shalt  }
0x4f: {  	_ =	shalt  }
0x50: {  	_ =	shalt  }
0x51: {  	_ =	shalt  }
0x52: {  	_ =	shalt  }
0x53: {  	_ =	shalt  }
0x54: {  	_ =	shalt  }
0x55: {  	_ =	shalt  }
0x56: {  	_ =	shalt  }
0x57: {  	_ =	shalt  }
0x58: {  	_ =	shalt  }
0x59: {  	_ =	shalt  }
0x5a: {  	_ =	shalt  }
0x5b: {  	_ =	shalt  }
0x5c: {  	_ =	shalt  }
0x5d: {  	_ =	shalt  }
0x5e: {  	_ =	shalt  }
0x5f: {  	_ =	shalt  }
0x60: {  	_ =	shalt  }
0x61: {  	_ =	shalt  }
0x62: {  	_ =	shalt  }
0x63: {  	_ =	shalt  }
0x64: {  	_ =	shalt  }
0x65: {  	_ =	shalt  }
0x66: {  	_ =	shalt  }
0x67: {  	_ =	shalt  }
0x68: {  	_ =	shalt  }
0x69: {  	_ =	shalt  }
0x6a: {  	_ =	shalt  }
0x6b: {  	_ =	shalt  }
0x6c: {  	_ =	shalt  }
0x6d: {  	_ =	shalt  }
0x6e: {  	_ =	shalt  }
0x6f: {  	_ =	shalt  }
0x70: {  	_ =	shalt  }
0x71: {  	_ =	shalt  }
0x72: {  	_ =	shalt  }
0x73: {  	_ =	shalt  }
0x74: {  	_ =	shalt  }
0x75: {  	_ =	shalt  }
0x76: {  	_ =	shalt  }
0x77: {  	_ =	shalt  }
0x78: {  	_ =	shalt  }
0x79: {  	_ =	shalt  }
0x7a: {  	_ =	shalt  }
0x7b: {  	_ =	shalt  }
0x7c: {  	_ =	shalt  }
0x7d: {  	_ =	shalt  }
0x7e: {  	_ =	shalt  }
0x7f: {  	_ =	shalt  }
0x80: {  	_ =	shalt  }
0x81: {  	_ =	shalt  }
0x82: {  	_ =	shalt  }
0x83: {  	_ =	shalt  }
0x84: {  	_ =	shalt  }
0x85: {  	_ =	shalt  }
0x86: {  	_ =	shalt  }
0x87: {  	_ =	shalt  }
.Lfunc_end0:
.L_simem_size_0:
called_computation.1_lowered:
.L_overlay_start_0:
0x88: {  	s2 =	sld [smem:$0x3FD9]  }
0x89: {  	s3 =	sld [smem:$0x3FFE];
	_ =	sdelay $0x1  }
0x8a: {  	s1 =	srdreg.scid  }
0x8b: {  	s0 =	sand.u32 $0x1, s1  }
0x8c: {  	s17 =	sshll.u32 s0, $0xA;
	s2 =	sadd.s32 s3, s2  }
0x8d: {  	s2 =	sadd.s32 s2, s17  }
0x8e: {  	[smem:$0x3FBD] =	sst s2  }
0x8f: {  	_ = 	snop  }
0x90: {  	s18 =	sld [smem:$0x3FC7];
	(tm) =	ssettm $0x1  }
0x91: {  	s19 =	sld [smem:$0x3FFB];
	_ =	sdelay $0x3  }
0x92: {  	_ =	strace s19  }
0x93: {  	s2 =	sld [smem:$0x3FFC];
	_ =	sdelay $0x3  }
0x94: {  	_ =	strace s2  }
0x95: {  	s2 =	sld [smem:$0x3FFD];
	_ =	sdelay $0x3  }
0x96: {  	_ =	strace s2  }
0x97: {  	_ =	strace $0x8FFFFFFF  }
0x98: {  	s20 =	sld [smem:$0x3FDB];
	_ =	sdelay $0x1  }
0x99: {  	s4 =	simm.s32 $_scs_section_size  }
0x9a: {  	s5 =	simm.s32 $_size__tile_overlayer_lowered;
	s6 =	simm.s32 $_tile_overlayer_lowered  }
0x9b: {  	s7 =	simm.s32 $0x1BFF;
	s21 =	sshll.u32 s6, $0x1;
	s4 =	sadd.s32 s4, s20  }
0x9c: {  	s22 =	simm.s32 $0x0;
	s5 =	sshll.u32 s5, $0x1;
	s6 =	sadd.s32 s21, s4  }
0x9d: {  	[timem:s22], [sflag:s7] =	dma.local [hbm:s6], s5  }
0x9e: {  	_ =	swait.ge [sflag:s7], s5  }
0x9f: {  	s5 =	ssub.s32 $0x0, s5;
	[sflag:s7] =	ssyncset.done $0x0  }
0xa0: {  	[sflag:s7] =	ssyncadd.s32 s5;
	_ =	sdelay $0x1  }
0xa1: {  	s23 =	simm.s32 $0x1B8B  }
0xa2: {  	_ =	swait.ge [sflag:s23], $0x1  }
0xa3: {  	[sflag:s23] =	ssyncset.done $0x0  }
0xa4: {  	[sflag:s23] =	ssyncadd.s32 $0xFFFFFFFF  }
0xa5: {  	s5 =	sld [smem:$0x0]  }
0xa6: {  	s6 =	sand.u32 $0xFFFFFFFE, s1  }
0xa7: {  	p0 =	sne.s32 s1, s6  }
0xa8: {  	s6 =	sshll.u32 @p0 s6, $0xE  }
0xa9: {  	s6 =	sadd.s32 @p0 $0x11B8D, s6;
	s7 =	sshll.u32 @p0 s5, $0x11  }
0xaa: {  	s6 =	sor.u32 @p0 s7, s6  }
0xab: {  	[sflag:s6] =	ssyncadd.remote.s32 @p0 $0x1;
	_ =	sdelay $0x1  }
0xac: {  	s6 =	simm.s32 @p0 $0x1B8D  }
0xad: {  	_ =	swait.eq @p0 [sflag:s6], $0x1  }
0xae: {  	[sflag:s6] =	ssyncadd.s32 @p0 $0xFFFFFFFF  }
0xaf: {  	s7 =	sshll.u32 @!p0 s1, $0xE  }
0xb0: {  	s7 =	sor.u32 @!p0 $0x4000, s7;
	s6 =	simm.s32 @!p0 $0x1B8D  }
0xb1: {  	s5 =	sshll.u32 @!p0 s5, $0x11;
	s7 =	sadd.s32 @!p0 $0x11B8D, s7;
	_ =	swait.eq @!p0 [sflag:s6], $0x1  }
0xb2: {  	s5 =	sor.u32 @!p0 s5, s7;
	[sflag:s6] =	ssyncadd.s32 @!p0 $0xFFFFFFFF  }
0xb3: {  	s25 =	simm.s32 $0x1B8E;
	s24 =	sld [smem:$0x3FFE];
	[sflag:s5] =	ssyncadd.remote.s32 @!p0 $0x1  }
0xb4: {  	s26 =	simm.s32 $execute0_lowered;
	[smem:$0x3FD2] =	sst s25  }
0xb5: {  	s6 =	sshll.u32 s26, $0x1;
	_ =	strace $0x80000049;
	[dreg:$0x1] =	wrdreg $0xFFFFFFFF  }
0xb6: {  	s28 =	simm.s32 $_size_execute0_lowered;
	s4 =	sadd.s32 s4, s6;
	[dreg:$0x0] =	wrdreg $0x0  }
0xb7: {  	s6 =	sshll.u32 s28, $0x1;
	[dreg:$0x2] =	wrdreg s4  }
0xb8: {  	[dreg:$0x3] =	wrdreg s6  }
0xb9: {  	[dreg:$0x4] =	wrdreg $0xC0  }
0xba: {  	_ =	task [dreg:s22], $0x5FFFF  }
0xbb: {  	[dreg:$0x1] =	wrdreg $0xFFFFFFFF  }
0xbc: {  	[dreg:$0x0] =	wrdreg $0x60  }
0xbd: {  	[dreg:$0x2] =	wrdreg s18  }
0xbe: {  	[dreg:$0x3] =	wrdreg s24  }
0xbf: {  	[dreg:$0x4] =	wrdreg $0xA  }
0xc0: {  	_ =	task.clear_ibuf [dreg:s22], $0x5FFFF;
	_ =	strace $0x90000049  }
0xc1: {  	s29 =	simm.s32 $0xA;
	_ =	strace $0x8000004B  }
0xc2: {  	_ =	swait.ge [sflag:s29], $0x1  }
0xc3: {  	[sflag:s29] =	ssyncadd.s32 $0xFFFFFFFF  }
0xc4: {  	_ =	strace $0x9000004B  }
0xc5: {  	_ =	sfence  }
0xc6: {  	s30 =	sld [smem:$0x0];
	_ =	sdelay $0x2  }
0xc7: {  	s31 =	sshll.u32 s1, $0xD;
	s1 =	sshrl.u32 s1, $0x2  }
0xc8: {  	s4 =	sand.u32 $0x4000, s31;
	s1 =	sadd.s32 s1, s30  }
0xc9: {  	s0 =	sor.u32 s4, s0;
	s1 =	sshll.u32 s1, $0x11  }
0xca: {  	s0 =	sor.u32 s1, s0  }
0xcb: {  	s0 =	sadd.s32 $0x8F2B, s0  }
0xcc: {  	[sflag:s0] =	ssyncadd.remote.s32 $0x1  }
0xcd: {  	_ =	sfence.sel $0xFFFF  }
0xce: {  	[dreg:$0x0] =	wrdreg $0xFFFFFFFF;
	(pc) =	sbr.abs _section_cstart, $3  }
0xcf: {  	[dreg:$0x1] =	wrdreg $0xFFFFFFFF  }
0xd0: {  	_ =	task.clear_ibuf [dreg:s22], $0x2FFFF;
	_ =	strace $0x9FFFFFFF  }
0xd1: {  	(tm) =	ssettm $0x7FFFFFFF  }
tec
execute0_lowered:
.L_overlay_start_1:
0x0: {  	(tag) =	ssettag $0x1  }
0x1: {  	s1 =	rddreg [dreg:$0x0]  }
0x2: {  	s0 =	rddreg [dreg:$0x1]  }
0x3: {  	s2 =	simm.s32 $0x0;
	s3 =	srdreg.scid;
	s7 =	stileid.u32  }
0x4: {  	s28 =	simm.s32 $0x3880;
	s29 =	simm.s32 $0x4080;
	s30 =	simm.s32 $0x4880  }
0x5: {  	s31 =	simm.s32 $0x5080;
	[smem:$0x7FF] =	sst s2;
	s4 =	sadd.s32 $0x3E00, s0  }
0x6: {  	s5 =	sadd.s32 $0x14000, s0;
	s3 =	sand.u32 $0x1, s3;
	s6 =	sadd.s32 $0x13E00, s0  }
0x7: {  	s7 =	sshll.u32 s7, $0x8;
	s9 =	sadd.s32 $0x114A00, s0;
	s19 =	sadd.s32 $0xD4A00, s0  }
0x8: {  	_ =	strace $0x8000004A;
	s8 =	sshll.u32 s3, $0x7;
	s3 =	ssub.s32 $0x2, s3  }
0x9: {  	s7 =	sor.u32 s8, s7;
	s10 =	sshrl.u32 s3, $0x1;
	s8 =	sadd.s32 $0x3F00, s0  }
0xa: {  	s11 =	sshrl.u32 s7, $0x3;
	s13 =	sshll.u32 s7, $0x7;
	s14 =	sor.u32 $0x40, s7  }
0xb: {  	s3 =	ssub.s32 s3, s10;
	s7 =	sshll.u32 s7, $0x6;
	s12 =	sadd.s32 s5, s11  }
0xc: {  	s10 =	simm.s32 $0x2;
	s20 =	sadd.s32 s9, s13;
	[dreg:$0x3] =	wrdreg s12  }
0xd: {  	s21 =	sshrl.u32 s14, $0x3;
	s24 =	sadd.s32 s6, s11;
	[dreg:$0x4] =	wrdreg s20  }
0xe: {  	s22 =	sshll.u32 s14, $0x7;
	s7 =	sadd.s32 s19, s7;
	[dreg:$0x7] =	wrdreg s24  }
0xf: {  	s26 =	sshll.u32 s14, $0x6;
	s5 =	sadd.s32 s5, s21;
	[dreg:$0x8] =	wrdreg s7  }
0x10: {  	s23 =	sadd.s32 s9, s22;
	s25 =	sadd.s32 s6, s21;
	[dreg:$0x5] =	wrdreg s5  }
0x11: {  	v2 =	vlaneseq.u32;
	s6 =	sadd.s32 $0x200, s1;
	s9 =	sadd.s32 s19, s26;
	[dreg:$0x6] =	wrdreg s23  }
0x12: {  	vm0 =	vmmov $0xffff;
	v1 =	vshrl.u32 v2, $0x3;
	s7 =	sadd.s32 $0x300, s1;
	s22 =	simm.s32 $0x1;
	[dreg:$0x9] =	wrdreg s25  }
0x13: {  	v0 =	vand.u32 $0x7, v2;
	v2 =	vor.u32 $0x8, v2;
	v1 =	vmul.u32 $0x8, v1;
	s5 =	sadd.s32 $0x100, s1;
	[dreg:$0xa] =	wrdreg s9;
	s9 =	smax.u32 s3, $0x1  }
.LBB2_1:
0x14: {  	s18 =	rddreg [dreg:$0x3]  }
0x15: {  	[tilespmem:s2], [sflag:$0x2] =	stream.linear.gather [hbm4b:s18+s2], $0x40, $0x38;
	[tilespmem:$0x18080] =	vst v63  }
0x16: {  	_ =	swait.ge [sflag:s10], $0x40  }
0x17: {  	[sflag:s10] =	ssyncset.done $0x0  }
0x18: {  	[sflag:s10] =	ssyncadd.s32 $0xFFFFFFC0  }
0x19: {  	v3 =	vld [tilespmem:$0x0];
	_ =	sdelay $0x4  }
0x1a: {  	v4 =	vshll.u32 v3, $0x3  }
0x1b: {  	v3 =	vand.u32 $0x7, v3;
	v4 =	vand.u32 $0xFFFFFFC0, v4  }
0x1c: {  	v3 =	vor.u32 v3, v4  }
0x1d: {  	v4 =	vperm.xlane v3, v0;
	_ =	sdelay $0x1  }
0x1e: {  	v4 =	vadd.s32 v1, v4;
	_ =	sdelay $0x3  }
0x1f: {  	s23 =	simm.s32 $0x80  }
0x20: {  	[tilespmem:s23], [sflag:$0x1] =	stream.indirect_vreg.gather [hbm4b:s1+s2], $0x80, v4, vm0, $0xb8;
	[tilespmem:$0x18080] =	vst v63  }
0x21: {  	s19 =	simm.s32 $0x880;
	v3 =	vperm.xlane v3, v2  }
0x22: {  	[tilespmem:s19], [sflag:$0x1] =	stream.indirect_vreg.gather [hbm4b:s5+s2], $0x80, v4, vm0, $0xb8;
	[tilespmem:$0x18080] =	vst v63  }
0x23: {  	s20 =	simm.s32 $0x1080;
	v3 =	vadd.s32 v1, v3  }
0x24: {  	[tilespmem:s20], [sflag:$0x1] =	stream.indirect_vreg.gather [hbm4b:s6+s2], $0x80, v4, vm0, $0xb8;
	[tilespmem:$0x18080] =	vst v63  }
0x25: {  	s21 =	simm.s32 $0x1880  }
0x26: {  	[tilespmem:s21], [sflag:$0x1] =	stream.indirect_vreg.gather [hbm4b:s7+s2], $0x80, v4, vm0, $0xb8;
	[tilespmem:$0x18080] =	vst v63  }
0x27: {  	s24 =	simm.s32 $0x2080  }
0x28: {  	[tilespmem:s24], [sflag:$0x1] =	stream.indirect_vreg.gather [hbm4b:s1+s2], $0x80, v3, vm0, $0xb8;
	[tilespmem:$0x18080] =	vst v63  }
0x29: {  	s25 =	simm.s32 $0x2880  }
0x2a: {  	[tilespmem:s25], [sflag:$0x1] =	stream.indirect_vreg.gather [hbm4b:s5+s2], $0x80, v3, vm0, $0xb8;
	[tilespmem:$0x18080] =	vst v63  }
0x2b: {  	s26 =	simm.s32 $0x3080  }
0x2c: {  	[tilespmem:s26], [sflag:$0x1] =	stream.indirect_vreg.gather [hbm4b:s6+s2], $0x80, v3, vm0, $0xb8;
	[tilespmem:$0x18080] =	vst v63  }
0x2d: {  	_ = 	snop  }
0x2e: {  	[tilespmem:s28], [sflag:$0x1] =	stream.indirect_vreg.gather [hbm4b:s7+s2], $0x80, v3, vm0, $0xb8;
	[tilespmem:$0x18080] =	vst v63  }
0x2f: {  	v3 =	vld [tilespmem:$0x10];
	_ =	sdelay $0x4  }
0x30: {  	v49 =	vshll.u32 v3, $0x3  }
0x31: {  	v3 =	vand.u32 $0x7, v3;
	v4 =	vand.u32 $0xFFFFFFC0, v49  }
0x32: {  	v3 =	vor.u32 v3, v4  }
0x33: {  	v4 =	vperm.xlane v3, v0;
	_ =	sdelay $0x1  }
0x34: {  	v4 =	vadd.s32 v1, v4;
	_ =	sdelay $0x4  }
0x35: {  	[tilespmem:s29], [sflag:$0x1] =	stream.indirect_vreg.gather [hbm4b:s1+s2], $0x80, v4, vm0, $0xb8;
	[tilespmem:$0x18080] =	vst v63  }
0x36: {  	v3 =	vperm.xlane v3, v2  }
0x37: {  	[tilespmem:s30], [sflag:$0x1] =	stream.indirect_vreg.gather [hbm4b:s5+s2], $0x80, v4, vm0, $0xb8;
	[tilespmem:$0x18080] =	vst v63  }
0x38: {  	v3 =	vadd.s32 v1, v3  }
0x39: {  	[tilespmem:s31], [sflag:$0x1] =	stream.indirect_vreg.gather [hbm4b:s6+s2], $0x80, v4, vm0, $0xb8;
	[tilespmem:$0x18080] =	vst v63  }
0x3a: {  	s0 =	simm.s32 $0x5880  }
0x3b: {  	[tilespmem:s0], [sflag:$0x1] =	stream.indirect_vreg.gather [hbm4b:s7+s2], $0x80, v4, vm0, $0xb8;
	[tilespmem:$0x18080] =	vst v63  }
0x3c: {  	s3 =	simm.s32 $0x6080  }
0x3d: {  	[tilespmem:s3], [sflag:$0x1] =	stream.indirect_vreg.gather [hbm4b:s1+s2], $0x80, v3, vm0, $0xb8;
	[tilespmem:$0x18080] =	vst v63  }
0x3e: {  	s12 =	simm.s32 $0x6880  }
0x3f: {  	[tilespmem:s12], [sflag:$0x1] =	stream.indirect_vreg.gather [hbm4b:s5+s2], $0x80, v3, vm0, $0xb8;
	[tilespmem:$0x18080] =	vst v63  }
0x40: {  	s13 =	simm.s32 $0x7080  }
0x41: {  	[tilespmem:s13], [sflag:$0x1] =	stream.indirect_vreg.gather [hbm4b:s6+s2], $0x80, v3, vm0, $0xb8;
	[tilespmem:$0x18080] =	vst v63  }
0x42: {  	s14 =	simm.s32 $0x7880  }
0x43: {  	[tilespmem:s14], [sflag:$0x1] =	stream.indirect_vreg.gather [hbm4b:s7+s2], $0x80, v3, vm0, $0xb8;
	[tilespmem:$0x18080] =	vst v63  }
0x44: {  	v3 =	vld [tilespmem:$0x20];
	_ =	sdelay $0x4  }
0x45: {  	v50 =	vshll.u32 v3, $0x3  }
0x46: {  	v3 =	vand.u32 $0x7, v3;
	v4 =	vand.u32 $0xFFFFFFC0, v50  }
0x47: {  	v3 =	vor.u32 v3, v4  }
0x48: {  	v4 =	vperm.xlane v3, v0;
	_ =	sdelay $0x1  }
0x49: {  	v4 =	vadd.s32 v1, v4;
	_ =	sdelay $0x3  }
0x4a: {  	s15 =	simm.s32 $0x8080  }
0x4b: {  	[tilespmem:s15], [sflag:$0x1] =	stream.indirect_vreg.gather [hbm4b:s1+s2], $0x80, v4, vm0, $0xb8;
	[tilespmem:$0x18080] =	vst v63  }
0x4c: {  	s16 =	simm.s32 $0x8880;
	v3 =	vperm.xlane v3, v2  }
0x4d: {  	[tilespmem:s16], [sflag:$0x1] =	stream.indirect_vreg.gather [hbm4b:s5+s2], $0x80, v4, vm0, $0xb8;
	[tilespmem:$0x18080] =	vst v63  }
0x4e: {  	s17 =	simm.s32 $0x9080;
	v3 =	vadd.s32 v1, v3  }
0x4f: {  	[tilespmem:s17], [sflag:$0x1] =	stream.indirect_vreg.gather [hbm4b:s6+s2], $0x80, v4, vm0, $0xb8;
	[tilespmem:$0x18080] =	vst v63  }
0x50: {  	s11 =	simm.s32 $0x9880  }
0x51: {  	[tilespmem:s11], [sflag:$0x1] =	stream.indirect_vreg.gather [hbm4b:s7+s2], $0x80, v4, vm0, $0xb8;
	[tilespmem:$0x18080] =	vst v63  }
0x52: {  	s18 =	simm.s32 $0xA080  }
0x53: {  	[tilespmem:s18], [sflag:$0x1] =	stream.indirect_vreg.gather [hbm4b:s1+s2], $0x80, v3, vm0, $0xb8;
	[tilespmem:$0x18080] =	vst v63  }
0x54: {  	s18 =	simm.s32 $0xA880  }
0x55: {  	[tilespmem:s18], [sflag:$0x1] =	stream.indirect_vreg.gather [hbm4b:s5+s2], $0x80, v3, vm0, $0xb8;
	[tilespmem:$0x18080] =	vst v63  }
0x56: {  	s18 =	simm.s32 $0xB080  }
0x57: {  	[tilespmem:s18], [sflag:$0x1] =	stream.indirect_vreg.gather [hbm4b:s6+s2], $0x80, v3, vm0, $0xb8;
	[tilespmem:$0x18080] =	vst v63  }
0x58: {  	s18 =	simm.s32 $0xB880  }
0x59: {  	[tilespmem:s18], [sflag:$0x1] =	stream.indirect_vreg.gather [hbm4b:s7+s2], $0x80, v3, vm0, $0xb8;
	[tilespmem:$0x18080] =	vst v63  }
0x5a: {  	v3 =	vld [tilespmem:$0x30];
	_ =	sdelay $0x4  }
0x5b: {  	v51 =	vshll.u32 v3, $0x3  }
0x5c: {  	v3 =	vand.u32 $0x7, v3;
	v4 =	vand.u32 $0xFFFFFFC0, v51  }
0x5d: {  	v3 =	vor.u32 v3, v4  }
0x5e: {  	v4 =	vperm.xlane v3, v0;
	_ =	sdelay $0x1  }
0x5f: {  	v4 =	vadd.s32 v1, v4;
	_ =	sdelay $0x3  }
0x60: {  	s18 =	simm.s32 $0xC080  }
0x61: {  	[tilespmem:s18], [sflag:$0x1] =	stream.indirect_vreg.gather [hbm4b:s1+s2], $0x80, v4, vm0, $0xb8;
	[tilespmem:$0x18080] =	vst v63  }
0x62: {  	v3 =	vperm.xlane v3, v2;
	s18 =	simm.s32 $0xC880  }
0x63: {  	[tilespmem:s18], [sflag:$0x1] =	stream.indirect_vreg.gather [hbm4b:s5+s2], $0x80, v4, vm0, $0xb8;
	[tilespmem:$0x18080] =	vst v63  }
0x64: {  	v3 =	vadd.s32 v1, v3;
	s18 =	simm.s32 $0xD080  }
0x65: {  	[tilespmem:s18], [sflag:$0x1] =	stream.indirect_vreg.gather [hbm4b:s6+s2], $0x80, v4, vm0, $0xb8;
	[tilespmem:$0x18080] =	vst v63  }
0x66: {  	s18 =	simm.s32 $0xD880  }
0x67: {  	[tilespmem:s18], [sflag:$0x1] =	stream.indirect_vreg.gather [hbm4b:s7+s2], $0x80, v4, vm0, $0xb8;
	[tilespmem:$0x18080] =	vst v63  }
0x68: {  	s18 =	simm.s32 $0xE080  }
0x69: {  	[tilespmem:s18], [sflag:$0x1] =	stream.indirect_vreg.gather [hbm4b:s1+s2], $0x80, v3, vm0, $0xb8;
	[tilespmem:$0x18080] =	vst v63  }
0x6a: {  	s18 =	simm.s32 $0xE880  }
0x6b: {  	[tilespmem:s18], [sflag:$0x1] =	stream.indirect_vreg.gather [hbm4b:s5+s2], $0x80, v3, vm0, $0xb8;
	[tilespmem:$0x18080] =	vst v63  }
0x6c: {  	s18 =	simm.s32 $0xF080  }
0x6d: {  	[tilespmem:s18], [sflag:$0x1] =	stream.indirect_vreg.gather [hbm4b:s6+s2], $0x80, v3, vm0, $0xb8;
	[tilespmem:$0x18080] =	vst v63  }
0x6e: {  	s18 =	simm.s32 $0xF880  }
0x6f: {  	[tilespmem:s18], [sflag:$0x1] =	stream.indirect_vreg.gather [hbm4b:s7+s2], $0x80, v3, vm0, $0xb8;
	[tilespmem:$0x18080] =	vst v63  }
0x70: {  	_ =	swait.ge [sflag:s22], $0x10000  }
0x71: {  	[sflag:s22] =	ssyncset.done $0x0  }
0x72: {  	s18 =	rddreg [dreg:$0x4];
	[sflag:s22] =	ssyncadd.s32 $0xFFFF0000  }
0x73: {  	[hbm4b:s18+s2] =	stream.linear.scatter [tilespmem:s23], [sflag:$0x2], $0x10000, $0x38;
	[tilespmem:$0x18080] =	vst v63  }
0x74: {  	_ =	swait.ge [sflag:s10], $0x10000  }
0x75: {  	[sflag:s10] =	ssyncset.done $0x0  }
0x76: {  	s18 =	rddreg [dreg:$0x5];
	[sflag:s10] =	ssyncadd.s32 $0xFFFF0000  }
0x77: {  	[tilespmem:s2], [sflag:$0x2] =	stream.linear.gather [hbm4b:s18+s2], $0x40, $0x38;
	[tilespmem:$0x18080] =	vst v63  }
0x78: {  	_ =	swait.ge [sflag:s10], $0x40  }
0x79: {  	[sflag:s10] =	ssyncset.done $0x0  }
0x7a: {  	[sflag:s10] =	ssyncadd.s32 $0xFFFFFFC0  }
0x7b: {  	v3 =	vld [tilespmem:$0x0];
	_ =	sdelay $0x4  }
0x7c: {  	v52 =	vshll.u32 v3, $0x3  }
0x7d: {  	v3 =	vand.u32 $0x7, v3;
	v4 =	vand.u32 $0xFFFFFFC0, v52  }
0x7e: {  	v3 =	vor.u32 v3, v4  }
0x7f: {  	v4 =	vperm.xlane v3, v0;
	_ =	sdelay $0x1  }
0x80: {  	v4 =	vadd.s32 v1, v4;
	_ =	sdelay $0x4  }
0x81: {  	[tilespmem:s23], [sflag:$0x1] =	stream.indirect_vreg.gather [hbm4b:s1+s2], $0x80, v4, vm0, $0xb8;
	[tilespmem:$0x18080] =	vst v63  }
0x82: {  	v3 =	vperm.xlane v3, v2  }
0x83: {  	[tilespmem:s19], [sflag:$0x1] =	stream.indirect_vreg.gather [hbm4b:s5+s2], $0x80, v4, vm0, $0xb8;
	[tilespmem:$0x18080] =	vst v63  }
0x84: {  	v3 =	vadd.s32 v1, v3  }
0x85: {  	[tilespmem:s20], [sflag:$0x1] =	stream.indirect_vreg.gather [hbm4b:s6+s2], $0x80, v4, vm0, $0xb8;
	[tilespmem:$0x18080] =	vst v63  }
0x86: {  	_ = 	snop  }
0x87: {  	[tilespmem:s21], [sflag:$0x1] =	stream.indirect_vreg.gather [hbm4b:s7+s2], $0x80, v4, vm0, $0xb8;
	[tilespmem:$0x18080] =	vst v63  }
0x88: {  	_ = 	snop  }
0x89: {  	[tilespmem:s24], [sflag:$0x1] =	stream.indirect_vreg.gather [hbm4b:s1+s2], $0x80, v3, vm0, $0xb8;
	[tilespmem:$0x18080] =	vst v63  }
0x8a: {  	_ = 	snop  }
0x8b: {  	[tilespmem:s25], [sflag:$0x1] =	stream.indirect_vreg.gather [hbm4b:s5+s2], $0x80, v3, vm0, $0xb8;
	[tilespmem:$0x18080] =	vst v63  }
0x8c: {  	_ = 	snop  }
0x8d: {  	[tilespmem:s26], [sflag:$0x1] =	stream.indirect_vreg.gather [hbm4b:s6+s2], $0x80, v3, vm0, $0xb8;
	[tilespmem:$0x18080] =	vst v63  }
0x8e: {  	_ = 	snop  }
0x8f: {  	[tilespmem:s28], [sflag:$0x1] =	stream.indirect_vreg.gather [hbm4b:s7+s2], $0x80, v3, vm0, $0xb8;
	[tilespmem:$0x18080] =	vst v63  }
0x90: {  	v3 =	vld [tilespmem:$0x10];
	_ =	sdelay $0x4  }
0x91: {  	v53 =	vshll.u32 v3, $0x3  }
0x92: {  	v3 =	vand.u32 $0x7, v3;
	v4 =	vand.u32 $0xFFFFFFC0, v53  }
0x93: {  	v3 =	vor.u32 v3, v4  }
0x94: {  	v4 =	vperm.xlane v3, v0;
	_ =	sdelay $0x1  }
0x95: {  	v4 =	vadd.s32 v1, v4;
	_ =	sdelay $0x4  }
0x96: {  	[tilespmem:s29], [sflag:$0x1] =	stream.indirect_vreg.gather [hbm4b:s1+s2], $0x80, v4, vm0, $0xb8;
	[tilespmem:$0x18080] =	vst v63  }
0x97: {  	v3 =	vperm.xlane v3, v2  }
0x98: {  	[tilespmem:s30], [sflag:$0x1] =	stream.indirect_vreg.gather [hbm4b:s5+s2], $0x80, v4, vm0, $0xb8;
	[tilespmem:$0x18080] =	vst v63  }
0x99: {  	v3 =	vadd.s32 v1, v3  }
0x9a: {  	[tilespmem:s31], [sflag:$0x1] =	stream.indirect_vreg.gather [hbm4b:s6+s2], $0x80, v4, vm0, $0xb8;
	[tilespmem:$0x18080] =	vst v63  }
0x9b: {  	_ = 	snop  }
0x9c: {  	[tilespmem:s0], [sflag:$0x1] =	stream.indirect_vreg.gather [hbm4b:s7+s2], $0x80, v4, vm0, $0xb8;
	[tilespmem:$0x18080] =	vst v63  }
0x9d: {  	_ = 	snop  }
0x9e: {  	[tilespmem:s3], [sflag:$0x1] =	stream.indirect_vreg.gather [hbm4b:s1+s2], $0x80, v3, vm0, $0xb8;
	[tilespmem:$0x18080] =	vst v63  }
0x9f: {  	_ = 	snop  }
0xa0: {  	[tilespmem:s12], [sflag:$0x1] =	stream.indirect_vreg.gather [hbm4b:s5+s2], $0x80, v3, vm0, $0xb8;
	[tilespmem:$0x18080] =	vst v63  }
0xa1: {  	_ = 	snop  }
0xa2: {  	[tilespmem:s13], [sflag:$0x1] =	stream.indirect_vreg.gather [hbm4b:s6+s2], $0x80, v3, vm0, $0xb8;
	[tilespmem:$0x18080] =	vst v63  }
0xa3: {  	_ = 	snop  }
0xa4: {  	[tilespmem:s14], [sflag:$0x1] =	stream.indirect_vreg.gather [hbm4b:s7+s2], $0x80, v3, vm0, $0xb8;
	[tilespmem:$0x18080] =	vst v63  }
0xa5: {  	v3 =	vld [tilespmem:$0x20];
	_ =	sdelay $0x4  }
0xa6: {  	v54 =	vshll.u32 v3, $0x3  }
0xa7: {  	v3 =	vand.u32 $0x7, v3;
	v4 =	vand.u32 $0xFFFFFFC0, v54  }
0xa8: {  	v3 =	vor.u32 v3, v4  }
0xa9: {  	v4 =	vperm.xlane v3, v0;
	_ =	sdelay $0x1  }
0xaa: {  	v4 =	vadd.s32 v1, v4;
	_ =	sdelay $0x4  }
0xab: {  	[tilespmem:s15], [sflag:$0x1] =	stream.indirect_vreg.gather [hbm4b:s1+s2], $0x80, v4, vm0, $0xb8;
	[tilespmem:$0x18080] =	vst v63  }
0xac: {  	v3 =	vperm.xlane v3, v2  }
0xad: {  	[tilespmem:s16], [sflag:$0x1] =	stream.indirect_vreg.gather [hbm4b:s5+s2], $0x80, v4, vm0, $0xb8;
	[tilespmem:$0x18080] =	vst v63  }
0xae: {  	v3 =	vadd.s32 v1, v3  }
0xaf: {  	[tilespmem:s17], [sflag:$0x1] =	stream.indirect_vreg.gather [hbm4b:s6+s2], $0x80, v4, vm0, $0xb8;
	[tilespmem:$0x18080] =	vst v63  }
0xb0: {  	_ = 	snop  }
0xb1: {  	[tilespmem:s11], [sflag:$0x1] =	stream.indirect_vreg.gather [hbm4b:s7+s2], $0x80, v4, vm0, $0xb8;
	[tilespmem:$0x18080] =	vst v63  }
0xb2: {  	s3 =	simm.s32 $0xA080  }
0xb3: {  	[tilespmem:s3], [sflag:$0x1] =	stream.indirect_vreg.gather [hbm4b:s1+s2], $0x80, v3, vm0, $0xb8;
	[tilespmem:$0x18080] =	vst v63  }
0xb4: {  	s11 =	simm.s32 $0xA880  }
0xb5: {  	[tilespmem:s11], [sflag:$0x1] =	stream.indirect_vreg.gather [hbm4b:s5+s2], $0x80, v3, vm0, $0xb8;
	[tilespmem:$0x18080] =	vst v63  }
0xb6: {  	s12 =	simm.s32 $0xB080  }
0xb7: {  	[tilespmem:s12], [sflag:$0x1] =	stream.indirect_vreg.gather [hbm4b:s6+s2], $0x80, v3, vm0, $0xb8;
	[tilespmem:$0x18080] =	vst v63  }
0xb8: {  	s13 =	simm.s32 $0xB880  }
0xb9: {  	[tilespmem:s13], [sflag:$0x1] =	stream.indirect_vreg.gather [hbm4b:s7+s2], $0x80, v3, vm0, $0xb8;
	[tilespmem:$0x18080] =	vst v63  }
0xba: {  	v3 =	vld [tilespmem:$0x30];
	_ =	sdelay $0x4  }
0xbb: {  	v55 =	vshll.u32 v3, $0x3  }
0xbc: {  	v3 =	vand.u32 $0x7, v3;
	v4 =	vand.u32 $0xFFFFFFC0, v55  }
0xbd: {  	v3 =	vor.u32 v3, v4  }
0xbe: {  	v4 =	vperm.xlane v3, v0;
	_ =	sdelay $0x1  }
0xbf: {  	v4 =	vadd.s32 v1, v4;
	_ =	sdelay $0x3  }
0xc0: {  	s14 =	simm.s32 $0xC080  }
0xc1: {  	[tilespmem:s14], [sflag:$0x1] =	stream.indirect_vreg.gather [hbm4b:s1+s2], $0x80, v4, vm0, $0xb8;
	[tilespmem:$0x18080] =	vst v63  }
0xc2: {  	s15 =	simm.s32 $0xC880;
	v3 =	vperm.xlane v3, v2  }
0xc3: {  	[tilespmem:s15], [sflag:$0x1] =	stream.indirect_vreg.gather [hbm4b:s5+s2], $0x80, v4, vm0, $0xb8;
	[tilespmem:$0x18080] =	vst v63  }
0xc4: {  	s16 =	simm.s32 $0xD080;
	v3 =	vadd.s32 v1, v3  }
0xc5: {  	[tilespmem:s16], [sflag:$0x1] =	stream.indirect_vreg.gather [hbm4b:s6+s2], $0x80, v4, vm0, $0xb8;
	[tilespmem:$0x18080] =	vst v63  }
0xc6: {  	s17 =	simm.s32 $0xD880  }
0xc7: {  	[tilespmem:s17], [sflag:$0x1] =	stream.indirect_vreg.gather [hbm4b:s7+s2], $0x80, v4, vm0, $0xb8;
	[tilespmem:$0x18080] =	vst v63  }
0xc8: {  	s18 =	simm.s32 $0xE080  }
0xc9: {  	[tilespmem:s18], [sflag:$0x1] =	stream.indirect_vreg.gather [hbm4b:s1+s2], $0x80, v3, vm0, $0xb8;
	[tilespmem:$0x18080] =	vst v63  }
0xca: {  	s19 =	simm.s32 $0xE880  }
0xcb: {  	[tilespmem:s19], [sflag:$0x1] =	stream.indirect_vreg.gather [hbm4b:s5+s2], $0x80, v3, vm0, $0xb8;
	[tilespmem:$0x18080] =	vst v63  }
0xcc: {  	s20 =	simm.s32 $0xF080  }
0xcd: {  	[tilespmem:s20], [sflag:$0x1] =	stream.indirect_vreg.gather [hbm4b:s6+s2], $0x80, v3, vm0, $0xb8;
	[tilespmem:$0x18080] =	vst v63  }
0xce: {  	s21 =	simm.s32 $0xF880  }
0xcf: {  	[tilespmem:s21], [sflag:$0x1] =	stream.indirect_vreg.gather [hbm4b:s7+s2], $0x80, v3, vm0, $0xb8;
	[tilespmem:$0x18080] =	vst v63  }
0xd0: {  	_ =	swait.ge [sflag:s22], $0x10000  }
0xd1: {  	[sflag:s22] =	ssyncset.done $0x0  }
0xd2: {  	s24 =	rddreg [dreg:$0x6];
	[sflag:s22] =	ssyncadd.s32 $0xFFFF0000  }
0xd3: {  	[hbm4b:s24+s2] =	stream.linear.scatter [tilespmem:s23], [sflag:$0x2], $0x10000, $0x38;
	[tilespmem:$0x18080] =	vst v63  }
0xd4: {  	_ =	swait.ge [sflag:s10], $0x10000  }
0xd5: {  	[sflag:s10] =	ssyncset.done $0x0  }
0xd6: {  	s25 =	rddreg [dreg:$0x7];
	[sflag:s10] =	ssyncadd.s32 $0xFFFF0000  }
0xd7: {  	[tilespmem:s2], [sflag:$0x2] =	stream.linear.gather [hbm4b:s25+s2], $0x40, $0x38;
	[tilespmem:$0x18080] =	vst v63  }
0xd8: {  	_ =	swait.ge [sflag:s10], $0x40  }
0xd9: {  	[sflag:s10] =	ssyncset.done $0x0  }
0xda: {  	[sflag:s10] =	ssyncadd.s32 $0xFFFFFFC0  }
0xdb: {  	v3 =	vld [tilespmem:$0x0];
	_ =	sdelay $0x4  }
0xdc: {  	v56 =	vshll.u32 v3, $0x2  }
0xdd: {  	v3 =	vand.u32 $0x7, v3;
	v4 =	vand.u32 $0xFFFFFFE0, v56  }
0xde: {  	v3 =	vor.u32 v3, v4  }
0xdf: {  	v4 =	vperm.xlane v3, v0;
	_ =	sdelay $0x1  }
0xe0: {  	v4 =	vadd.s32 v1, v4;
	_ =	sdelay $0x1  }
0xe1: {  	v3 =	vperm.xlane v3, v2;
	_ =	sdelay $0x1  }
0xe2: {  	s0 =	simm.s32 $0x10080;
	v3 =	vadd.s32 v1, v3  }
0xe3: {  	[tilespmem:s0], [sflag:$0x1] =	stream.indirect_vreg.gather [hbm4b:s4+s2], $0x80, v4, vm0, $0xb8;
	[tilespmem:$0x18080] =	vst v63  }
0xe4: {  	s3 =	simm.s32 $0x10880  }
0xe5: {  	[tilespmem:s3], [sflag:$0x1] =	stream.indirect_vreg.gather [hbm4b:s8+s2], $0x80, v4, vm0, $0xb8;
	[tilespmem:$0x18080] =	vst v63  }
0xe6: {  	s11 =	simm.s32 $0x11080  }
0xe7: {  	[tilespmem:s11], [sflag:$0x1] =	stream.indirect_vreg.gather [hbm4b:s4+s2], $0x80, v3, vm0, $0xb8;
	[tilespmem:$0x18080] =	vst v63  }
0xe8: {  	s12 =	simm.s32 $0x11880  }
0xe9: {  	[tilespmem:s12], [sflag:$0x1] =	stream.indirect_vreg.gather [hbm4b:s8+s2], $0x80, v3, vm0, $0xb8;
	[tilespmem:$0x18080] =	vst v63  }
0xea: {  	v3 =	vld [tilespmem:$0x10];
	_ =	sdelay $0x4  }
0xeb: {  	v57 =	vshll.u32 v3, $0x2  }
0xec: {  	v3 =	vand.u32 $0x7, v3;
	v4 =	vand.u32 $0xFFFFFFE0, v57  }
0xed: {  	v3 =	vor.u32 v3, v4  }
0xee: {  	v4 =	vperm.xlane v3, v0;
	_ =	sdelay $0x1  }
0xef: {  	v4 =	vadd.s32 v1, v4;
	_ =	sdelay $0x1  }
0xf0: {  	v3 =	vperm.xlane v3, v2;
	_ =	sdelay $0x1  }
0xf1: {  	s13 =	simm.s32 $0x12080;
	v3 =	vadd.s32 v1, v3  }
0xf2: {  	[tilespmem:s13], [sflag:$0x1] =	stream.indirect_vreg.gather [hbm4b:s4+s2], $0x80, v4, vm0, $0xb8;
	[tilespmem:$0x18080] =	vst v63  }
0xf3: {  	s14 =	simm.s32 $0x12880  }
0xf4: {  	[tilespmem:s14], [sflag:$0x1] =	stream.indirect_vreg.gather [hbm4b:s8+s2], $0x80, v4, vm0, $0xb8;
	[tilespmem:$0x18080] =	vst v63  }
0xf5: {  	s15 =	simm.s32 $0x13080  }
0xf6: {  	[tilespmem:s15], [sflag:$0x1] =	stream.indirect_vreg.gather [hbm4b:s4+s2], $0x80, v3, vm0, $0xb8;
	[tilespmem:$0x18080] =	vst v63  }
0xf7: {  	s16 =	simm.s32 $0x13880  }
0xf8: {  	[tilespmem:s16], [sflag:$0x1] =	stream.indirect_vreg.gather [hbm4b:s8+s2], $0x80, v3, vm0, $0xb8;
	[tilespmem:$0x18080] =	vst v63  }
0xf9: {  	v3 =	vld [tilespmem:$0x20];
	_ =	sdelay $0x4  }
0xfa: {  	v58 =	vshll.u32 v3, $0x2  }
0xfb: {  	v3 =	vand.u32 $0x7, v3;
	v4 =	vand.u32 $0xFFFFFFE0, v58  }
0xfc: {  	v3 =	vor.u32 v3, v4  }
0xfd: {  	v4 =	vperm.xlane v3, v0;
	_ =	sdelay $0x1  }
0xfe: {  	v4 =	vadd.s32 v1, v4;
	_ =	sdelay $0x1  }
0xff: {  	v3 =	vperm.xlane v3, v2;
	_ =	sdelay $0x1  }
0x100: {  	s17 =	simm.s32 $0x14080;
	v3 =	vadd.s32 v1, v3  }
0x101: {  	[tilespmem:s17], [sflag:$0x1] =	stream.indirect_vreg.gather [hbm4b:s4+s2], $0x80, v4, vm0, $0xb8;
	[tilespmem:$0x18080] =	vst v63  }
0x102: {  	s19 =	simm.s32 $0x14880  }
0x103: {  	[tilespmem:s19], [sflag:$0x1] =	stream.indirect_vreg.gather [hbm4b:s8+s2], $0x80, v4, vm0, $0xb8;
	[tilespmem:$0x18080] =	vst v63  }
0x104: {  	s20 =	simm.s32 $0x15080  }
0x105: {  	[tilespmem:s20], [sflag:$0x1] =	stream.indirect_vreg.gather [hbm4b:s4+s2], $0x80, v3, vm0, $0xb8;
	[tilespmem:$0x18080] =	vst v63  }
0x106: {  	s21 =	simm.s32 $0x15880  }
0x107: {  	[tilespmem:s21], [sflag:$0x1] =	stream.indirect_vreg.gather [hbm4b:s8+s2], $0x80, v3, vm0, $0xb8;
	[tilespmem:$0x18080] =	vst v63  }
0x108: {  	v3 =	vld [tilespmem:$0x30];
	_ =	sdelay $0x4  }
0x109: {  	v59 =	vshll.u32 v3, $0x2  }
0x10a: {  	v3 =	vand.u32 $0x7, v3;
	v4 =	vand.u32 $0xFFFFFFE0, v59  }
0x10b: {  	v3 =	vor.u32 v3, v4  }
0x10c: {  	v4 =	vperm.xlane v3, v0;
	_ =	sdelay $0x1  }
0x10d: {  	v4 =	vadd.s32 v1, v4;
	_ =	sdelay $0x1  }
0x10e: {  	v3 =	vperm.xlane v3, v2;
	_ =	sdelay $0x1  }
0x10f: {  	s23 =	simm.s32 $0x16080;
	v3 =	vadd.s32 v1, v3  }
0x110: {  	[tilespmem:s23], [sflag:$0x1] =	stream.indirect_vreg.gather [hbm4b:s4+s2], $0x80, v4, vm0, $0xb8;
	[tilespmem:$0x18080] =	vst v63  }
0x111: {  	s24 =	simm.s32 $0x16880  }
0x112: {  	[tilespmem:s24], [sflag:$0x1] =	stream.indirect_vreg.gather [hbm4b:s8+s2], $0x80, v4, vm0, $0xb8;
	[tilespmem:$0x18080] =	vst v63  }
0x113: {  	s25 =	simm.s32 $0x17080  }
0x114: {  	[tilespmem:s25], [sflag:$0x1] =	stream.indirect_vreg.gather [hbm4b:s4+s2], $0x80, v3, vm0, $0xb8;
	[tilespmem:$0x18080] =	vst v63  }
0x115: {  	s26 =	simm.s32 $0x17880  }
0x116: {  	[tilespmem:s26], [sflag:$0x1] =	stream.indirect_vreg.gather [hbm4b:s8+s2], $0x80, v3, vm0, $0xb8;
	[tilespmem:$0x18080] =	vst v63  }
0x117: {  	_ =	swait.ge [sflag:s22], $0x8000  }
0x118: {  	[sflag:s22] =	ssyncset.done $0x0  }
0x119: {  	s18 =	rddreg [dreg:$0x8];
	[sflag:s22] =	ssyncadd.s32 $0xFFFF8000  }
0x11a: {  	[hbm4b:s18+s2] =	stream.linear.scatter [tilespmem:s0], [sflag:$0x2], $0x8000, $0x38;
	[tilespmem:$0x18080] =	vst v63  }
0x11b: {  	_ =	swait.ge [sflag:s10], $0x8000  }
0x11c: {  	[sflag:s10] =	ssyncset.done $0x0  }
0x11d: {  	s18 =	rddreg [dreg:$0x9];
	[sflag:s10] =	ssyncadd.s32 $0xFFFF8000  }
0x11e: {  	[tilespmem:s2], [sflag:$0x2] =	stream.linear.gather [hbm4b:s18+s2], $0x40, $0x38;
	[tilespmem:$0x18080] =	vst v63  }
0x11f: {  	_ =	swait.ge [sflag:s10], $0x40  }
0x120: {  	[sflag:s10] =	ssyncset.done $0x0  }
0x121: {  	[sflag:s10] =	ssyncadd.s32 $0xFFFFFFC0  }
0x122: {  	v3 =	vld [tilespmem:$0x0];
	_ =	sdelay $0x4  }
0x123: {  	v60 =	vshll.u32 v3, $0x2  }
0x124: {  	v3 =	vand.u32 $0x7, v3;
	v4 =	vand.u32 $0xFFFFFFE0, v60  }
0x125: {  	v3 =	vor.u32 v3, v4  }
0x126: {  	v4 =	vperm.xlane v3, v0;
	_ =	sdelay $0x1  }
0x127: {  	v4 =	vadd.s32 v1, v4;
	_ =	sdelay $0x1  }
0x128: {  	v3 =	vperm.xlane v3, v2;
	_ =	sdelay $0x1  }
0x129: {  	v3 =	vadd.s32 v1, v3  }
0x12a: {  	[tilespmem:s0], [sflag:$0x1] =	stream.indirect_vreg.gather [hbm4b:s4+s2], $0x80, v4, vm0, $0xb8;
	[tilespmem:$0x18080] =	vst v63  }
0x12b: {  	_ = 	snop  }
0x12c: {  	[tilespmem:s3], [sflag:$0x1] =	stream.indirect_vreg.gather [hbm4b:s8+s2], $0x80, v4, vm0, $0xb8;
	[tilespmem:$0x18080] =	vst v63  }
0x12d: {  	_ = 	snop  }
0x12e: {  	[tilespmem:s11], [sflag:$0x1] =	stream.indirect_vreg.gather [hbm4b:s4+s2], $0x80, v3, vm0, $0xb8;
	[tilespmem:$0x18080] =	vst v63  }
0x12f: {  	_ = 	snop  }
0x130: {  	[tilespmem:s12], [sflag:$0x1] =	stream.indirect_vreg.gather [hbm4b:s8+s2], $0x80, v3, vm0, $0xb8;
	[tilespmem:$0x18080] =	vst v63  }
0x131: {  	v3 =	vld [tilespmem:$0x10];
	_ =	sdelay $0x4  }
0x132: {  	v61 =	vshll.u32 v3, $0x2  }
0x133: {  	v3 =	vand.u32 $0x7, v3;
	v4 =	vand.u32 $0xFFFFFFE0, v61  }
0x134: {  	v3 =	vor.u32 v3, v4  }
0x135: {  	v4 =	vperm.xlane v3, v0;
	_ =	sdelay $0x1  }
0x136: {  	v4 =	vadd.s32 v1, v4;
	_ =	sdelay $0x1  }
0x137: {  	v3 =	vperm.xlane v3, v2;
	_ =	sdelay $0x1  }
0x138: {  	v3 =	vadd.s32 v1, v3  }
0x139: {  	[tilespmem:s13], [sflag:$0x1] =	stream.indirect_vreg.gather [hbm4b:s4+s2], $0x80, v4, vm0, $0xb8;
	[tilespmem:$0x18080] =	vst v63  }
0x13a: {  	_ = 	snop  }
0x13b: {  	[tilespmem:s14], [sflag:$0x1] =	stream.indirect_vreg.gather [hbm4b:s8+s2], $0x80, v4, vm0, $0xb8;
	[tilespmem:$0x18080] =	vst v63  }
0x13c: {  	_ = 	snop  }
0x13d: {  	[tilespmem:s15], [sflag:$0x1] =	stream.indirect_vreg.gather [hbm4b:s4+s2], $0x80, v3, vm0, $0xb8;
	[tilespmem:$0x18080] =	vst v63  }
0x13e: {  	_ = 	snop  }
0x13f: {  	[tilespmem:s16], [sflag:$0x1] =	stream.indirect_vreg.gather [hbm4b:s8+s2], $0x80, v3, vm0, $0xb8;
	[tilespmem:$0x18080] =	vst v63  }
0x140: {  	v3 =	vld [tilespmem:$0x20];
	_ =	sdelay $0x4  }
0x141: {  	v62 =	vshll.u32 v3, $0x2  }
0x142: {  	v3 =	vand.u32 $0x7, v3;
	v4 =	vand.u32 $0xFFFFFFE0, v62  }
0x143: {  	v3 =	vor.u32 v3, v4  }
0x144: {  	v4 =	vperm.xlane v3, v0;
	_ =	sdelay $0x1  }
0x145: {  	v4 =	vadd.s32 v1, v4;
	_ =	sdelay $0x1  }
0x146: {  	v3 =	vperm.xlane v3, v2;
	_ =	sdelay $0x1  }
0x147: {  	v3 =	vadd.s32 v1, v3  }
0x148: {  	[tilespmem:s17], [sflag:$0x1] =	stream.indirect_vreg.gather [hbm4b:s4+s2], $0x80, v4, vm0, $0xb8;
	[tilespmem:$0x18080] =	vst v63  }
0x149: {  	_ = 	snop  }
0x14a: {  	[tilespmem:s19], [sflag:$0x1] =	stream.indirect_vreg.gather [hbm4b:s8+s2], $0x80, v4, vm0, $0xb8;
	[tilespmem:$0x18080] =	vst v63  }
0x14b: {  	_ = 	snop  }
0x14c: {  	[tilespmem:s20], [sflag:$0x1] =	stream.indirect_vreg.gather [hbm4b:s4+s2], $0x80, v3, vm0, $0xb8;
	[tilespmem:$0x18080] =	vst v63  }
0x14d: {  	_ = 	snop  }
0x14e: {  	[tilespmem:s21], [sflag:$0x1] =	stream.indirect_vreg.gather [hbm4b:s8+s2], $0x80, v3, vm0, $0xb8;
	[tilespmem:$0x18080] =	vst v63  }
0x14f: {  	v3 =	vld [tilespmem:$0x30];
	_ =	sdelay $0x4  }
0x150: {  	v63 =	vshll.u32 v3, $0x2  }
0x151: {  	v3 =	vand.u32 $0x7, v3;
	v4 =	vand.u32 $0xFFFFFFE0, v63  }
0x152: {  	v3 =	vor.u32 v3, v4  }
0x153: {  	v4 =	vperm.xlane v3, v0;
	_ =	sdelay $0x1  }
0x154: {  	v4 =	vadd.s32 v1, v4;
	_ =	sdelay $0x1  }
0x155: {  	v3 =	vperm.xlane v3, v2;
	_ =	sdelay $0x1  }
0x156: {  	v3 =	vadd.s32 v1, v3  }
0x157: {  	[tilespmem:s23], [sflag:$0x1] =	stream.indirect_vreg.gather [hbm4b:s4+s2], $0x80, v4, vm0, $0xb8;
	[tilespmem:$0x18080] =	vst v63  }
0x158: {  	_ = 	snop  }
0x159: {  	[tilespmem:s24], [sflag:$0x1] =	stream.indirect_vreg.gather [hbm4b:s8+s2], $0x80, v4, vm0, $0xb8;
	[tilespmem:$0x18080] =	vst v63  }
0x15a: {  	_ = 	snop  }
0x15b: {  	[tilespmem:s25], [sflag:$0x1] =	stream.indirect_vreg.gather [hbm4b:s4+s2], $0x80, v3, vm0, $0xb8;
	[tilespmem:$0x18080] =	vst v63  }
0x15c: {  	_ = 	snop  }
0x15d: {  	[tilespmem:s26], [sflag:$0x1] =	stream.indirect_vreg.gather [hbm4b:s8+s2], $0x80, v3, vm0, $0xb8;
	[tilespmem:$0x18080] =	vst v63  }
0x15e: {  	_ =	swait.ge [sflag:s22], $0x8000  }
0x15f: {  	p0 =	sne.s32 s9, $0x1;
	[sflag:s22] =	ssyncset.done $0x0  }
.Ltmp0:
0x160: {  	s26 =	rddreg [dreg:$0xa];
	[sflag:s22] =	ssyncadd.s32 $0xFFFF8000;
	(pc) =	sbr.rel @p0 .LBB2_1-.Ltmp0, $4  }
0x161: {  	[hbm4b:s26+s2] =	stream.linear.scatter [tilespmem:s0], [sflag:$0x2], $0x8000, $0x38;
	[tilespmem:$0x18080] =	vst v63  }
0x162: {  	_ =	swait.ge [sflag:s10], $0x8000  }
0x163: {  	[sflag:s10] =	ssyncset.done $0x0  }
0x164: {  	s9 =	sadd.s32 $0xFFFFFFFF, s9;
	[sflag:s10] =	ssyncadd.s32 $0xFFFF8000  }
0x165: {  	_ =	sfence.sel $0x180000  }
0x166: {  	[bflag:$0x0] =	sbarrier.arrive $0xFFFF  }
0x167: {  	_ =	strace $0x9000004A  }
0x168: {  	s0 =	stileid.u32;
	[bflag:$0x2] =	sbarrier.arrive $0xFFFF  }
0x169: {  	p0 =	sne.s32 s0, $0x0;
	s0 =	rddreg [dreg:$0x2]  }
0x16a: {  	s0 =	sadd.s32 @!p0 $0x100000, s0  }
0x16b: {  	[sflag:s0] =	ssyncadd.tile.s32 @!p0 $0x1;
	_ =	shalt  }
.Lfunc_end2:
_tile_overlayer_lowered:
.L_overlay_start_2:
0x16c: {  	(tag) =	ssettag $0x2  }
0x16d: {  	s0 =	rddreg [dreg:$0x0];
	s2 =	stileid.u32  }
0x16e: {  	s1 =	rddreg [dreg:$0x1];
	p0 =	sne.s32 s2, $0x0  }
0x16f: {  	s3 =	rddreg [dreg:$0x2];
	[bflag:$0x3] =	sbarrier.arrive $0xFFFF;
	s2 =	simm.s32 @!p0 $0x1C02  }
0x170: {  	[timem:s3], [sflag:s2] =	dma.local @!p0 [hbm:s0], s1  }
0x171: {  	s0 =	simm.s32 @!p0 $0x2  }
0x172: {  	_ =	swait.ge @!p0 [sflag:s0], s1  }
0x173: {  	s1 =	ssub.s32 @!p0 $0x0, s1;
	[sflag:s0] =	ssyncset.done @!p0 $0x0  }
0x174: {  	[sflag:s0] =	ssyncadd.s32 @!p0 s1  }
0x175: {  	[bflag:$0x3] =	sbarrier.arrive $0xFFFF  }
0x176: {  	_ =	shalt  }

// kernel: kernel.18.cloned.1.call-start
scs
__scs_entry_jumppad:
0x0: {  	(pc) =	sbr.rel $0x88, $3  }
0x1: {  	(tag) =	ssettag $0x0;
	lr =	simm.s32 $0x1  }
0x2: {  	[smem:$0x3F96] =	sst lr;
	_ =	strace $0xD0000000  }
0x3: {  	_ = 	snop  }
0x4: {  	_ = 	snop  }
0x5: {  	_ = 	snop  }
0x6: {  	_ = 	snop  }
0x7: {  	_ = 	snop  }
__scs_overlays_trampoline_lowered:
0x8: {  	[smem:$0x3FA5] =	sst s0  }
0x9: {  	[smem:$0x3FA6] =	sst s1  }
0xa: {  	[smem:$0x3FA7] =	sst s2  }
0xb: {  	[smem:$0x3FA8] =	sst s3  }
0xc: {  	[smem:$0x3FA9] =	sst s4  }
0xd: {  	[smem:$0x3FAA] =	sst s5  }
0xe: {  	[smem:$0x3FAB] =	sst s6  }
0xf: {  	[smem:$0x3FAC] =	sst s7  }
0x10: {  	[smem:$0x3FAD] =	sst s8  }
0x11: {  	[smem:$0x3FAE] =	sst s9;
	s0 =	simm.s32 @!p0 $0x0  }
0x12: {  	s1 =	sld [smem:$0x3F94];
	s0 =	simm.s32 @p0 $0x1  }
0x13: {  	[smem:$0x3FAF] =	sst s0;
	s0 =	simm.s32 @!p1 $0x0  }
0x14: {  	s2 =	sld [smem:$0x3F93];
	s0 =	simm.s32 @p1 $0x1  }
0x15: {  	[smem:$0x3FB0] =	sst s0;
	s0 =	simm.s32 @!p2 $0x0  }
0x16: {  	s3 =	sld [smem:$0x3FDB];
	s0 =	simm.s32 @p2 $0x1  }
0x17: {  	s4 =	simm.s32 $0x1BF5;
	[smem:$0x3FB2] =	sst s0  }
0x18: {  	s0 =	sld [smem:$0x3F95];
	_ =	swait.ge [sflag:s4], $0x0  }
0x19: {  	s7 =	sld [smem:$0x3F96]  }
0x1a: {  	s8 =	sadd.s32 $0xFFFFE003, lr  }
0x1b: {  	s9 =	sadd.s32 $0xFFFFFEF7, lr;
	s5 =	simm.s32 $0xFFFFFFFF;
	p2 =	slt.u32 s8, $0xFFFFF086  }
0x1c: {  	p1 =	slt.u32 s9, $0xF7A;
	s5 =	simm.s32 @!p2 $0x0  }
0x1d: {  	s5 =	simm.s32 @p1 $0x1;
	p0 =	seq.s32 s7, s2  }
0x1e: {  	s7 =	smul.u32 @!p0 $0xF7A, s2;
	p2 =	seq.s32 @!p0 s5, $0x0  }
0x1f: {  	s9 =	smul.u32 $0xF7A, s1;
	s8 =	simm.s32 @!p0 $0x1BF5;
	p2 =	por !p2, p0  }
0x20: {  	[sflag:s8] =	ssyncset.s32 @!p0 $0xFFFFF086;
	s6 =	sadd.s32 @!p0 s3, s7;
	s7 =	simm.s32 @!p0 $0x108  }
0x21: {  	s3 =	sadd.s32 s3, s9;
	s6 =	sadd.s32 @!p0 $0x88, s6;
	s7 =	simm.s32 @p2 $0x1082  }
0x22: {  	[simem:s7], [sflag:s8] =	dma.local @!p0 [hbm:s6], $0xF7A  }
0x23: {  	s9 =	sor.u32 $0xD0000000, s2;
	s6 =	simm.s32 $0x108;
	_ =	swait.ge @!p0 [sflag:s8], $0x0  }
0x24: {  	s3 =	sadd.s32 $0x88, s3;
	s6 =	simm.s32 @!p1 $0x1082;
	[sflag:s4] =	ssyncset.s32 $0xFFFFF086  }
0x25: {  	[simem:s6], [sflag:s4] =	dma.local [hbm:s3], $0xF7A  }
0x26: {  	[smem:$0x3F96] =	sst s1;
	(tag) =	ssettag s2;
	_ =	strace s9  }
0x27: {  	s1 =	sld [smem:$0x3FA6]  }
0x28: {  	s2 =	sld [smem:$0x3FA7]  }
0x29: {  	s4 =	sld [smem:$0x3FA9]  }
0x2a: {  	p0 =	seq.s32 s5, $0x0;
	s5 =	sld [smem:$0x3FAA]  }
0x2b: {  	s6 =	sld [smem:$0x3FAB]  }
0x2c: {  	s7 =	sld [smem:$0x3FAC]  }
0x2d: {  	s3 =	simm.s32 $0x108;
	s8 =	sld [smem:$0x3FAD]  }
0x2e: {  	s3 =	simm.s32 @!p0 $0x1082;
	s9 =	sld [smem:$0x3FAE]  }
0x2f: {  	lr =	sadd.s32 s0, s3;
	s0 =	sld [smem:$0x3FA5]  }
0x30: {  	s3 =	sld [smem:$0x3FA8]  }
0x31: {  	[smem:$0x3FB1] =	sst s10  }
0x32: {  	s10 =	sld [smem:$0x3FAF];
	_ =	sdelay $0x3  }
0x33: {  	p0 =	seq.s32 s10, $0x1;
	s10 =	sld [smem:$0x3FB1];
	_ =	sdelay $0x3  }
0x34: {  	[smem:$0x3FB1] =	sst s10  }
0x35: {  	s10 =	sld [smem:$0x3FB0];
	_ =	sdelay $0x3  }
0x36: {  	p1 =	seq.s32 s10, $0x1;
	s10 =	sld [smem:$0x3FB1];
	_ =	sdelay $0x3  }
0x37: {  	[smem:$0x3FB1] =	sst s10  }
0x38: {  	s10 =	sld [smem:$0x3FB2]  }
0x39: {  	_ = 	snop;
	(pc) =	sbr.ind lr, $3  }
0x3a: {  	_ = 	snop  }
0x3b: {  	_ = 	snop  }
0x3c: {  	p2 =	seq.s32 s10, $0x1;
	s10 =	sld [smem:$0x3FB1]  }
0x3d: {  	_ =	shalt  }
0x3e: {  	_ =	shalt  }
0x3f: {  	_ =	shalt  }
0x40: {  	_ =	shalt  }
0x41: {  	_ =	shalt  }
0x42: {  	_ =	shalt  }
0x43: {  	_ =	shalt  }
0x44: {  	_ =	shalt  }
0x45: {  	_ =	shalt  }
0x46: {  	_ =	shalt  }
0x47: {  	_ =	shalt  }
0x48: {  	_ =	shalt  }
0x49: {  	_ =	shalt  }
0x4a: {  	_ =	shalt  }
0x4b: {  	_ =	shalt  }
0x4c: {  	_ =	shalt  }
0x4d: {  	_ =	shalt  }
0x4e: {  	_ =	shalt  }
0x4f: {  	_ =	shalt  }
0x50: {  	_ =	shalt  }
0x51: {  	_ =	shalt  }
0x52: {  	_ =	shalt  }
0x53: {  	_ =	shalt  }
0x54: {  	_ =	shalt  }
0x55: {  	_ =	shalt  }
0x56: {  	_ =	shalt  }
0x57: {  	_ =	shalt  }
0x58: {  	_ =	shalt  }
0x59: {  	_ =	shalt  }
0x5a: {  	_ =	shalt  }
0x5b: {  	_ =	shalt  }
0x5c: {  	_ =	shalt  }
0x5d: {  	_ =	shalt  }
0x5e: {  	_ =	shalt  }
0x5f: {  	_ =	shalt  }
0x60: {  	_ =	shalt  }
0x61: {  	_ =	shalt  }
0x62: {  	_ =	shalt  }
0x63: {  	_ =	shalt  }
0x64: {  	_ =	shalt  }
0x65: {  	_ =	shalt  }
0x66: {  	_ =	shalt  }
0x67: {  	_ =	shalt  }
0x68: {  	_ =	shalt  }
0x69: {  	_ =	shalt  }
0x6a: {  	_ =	shalt  }
0x6b: {  	_ =	shalt  }
0x6c: {  	_ =	shalt  }
0x6d: {  	_ =	shalt  }
0x6e: {  	_ =	shalt  }
0x6f: {  	_ =	shalt  }
0x70: {  	_ =	shalt  }
0x71: {  	_ =	shalt  }
0x72: {  	_ =	shalt  }
0x73: {  	_ =	shalt  }
0x74: {  	_ =	shalt  }
0x75: {  	_ =	shalt  }
0x76: {  	_ =	shalt  }
0x77: {  	_ =	shalt  }
0x78: {  	_ =	shalt  }
0x79: {  	_ =	shalt  }
0x7a: {  	_ =	shalt  }
0x7b: {  	_ =	shalt  }
0x7c: {  	_ =	shalt  }
0x7d: {  	_ =	shalt  }
0x7e: {  	_ =	shalt  }
0x7f: {  	_ =	shalt  }
0x80: {  	_ =	shalt  }
0x81: {  	_ =	shalt  }
0x82: {  	_ =	shalt  }
0x83: {  	_ =	shalt  }
0x84: {  	_ =	shalt  }
0x85: {  	_ =	shalt  }
0x86: {  	_ =	shalt  }
0x87: {  	_ =	shalt  }
.Lfunc_end0:
.L_simem_size_0:
called_computation.2_lowered:
.L_overlay_start_0:
0x88: {  	s2 =	sld [smem:$0x3FD9]  }
0x89: {  	s3 =	sld [smem:$0x3FFE];
	_ =	sdelay $0x1  }
0x8a: {  	s1 =	srdreg.scid  }
0x8b: {  	s0 =	sand.u32 $0x1, s1  }
0x8c: {  	s17 =	sshll.u32 s0, $0xA;
	s2 =	sadd.s32 s3, s2  }
0x8d: {  	s2 =	sadd.s32 s2, s17  }
0x8e: {  	[smem:$0x3FBD] =	sst s2  }
0x8f: {  	_ = 	snop  }
0x90: {  	s18 =	sld [smem:$0x3FC7];
	(tm) =	ssettm $0x1  }
0x91: {  	s19 =	sld [smem:$0x3FFB];
	_ =	sdelay $0x3  }
0x92: {  	_ =	strace s19  }
0x93: {  	s2 =	sld [smem:$0x3FFC];
	_ =	sdelay $0x3  }
0x94: {  	_ =	strace s2  }
0x95: {  	s2 =	sld [smem:$0x3FFD];
	_ =	sdelay $0x3  }
0x96: {  	_ =	strace s2  }
0x97: {  	_ =	strace $0x8FFFFFFF  }
0x98: {  	s20 =	sld [smem:$0x3FDB];
	_ =	sdelay $0x1  }
0x99: {  	s4 =	simm.s32 $_scs_section_size  }
0x9a: {  	s5 =	simm.s32 $_size__tile_overlayer_lowered;
	s6 =	simm.s32 $_tile_overlayer_lowered  }
0x9b: {  	s7 =	simm.s32 $0x1BFF;
	s21 =	sshll.u32 s6, $0x1;
	s4 =	sadd.s32 s4, s20  }
0x9c: {  	s22 =	simm.s32 $0x0;
	s5 =	sshll.u32 s5, $0x1;
	s6 =	sadd.s32 s21, s4  }
0x9d: {  	[timem:s22], [sflag:s7] =	dma.local [hbm:s6], s5  }
0x9e: {  	_ =	swait.ge [sflag:s7], s5  }
0x9f: {  	s5 =	ssub.s32 $0x0, s5;
	[sflag:s7] =	ssyncset.done $0x0  }
0xa0: {  	[sflag:s7] =	ssyncadd.s32 s5;
	_ =	sdelay $0x1  }
0xa1: {  	s23 =	simm.s32 $0x1B8B  }
0xa2: {  	_ =	swait.ge [sflag:s23], $0x1  }
0xa3: {  	[sflag:s23] =	ssyncset.done $0x0  }
0xa4: {  	[sflag:s23] =	ssyncadd.s32 $0xFFFFFFFF  }
0xa5: {  	s5 =	sld [smem:$0x0]  }
0xa6: {  	s6 =	sand.u32 $0xFFFFFFFE, s1  }
0xa7: {  	p0 =	sne.s32 s1, s6  }
0xa8: {  	s6 =	sshll.u32 @p0 s6, $0xE  }
0xa9: {  	s6 =	sadd.s32 @p0 $0x11B8D, s6;
	s7 =	sshll.u32 @p0 s5, $0x11  }
0xaa: {  	s6 =	sor.u32 @p0 s7, s6  }
0xab: {  	[sflag:s6] =	ssyncadd.remote.s32 @p0 $0x1;
	_ =	sdelay $0x1  }
0xac: {  	s6 =	simm.s32 @p0 $0x1B8D  }
0xad: {  	_ =	swait.eq @p0 [sflag:s6], $0x1  }
0xae: {  	[sflag:s6] =	ssyncadd.s32 @p0 $0xFFFFFFFF  }
0xaf: {  	s7 =	sshll.u32 @!p0 s1, $0xE  }
0xb0: {  	s7 =	sor.u32 @!p0 $0x4000, s7;
	s6 =	simm.s32 @!p0 $0x1B8D  }
0xb1: {  	s5 =	sshll.u32 @!p0 s5, $0x11;
	s7 =	sadd.s32 @!p0 $0x11B8D, s7;
	_ =	swait.eq @!p0 [sflag:s6], $0x1  }
0xb2: {  	s5 =	sor.u32 @!p0 s5, s7;
	[sflag:s6] =	ssyncadd.s32 @!p0 $0xFFFFFFFF  }
0xb3: {  	s25 =	simm.s32 $0x1B8E;
	s24 =	sld [smem:$0x3FFE];
	[sflag:s5] =	ssyncadd.remote.s32 @!p0 $0x1  }
0xb4: {  	s26 =	simm.s32 $execute0_lowered;
	[smem:$0x3FD2] =	sst s25  }
0xb5: {  	s6 =	sshll.u32 s26, $0x1;
	_ =	strace $0x8000004C;
	[dreg:$0x1] =	wrdreg $0xFFFFFFFF  }
0xb6: {  	s28 =	simm.s32 $_size_execute0_lowered;
	s4 =	sadd.s32 s4, s6;
	[dreg:$0x0] =	wrdreg $0x0  }
0xb7: {  	s6 =	sshll.u32 s28, $0x1;
	[dreg:$0x2] =	wrdreg s4  }
0xb8: {  	[dreg:$0x3] =	wrdreg s6  }
0xb9: {  	[dreg:$0x4] =	wrdreg $0xC0  }
0xba: {  	_ =	task [dreg:s22], $0x5FFFF  }
0xbb: {  	[dreg:$0x1] =	wrdreg $0xFFFFFFFF  }
0xbc: {  	[dreg:$0x0] =	wrdreg $0x60  }
0xbd: {  	[dreg:$0x2] =	wrdreg s18  }
0xbe: {  	[dreg:$0x3] =	wrdreg s24  }
0xbf: {  	[dreg:$0x4] =	wrdreg $0xB  }
0xc0: {  	_ =	task.clear_ibuf [dreg:s22], $0x5FFFF;
	_ =	strace $0x9000004C  }
0xc1: {  	s29 =	simm.s32 $0xB;
	_ =	strace $0x8000004E  }
0xc2: {  	_ =	swait.ge [sflag:s29], $0x1  }
0xc3: {  	[sflag:s29] =	ssyncadd.s32 $0xFFFFFFFF  }
0xc4: {  	_ =	strace $0x9000004E  }
0xc5: {  	_ =	sfence  }
0xc6: {  	s30 =	sld [smem:$0x0];
	_ =	sdelay $0x2  }
0xc7: {  	s31 =	sshll.u32 s1, $0xD;
	s1 =	sshrl.u32 s1, $0x2  }
0xc8: {  	s4 =	sand.u32 $0x4000, s31;
	s1 =	sadd.s32 s1, s30  }
0xc9: {  	s0 =	sor.u32 s4, s0;
	s1 =	sshll.u32 s1, $0x11  }
0xca: {  	s0 =	sor.u32 s1, s0  }
0xcb: {  	s0 =	sadd.s32 $0x8F2B, s0  }
0xcc: {  	[sflag:s0] =	ssyncadd.remote.s32 $0x1  }
0xcd: {  	_ =	sfence.sel $0xFFFF  }
0xce: {  	[dreg:$0x0] =	wrdreg $0xFFFFFFFF;
	(pc) =	sbr.abs _section_cstart, $3  }
0xcf: {  	[dreg:$0x1] =	wrdreg $0xFFFFFFFF  }
0xd0: {  	_ =	task.clear_ibuf [dreg:s22], $0x2FFFF;
	_ =	strace $0x9FFFFFFF  }
0xd1: {  	(tm) =	ssettm $0x7FFFFFFF  }
tec
execute0_lowered:
.L_overlay_start_1:
0x0: {  	(tag) =	ssettag $0x1  }
0x1: {  	s1 =	rddreg [dreg:$0x0]  }
0x2: {  	s0 =	rddreg [dreg:$0x1]  }
0x3: {  	s2 =	simm.s32 $0x0;
	s3 =	srdreg.scid;
	s7 =	stileid.u32  }
0x4: {  	s28 =	simm.s32 $0x3880;
	s29 =	simm.s32 $0x4080;
	s30 =	simm.s32 $0x4880  }
0x5: {  	s31 =	simm.s32 $0x5080;
	[smem:$0x7FF] =	sst s2;
	s4 =	sadd.s32 $0x3E00, s0  }
0x6: {  	s5 =	sadd.s32 $0x14400, s0;
	s3 =	sand.u32 $0x1, s3;
	s6 =	sadd.s32 $0x14200, s0  }
0x7: {  	s7 =	sshll.u32 s7, $0x8;
	s9 =	sadd.s32 $0x1D4A00, s0;
	s19 =	sadd.s32 $0x194A00, s0  }
0x8: {  	_ =	strace $0x8000004D;
	s8 =	sshll.u32 s3, $0x7;
	s3 =	ssub.s32 $0x2, s3  }
0x9: {  	s7 =	sor.u32 s8, s7;
	s10 =	sshrl.u32 s3, $0x1;
	s8 =	sadd.s32 $0x3F00, s0  }
0xa: {  	s11 =	sshrl.u32 s7, $0x3;
	s13 =	sshll.u32 s7, $0x7;
	s14 =	sor.u32 $0x40, s7  }
0xb: {  	s3 =	ssub.s32 s3, s10;
	s7 =	sshll.u32 s7, $0x6;
	s12 =	sadd.s32 s5, s11  }
0xc: {  	s10 =	simm.s32 $0x2;
	s20 =	sadd.s32 s9, s13;
	[dreg:$0x3] =	wrdreg s12  }
0xd: {  	s21 =	sshrl.u32 s14, $0x3;
	s24 =	sadd.s32 s6, s11;
	[dreg:$0x4] =	wrdreg s20  }
0xe: {  	s22 =	sshll.u32 s14, $0x7;
	s7 =	sadd.s32 s19, s7;
	[dreg:$0x7] =	wrdreg s24  }
0xf: {  	s26 =	sshll.u32 s14, $0x6;
	s5 =	sadd.s32 s5, s21;
	[dreg:$0x8] =	wrdreg s7  }
0x10: {  	s23 =	sadd.s32 s9, s22;
	s25 =	sadd.s32 s6, s21;
	[dreg:$0x5] =	wrdreg s5  }
0x11: {  	v2 =	vlaneseq.u32;
	s6 =	sadd.s32 $0x200, s1;
	s9 =	sadd.s32 s19, s26;
	[dreg:$0x6] =	wrdreg s23  }
0x12: {  	vm0 =	vmmov $0xffff;
	v1 =	vshrl.u32 v2, $0x3;
	s7 =	sadd.s32 $0x300, s1;
	s22 =	simm.s32 $0x1;
	[dreg:$0x9] =	wrdreg s25  }
0x13: {  	v0 =	vand.u32 $0x7, v2;
	v2 =	vor.u32 $0x8, v2;
	v1 =	vmul.u32 $0x8, v1;
	s5 =	sadd.s32 $0x100, s1;
	[dreg:$0xa] =	wrdreg s9;
	s9 =	smax.u32 s3, $0x1  }
.LBB2_1:
0x14: {  	s18 =	rddreg [dreg:$0x3]  }
0x15: {  	[tilespmem:s2], [sflag:$0x2] =	stream.linear.gather [hbm4b:s18+s2], $0x40, $0x38;
	[tilespmem:$0x18080] =	vst v63  }
0x16: {  	_ =	swait.ge [sflag:s10], $0x40  }
0x17: {  	[sflag:s10] =	ssyncset.done $0x0  }
0x18: {  	[sflag:s10] =	ssyncadd.s32 $0xFFFFFFC0  }
0x19: {  	v3 =	vld [tilespmem:$0x0];
	_ =	sdelay $0x4  }
0x1a: {  	v4 =	vshll.u32 v3, $0x3  }
0x1b: {  	v3 =	vand.u32 $0x7, v3;
	v4 =	vand.u32 $0xFFFFFFC0, v4  }
0x1c: {  	v3 =	vor.u32 v3, v4  }
0x1d: {  	v4 =	vperm.xlane v3, v0;
	_ =	sdelay $0x1  }
0x1e: {  	v4 =	vadd.s32 v1, v4;
	_ =	sdelay $0x3  }
0x1f: {  	s23 =	simm.s32 $0x80  }
0x20: {  	[tilespmem:s23], [sflag:$0x1] =	stream.indirect_vreg.gather [hbm4b:s1+s2], $0x80, v4, vm0, $0xb8;
	[tilespmem:$0x18080] =	vst v63  }
0x21: {  	s19 =	simm.s32 $0x880;
	v3 =	vperm.xlane v3, v2  }
0x22: {  	[tilespmem:s19], [sflag:$0x1] =	stream.indirect_vreg.gather [hbm4b:s5+s2], $0x80, v4, vm0, $0xb8;
	[tilespmem:$0x18080] =	vst v63  }
0x23: {  	s20 =	simm.s32 $0x1080;
	v3 =	vadd.s32 v1, v3  }
0x24: {  	[tilespmem:s20], [sflag:$0x1] =	stream.indirect_vreg.gather [hbm4b:s6+s2], $0x80, v4, vm0, $0xb8;
	[tilespmem:$0x18080] =	vst v63  }
0x25: {  	s21 =	simm.s32 $0x1880  }
0x26: {  	[tilespmem:s21], [sflag:$0x1] =	stream.indirect_vreg.gather [hbm4b:s7+s2], $0x80, v4, vm0, $0xb8;
	[tilespmem:$0x18080] =	vst v63  }
0x27: {  	s24 =	simm.s32 $0x2080  }
0x28: {  	[tilespmem:s24], [sflag:$0x1] =	stream.indirect_vreg.gather [hbm4b:s1+s2], $0x80, v3, vm0, $0xb8;
	[tilespmem:$0x18080] =	vst v63  }
0x29: {  	s25 =	simm.s32 $0x2880  }
0x2a: {  	[tilespmem:s25], [sflag:$0x1] =	stream.indirect_vreg.gather [hbm4b:s5+s2], $0x80, v3, vm0, $0xb8;
	[tilespmem:$0x18080] =	vst v63  }
0x2b: {  	s26 =	simm.s32 $0x3080  }
0x2c: {  	[tilespmem:s26], [sflag:$0x1] =	stream.indirect_vreg.gather [hbm4b:s6+s2], $0x80, v3, vm0, $0xb8;
	[tilespmem:$0x18080] =	vst v63  }
0x2d: {  	_ = 	snop  }
0x2e: {  	[tilespmem:s28], [sflag:$0x1] =	stream.indirect_vreg.gather [hbm4b:s7+s2], $0x80, v3, vm0, $0xb8;
	[tilespmem:$0x18080] =	vst v63  }
0x2f: {  	v3 =	vld [tilespmem:$0x10];
	_ =	sdelay $0x4  }
0x30: {  	v49 =	vshll.u32 v3, $0x3  }
0x31: {  	v3 =	vand.u32 $0x7, v3;
	v4 =	vand.u32 $0xFFFFFFC0, v49  }
0x32: {  	v3 =	vor.u32 v3, v4  }
0x33: {  	v4 =	vperm.xlane v3, v0;
	_ =	sdelay $0x1  }
0x34: {  	v4 =	vadd.s32 v1, v4;
	_ =	sdelay $0x4  }
0x35: {  	[tilespmem:s29], [sflag:$0x1] =	stream.indirect_vreg.gather [hbm4b:s1+s2], $0x80, v4, vm0, $0xb8;
	[tilespmem:$0x18080] =	vst v63  }
0x36: {  	v3 =	vperm.xlane v3, v2  }
0x37: {  	[tilespmem:s30], [sflag:$0x1] =	stream.indirect_vreg.gather [hbm4b:s5+s2], $0x80, v4, vm0, $0xb8;
	[tilespmem:$0x18080] =	vst v63  }
0x38: {  	v3 =	vadd.s32 v1, v3  }
0x39: {  	[tilespmem:s31], [sflag:$0x1] =	stream.indirect_vreg.gather [hbm4b:s6+s2], $0x80, v4, vm0, $0xb8;
	[tilespmem:$0x18080] =	vst v63  }
0x3a: {  	s0 =	simm.s32 $0x5880  }
0x3b: {  	[tilespmem:s0], [sflag:$0x1] =	stream.indirect_vreg.gather [hbm4b:s7+s2], $0x80, v4, vm0, $0xb8;
	[tilespmem:$0x18080] =	vst v63  }
0x3c: {  	s3 =	simm.s32 $0x6080  }
0x3d: {  	[tilespmem:s3], [sflag:$0x1] =	stream.indirect_vreg.gather [hbm4b:s1+s2], $0x80, v3, vm0, $0xb8;
	[tilespmem:$0x18080] =	vst v63  }
0x3e: {  	s12 =	simm.s32 $0x6880  }
0x3f: {  	[tilespmem:s12], [sflag:$0x1] =	stream.indirect_vreg.gather [hbm4b:s5+s2], $0x80, v3, vm0, $0xb8;
	[tilespmem:$0x18080] =	vst v63  }
0x40: {  	s13 =	simm.s32 $0x7080  }
0x41: {  	[tilespmem:s13], [sflag:$0x1] =	stream.indirect_vreg.gather [hbm4b:s6+s2], $0x80, v3, vm0, $0xb8;
	[tilespmem:$0x18080] =	vst v63  }
0x42: {  	s14 =	simm.s32 $0x7880  }
0x43: {  	[tilespmem:s14], [sflag:$0x1] =	stream.indirect_vreg.gather [hbm4b:s7+s2], $0x80, v3, vm0, $0xb8;
	[tilespmem:$0x18080] =	vst v63  }
0x44: {  	v3 =	vld [tilespmem:$0x20];
	_ =	sdelay $0x4  }
0x45: {  	v50 =	vshll.u32 v3, $0x3  }
0x46: {  	v3 =	vand.u32 $0x7, v3;
	v4 =	vand.u32 $0xFFFFFFC0, v50  }
0x47: {  	v3 =	vor.u32 v3, v4  }
0x48: {  	v4 =	vperm.xlane v3, v0;
	_ =	sdelay $0x1  }
0x49: {  	v4 =	vadd.s32 v1, v4;
	_ =	sdelay $0x3  }
0x4a: {  	s15 =	simm.s32 $0x8080  }
0x4b: {  	[tilespmem:s15], [sflag:$0x1] =	stream.indirect_vreg.gather [hbm4b:s1+s2], $0x80, v4, vm0, $0xb8;
	[tilespmem:$0x18080] =	vst v63  }
0x4c: {  	s16 =	simm.s32 $0x8880;
	v3 =	vperm.xlane v3, v2  }
0x4d: {  	[tilespmem:s16], [sflag:$0x1] =	stream.indirect_vreg.gather [hbm4b:s5+s2], $0x80, v4, vm0, $0xb8;
	[tilespmem:$0x18080] =	vst v63  }
0x4e: {  	s17 =	simm.s32 $0x9080;
	v3 =	vadd.s32 v1, v3  }
0x4f: {  	[tilespmem:s17], [sflag:$0x1] =	stream.indirect_vreg.gather [hbm4b:s6+s2], $0x80, v4, vm0, $0xb8;
	[tilespmem:$0x18080] =	vst v63  }
0x50: {  	s11 =	simm.s32 $0x9880  }
0x51: {  	[tilespmem:s11], [sflag:$0x1] =	stream.indirect_vreg.gather [hbm4b:s7+s2], $0x80, v4, vm0, $0xb8;
	[tilespmem:$0x18080] =	vst v63  }
0x52: {  	s18 =	simm.s32 $0xA080  }
0x53: {  	[tilespmem:s18], [sflag:$0x1] =	stream.indirect_vreg.gather [hbm4b:s1+s2], $0x80, v3, vm0, $0xb8;
	[tilespmem:$0x18080] =	vst v63  }
0x54: {  	s18 =	simm.s32 $0xA880  }
0x55: {  	[tilespmem:s18], [sflag:$0x1] =	stream.indirect_vreg.gather [hbm4b:s5+s2], $0x80, v3, vm0, $0xb8;
	[tilespmem:$0x18080] =	vst v63  }
0x56: {  	s18 =	simm.s32 $0xB080  }
0x57: {  	[tilespmem:s18], [sflag:$0x1] =	stream.indirect_vreg.gather [hbm4b:s6+s2], $0x80, v3, vm0, $0xb8;
	[tilespmem:$0x18080] =	vst v63  }
0x58: {  	s18 =	simm.s32 $0xB880  }
0x59: {  	[tilespmem:s18], [sflag:$0x1] =	stream.indirect_vreg.gather [hbm4b:s7+s2], $0x80, v3, vm0, $0xb8;
	[tilespmem:$0x18080] =	vst v63  }
0x5a: {  	v3 =	vld [tilespmem:$0x30];
	_ =	sdelay $0x4  }
0x5b: {  	v51 =	vshll.u32 v3, $0x3  }
0x5c: {  	v3 =	vand.u32 $0x7, v3;
	v4 =	vand.u32 $0xFFFFFFC0, v51  }
0x5d: {  	v3 =	vor.u32 v3, v4  }
0x5e: {  	v4 =	vperm.xlane v3, v0;
	_ =	sdelay $0x1  }
0x5f: {  	v4 =	vadd.s32 v1, v4;
	_ =	sdelay $0x3  }
0x60: {  	s18 =	simm.s32 $0xC080  }
0x61: {  	[tilespmem:s18], [sflag:$0x1] =	stream.indirect_vreg.gather [hbm4b:s1+s2], $0x80, v4, vm0, $0xb8;
	[tilespmem:$0x18080] =	vst v63  }
0x62: {  	v3 =	vperm.xlane v3, v2;
	s18 =	simm.s32 $0xC880  }
0x63: {  	[tilespmem:s18], [sflag:$0x1] =	stream.indirect_vreg.gather [hbm4b:s5+s2], $0x80, v4, vm0, $0xb8;
	[tilespmem:$0x18080] =	vst v63  }
0x64: {  	v3 =	vadd.s32 v1, v3;
	s18 =	simm.s32 $0xD080  }
0x65: {  	[tilespmem:s18], [sflag:$0x1] =	stream.indirect_vreg.gather [hbm4b:s6+s2], $0x80, v4, vm0, $0xb8;
	[tilespmem:$0x18080] =	vst v63  }
0x66: {  	s18 =	simm.s32 $0xD880  }
0x67: {  	[tilespmem:s18], [sflag:$0x1] =	stream.indirect_vreg.gather [hbm4b:s7+s2], $0x80, v4, vm0, $0xb8;
	[tilespmem:$0x18080] =	vst v63  }
0x68: {  	s18 =	simm.s32 $0xE080  }
0x69: {  	[tilespmem:s18], [sflag:$0x1] =	stream.indirect_vreg.gather [hbm4b:s1+s2], $0x80, v3, vm0, $0xb8;
	[tilespmem:$0x18080] =	vst v63  }
0x6a: {  	s18 =	simm.s32 $0xE880  }
0x6b: {  	[tilespmem:s18], [sflag:$0x1] =	stream.indirect_vreg.gather [hbm4b:s5+s2], $0x80, v3, vm0, $0xb8;
	[tilespmem:$0x18080] =	vst v63  }
0x6c: {  	s18 =	simm.s32 $0xF080  }
0x6d: {  	[tilespmem:s18], [sflag:$0x1] =	stream.indirect_vreg.gather [hbm4b:s6+s2], $0x80, v3, vm0, $0xb8;
	[tilespmem:$0x18080] =	vst v63  }
0x6e: {  	s18 =	simm.s32 $0xF880  }
0x6f: {  	[tilespmem:s18], [sflag:$0x1] =	stream.indirect_vreg.gather [hbm4b:s7+s2], $0x80, v3, vm0, $0xb8;
	[tilespmem:$0x18080] =	vst v63  }
0x70: {  	_ =	swait.ge [sflag:s22], $0x10000  }
0x71: {  	[sflag:s22] =	ssyncset.done $0x0  }
0x72: {  	s18 =	rddreg [dreg:$0x4];
	[sflag:s22] =	ssyncadd.s32 $0xFFFF0000  }
0x73: {  	[hbm4b:s18+s2] =	stream.linear.scatter [tilespmem:s23], [sflag:$0x2], $0x10000, $0x38;
	[tilespmem:$0x18080] =	vst v63  }
0x74: {  	_ =	swait.ge [sflag:s10], $0x10000  }
0x75: {  	[sflag:s10] =	ssyncset.done $0x0  }
0x76: {  	s18 =	rddreg [dreg:$0x5];
	[sflag:s10] =	ssyncadd.s32 $0xFFFF0000  }
0x77: {  	[tilespmem:s2], [sflag:$0x2] =	stream.linear.gather [hbm4b:s18+s2], $0x40, $0x38;
	[tilespmem:$0x18080] =	vst v63  }
0x78: {  	_ =	swait.ge [sflag:s10], $0x40  }
0x79: {  	[sflag:s10] =	ssyncset.done $0x0  }
0x7a: {  	[sflag:s10] =	ssyncadd.s32 $0xFFFFFFC0  }
0x7b: {  	v3 =	vld [tilespmem:$0x0];
	_ =	sdelay $0x4  }
0x7c: {  	v52 =	vshll.u32 v3, $0x3  }
0x7d: {  	v3 =	vand.u32 $0x7, v3;
	v4 =	vand.u32 $0xFFFFFFC0, v52  }
0x7e: {  	v3 =	vor.u32 v3, v4  }
0x7f: {  	v4 =	vperm.xlane v3, v0;
	_ =	sdelay $0x1  }
0x80: {  	v4 =	vadd.s32 v1, v4;
	_ =	sdelay $0x4  }
0x81: {  	[tilespmem:s23], [sflag:$0x1] =	stream.indirect_vreg.gather [hbm4b:s1+s2], $0x80, v4, vm0, $0xb8;
	[tilespmem:$0x18080] =	vst v63  }
0x82: {  	v3 =	vperm.xlane v3, v2  }
0x83: {  	[tilespmem:s19], [sflag:$0x1] =	stream.indirect_vreg.gather [hbm4b:s5+s2], $0x80, v4, vm0, $0xb8;
	[tilespmem:$0x18080] =	vst v63  }
0x84: {  	v3 =	vadd.s32 v1, v3  }
0x85: {  	[tilespmem:s20], [sflag:$0x1] =	stream.indirect_vreg.gather [hbm4b:s6+s2], $0x80, v4, vm0, $0xb8;
	[tilespmem:$0x18080] =	vst v63  }
0x86: {  	_ = 	snop  }
0x87: {  	[tilespmem:s21], [sflag:$0x1] =	stream.indirect_vreg.gather [hbm4b:s7+s2], $0x80, v4, vm0, $0xb8;
	[tilespmem:$0x18080] =	vst v63  }
0x88: {  	_ = 	snop  }
0x89: {  	[tilespmem:s24], [sflag:$0x1] =	stream.indirect_vreg.gather [hbm4b:s1+s2], $0x80, v3, vm0, $0xb8;
	[tilespmem:$0x18080] =	vst v63  }
0x8a: {  	_ = 	snop  }
0x8b: {  	[tilespmem:s25], [sflag:$0x1] =	stream.indirect_vreg.gather [hbm4b:s5+s2], $0x80, v3, vm0, $0xb8;
	[tilespmem:$0x18080] =	vst v63  }
0x8c: {  	_ = 	snop  }
0x8d: {  	[tilespmem:s26], [sflag:$0x1] =	stream.indirect_vreg.gather [hbm4b:s6+s2], $0x80, v3, vm0, $0xb8;
	[tilespmem:$0x18080] =	vst v63  }
0x8e: {  	_ = 	snop  }
0x8f: {  	[tilespmem:s28], [sflag:$0x1] =	stream.indirect_vreg.gather [hbm4b:s7+s2], $0x80, v3, vm0, $0xb8;
	[tilespmem:$0x18080] =	vst v63  }
0x90: {  	v3 =	vld [tilespmem:$0x10];
	_ =	sdelay $0x4  }
0x91: {  	v53 =	vshll.u32 v3, $0x3  }
0x92: {  	v3 =	vand.u32 $0x7, v3;
	v4 =	vand.u32 $0xFFFFFFC0, v53  }
0x93: {  	v3 =	vor.u32 v3, v4  }
0x94: {  	v4 =	vperm.xlane v3, v0;
	_ =	sdelay $0x1  }
0x95: {  	v4 =	vadd.s32 v1, v4;
	_ =	sdelay $0x4  }
0x96: {  	[tilespmem:s29], [sflag:$0x1] =	stream.indirect_vreg.gather [hbm4b:s1+s2], $0x80, v4, vm0, $0xb8;
	[tilespmem:$0x18080] =	vst v63  }
0x97: {  	v3 =	vperm.xlane v3, v2  }
0x98: {  	[tilespmem:s30], [sflag:$0x1] =	stream.indirect_vreg.gather [hbm4b:s5+s2], $0x80, v4, vm0, $0xb8;
	[tilespmem:$0x18080] =	vst v63  }
0x99: {  	v3 =	vadd.s32 v1, v3  }
0x9a: {  	[tilespmem:s31], [sflag:$0x1] =	stream.indirect_vreg.gather [hbm4b:s6+s2], $0x80, v4, vm0, $0xb8;
	[tilespmem:$0x18080] =	vst v63  }
0x9b: {  	_ = 	snop  }
0x9c: {  	[tilespmem:s0], [sflag:$0x1] =	stream.indirect_vreg.gather [hbm4b:s7+s2], $0x80, v4, vm0, $0xb8;
	[tilespmem:$0x18080] =	vst v63  }
0x9d: {  	_ = 	snop  }
0x9e: {  	[tilespmem:s3], [sflag:$0x1] =	stream.indirect_vreg.gather [hbm4b:s1+s2], $0x80, v3, vm0, $0xb8;
	[tilespmem:$0x18080] =	vst v63  }
0x9f: {  	_ = 	snop  }
0xa0: {  	[tilespmem:s12], [sflag:$0x1] =	stream.indirect_vreg.gather [hbm4b:s5+s2], $0x80, v3, vm0, $0xb8;
	[tilespmem:$0x18080] =	vst v63  }
0xa1: {  	_ = 	snop  }
0xa2: {  	[tilespmem:s13], [sflag:$0x1] =	stream.indirect_vreg.gather [hbm4b:s6+s2], $0x80, v3, vm0, $0xb8;
	[tilespmem:$0x18080] =	vst v63  }
0xa3: {  	_ = 	snop  }
0xa4: {  	[tilespmem:s14], [sflag:$0x1] =	stream.indirect_vreg.gather [hbm4b:s7+s2], $0x80, v3, vm0, $0xb8;
	[tilespmem:$0x18080] =	vst v63  }
0xa5: {  	v3 =	vld [tilespmem:$0x20];
	_ =	sdelay $0x4  }
0xa6: {  	v54 =	vshll.u32 v3, $0x3  }
0xa7: {  	v3 =	vand.u32 $0x7, v3;
	v4 =	vand.u32 $0xFFFFFFC0, v54  }
0xa8: {  	v3 =	vor.u32 v3, v4  }
0xa9: {  	v4 =	vperm.xlane v3, v0;
	_ =	sdelay $0x1  }
0xaa: {  	v4 =	vadd.s32 v1, v4;
	_ =	sdelay $0x4  }
0xab: {  	[tilespmem:s15], [sflag:$0x1] =	stream.indirect_vreg.gather [hbm4b:s1+s2], $0x80, v4, vm0, $0xb8;
	[tilespmem:$0x18080] =	vst v63  }
0xac: {  	v3 =	vperm.xlane v3, v2  }
0xad: {  	[tilespmem:s16], [sflag:$0x1] =	stream.indirect_vreg.gather [hbm4b:s5+s2], $0x80, v4, vm0, $0xb8;
	[tilespmem:$0x18080] =	vst v63  }
0xae: {  	v3 =	vadd.s32 v1, v3  }
0xaf: {  	[tilespmem:s17], [sflag:$0x1] =	stream.indirect_vreg.gather [hbm4b:s6+s2], $0x80, v4, vm0, $0xb8;
	[tilespmem:$0x18080] =	vst v63  }
0xb0: {  	_ = 	snop  }
0xb1: {  	[tilespmem:s11], [sflag:$0x1] =	stream.indirect_vreg.gather [hbm4b:s7+s2], $0x80, v4, vm0, $0xb8;
	[tilespmem:$0x18080] =	vst v63  }
0xb2: {  	s3 =	simm.s32 $0xA080  }
0xb3: {  	[tilespmem:s3], [sflag:$0x1] =	stream.indirect_vreg.gather [hbm4b:s1+s2], $0x80, v3, vm0, $0xb8;
	[tilespmem:$0x18080] =	vst v63  }
0xb4: {  	s11 =	simm.s32 $0xA880  }
0xb5: {  	[tilespmem:s11], [sflag:$0x1] =	stream.indirect_vreg.gather [hbm4b:s5+s2], $0x80, v3, vm0, $0xb8;
	[tilespmem:$0x18080] =	vst v63  }
0xb6: {  	s12 =	simm.s32 $0xB080  }
0xb7: {  	[tilespmem:s12], [sflag:$0x1] =	stream.indirect_vreg.gather [hbm4b:s6+s2], $0x80, v3, vm0, $0xb8;
	[tilespmem:$0x18080] =	vst v63  }
0xb8: {  	s13 =	simm.s32 $0xB880  }
0xb9: {  	[tilespmem:s13], [sflag:$0x1] =	stream.indirect_vreg.gather [hbm4b:s7+s2], $0x80, v3, vm0, $0xb8;
	[tilespmem:$0x18080] =	vst v63  }
0xba: {  	v3 =	vld [tilespmem:$0x30];
	_ =	sdelay $0x4  }
0xbb: {  	v55 =	vshll.u32 v3, $0x3  }
0xbc: {  	v3 =	vand.u32 $0x7, v3;
	v4 =	vand.u32 $0xFFFFFFC0, v55  }
0xbd: {  	v3 =	vor.u32 v3, v4  }
0xbe: {  	v4 =	vperm.xlane v3, v0;
	_ =	sdelay $0x1  }
0xbf: {  	v4 =	vadd.s32 v1, v4;
	_ =	sdelay $0x3  }
0xc0: {  	s14 =	simm.s32 $0xC080  }
0xc1: {  	[tilespmem:s14], [sflag:$0x1] =	stream.indirect_vreg.gather [hbm4b:s1+s2], $0x80, v4, vm0, $0xb8;
	[tilespmem:$0x18080] =	vst v63  }
0xc2: {  	s15 =	simm.s32 $0xC880;
	v3 =	vperm.xlane v3, v2  }
0xc3: {  	[tilespmem:s15], [sflag:$0x1] =	stream.indirect_vreg.gather [hbm4b:s5+s2], $0x80, v4, vm0, $0xb8;
	[tilespmem:$0x18080] =	vst v63  }
0xc4: {  	s16 =	simm.s32 $0xD080;
	v3 =	vadd.s32 v1, v3  }
0xc5: {  	[tilespmem:s16], [sflag:$0x1] =	stream.indirect_vreg.gather [hbm4b:s6+s2], $0x80, v4, vm0, $0xb8;
	[tilespmem:$0x18080] =	vst v63  }
0xc6: {  	s17 =	simm.s32 $0xD880  }
0xc7: {  	[tilespmem:s17], [sflag:$0x1] =	stream.indirect_vreg.gather [hbm4b:s7+s2], $0x80, v4, vm0, $0xb8;
	[tilespmem:$0x18080] =	vst v63  }
0xc8: {  	s18 =	simm.s32 $0xE080  }
0xc9: {  	[tilespmem:s18], [sflag:$0x1] =	stream.indirect_vreg.gather [hbm4b:s1+s2], $0x80, v3, vm0, $0xb8;
	[tilespmem:$0x18080] =	vst v63  }
0xca: {  	s19 =	simm.s32 $0xE880  }
0xcb: {  	[tilespmem:s19], [sflag:$0x1] =	stream.indirect_vreg.gather [hbm4b:s5+s2], $0x80, v3, vm0, $0xb8;
	[tilespmem:$0x18080] =	vst v63  }
0xcc: {  	s20 =	simm.s32 $0xF080  }
0xcd: {  	[tilespmem:s20], [sflag:$0x1] =	stream.indirect_vreg.gather [hbm4b:s6+s2], $0x80, v3, vm0, $0xb8;
	[tilespmem:$0x18080] =	vst v63  }
0xce: {  	s21 =	simm.s32 $0xF880  }
0xcf: {  	[tilespmem:s21], [sflag:$0x1] =	stream.indirect_vreg.gather [hbm4b:s7+s2], $0x80, v3, vm0, $0xb8;
	[tilespmem:$0x18080] =	vst v63  }
0xd0: {  	_ =	swait.ge [sflag:s22], $0x10000  }
0xd1: {  	[sflag:s22] =	ssyncset.done $0x0  }
0xd2: {  	s24 =	rddreg [dreg:$0x6];
	[sflag:s22] =	ssyncadd.s32 $0xFFFF0000  }
0xd3: {  	[hbm4b:s24+s2] =	stream.linear.scatter [tilespmem:s23], [sflag:$0x2], $0x10000, $0x38;
	[tilespmem:$0x18080] =	vst v63  }
0xd4: {  	_ =	swait.ge [sflag:s10], $0x10000  }
0xd5: {  	[sflag:s10] =	ssyncset.done $0x0  }
0xd6: {  	s25 =	rddreg [dreg:$0x7];
	[sflag:s10] =	ssyncadd.s32 $0xFFFF0000  }
0xd7: {  	[tilespmem:s2], [sflag:$0x2] =	stream.linear.gather [hbm4b:s25+s2], $0x40, $0x38;
	[tilespmem:$0x18080] =	vst v63  }
0xd8: {  	_ =	swait.ge [sflag:s10], $0x40  }
0xd9: {  	[sflag:s10] =	ssyncset.done $0x0  }
0xda: {  	[sflag:s10] =	ssyncadd.s32 $0xFFFFFFC0  }
0xdb: {  	v3 =	vld [tilespmem:$0x0];
	_ =	sdelay $0x4  }
0xdc: {  	v56 =	vshll.u32 v3, $0x2  }
0xdd: {  	v3 =	vand.u32 $0x7, v3;
	v4 =	vand.u32 $0xFFFFFFE0, v56  }
0xde: {  	v3 =	vor.u32 v3, v4  }
0xdf: {  	v4 =	vperm.xlane v3, v0;
	_ =	sdelay $0x1  }
0xe0: {  	v4 =	vadd.s32 v1, v4;
	_ =	sdelay $0x1  }
0xe1: {  	v3 =	vperm.xlane v3, v2;
	_ =	sdelay $0x1  }
0xe2: {  	s0 =	simm.s32 $0x10080;
	v3 =	vadd.s32 v1, v3  }
0xe3: {  	[tilespmem:s0], [sflag:$0x1] =	stream.indirect_vreg.gather [hbm4b:s4+s2], $0x80, v4, vm0, $0xb8;
	[tilespmem:$0x18080] =	vst v63  }
0xe4: {  	s3 =	simm.s32 $0x10880  }
0xe5: {  	[tilespmem:s3], [sflag:$0x1] =	stream.indirect_vreg.gather [hbm4b:s8+s2], $0x80, v4, vm0, $0xb8;
	[tilespmem:$0x18080] =	vst v63  }
0xe6: {  	s11 =	simm.s32 $0x11080  }
0xe7: {  	[tilespmem:s11], [sflag:$0x1] =	stream.indirect_vreg.gather [hbm4b:s4+s2], $0x80, v3, vm0, $0xb8;
	[tilespmem:$0x18080] =	vst v63  }
0xe8: {  	s12 =	simm.s32 $0x11880  }
0xe9: {  	[tilespmem:s12], [sflag:$0x1] =	stream.indirect_vreg.gather [hbm4b:s8+s2], $0x80, v3, vm0, $0xb8;
	[tilespmem:$0x18080] =	vst v63  }
0xea: {  	v3 =	vld [tilespmem:$0x10];
	_ =	sdelay $0x4  }
0xeb: {  	v57 =	vshll.u32 v3, $0x2  }
0xec: {  	v3 =	vand.u32 $0x7, v3;
	v4 =	vand.u32 $0xFFFFFFE0, v57  }
0xed: {  	v3 =	vor.u32 v3, v4  }
0xee: {  	v4 =	vperm.xlane v3, v0;
	_ =	sdelay $0x1  }
0xef: {  	v4 =	vadd.s32 v1, v4;
	_ =	sdelay $0x1  }
0xf0: {  	v3 =	vperm.xlane v3, v2;
	_ =	sdelay $0x1  }
0xf1: {  	s13 =	simm.s32 $0x12080;
	v3 =	vadd.s32 v1, v3  }
0xf2: {  	[tilespmem:s13], [sflag:$0x1] =	stream.indirect_vreg.gather [hbm4b:s4+s2], $0x80, v4, vm0, $0xb8;
	[tilespmem:$0x18080] =	vst v63  }
0xf3: {  	s14 =	simm.s32 $0x12880  }
0xf4: {  	[tilespmem:s14], [sflag:$0x1] =	stream.indirect_vreg.gather [hbm4b:s8+s2], $0x80, v4, vm0, $0xb8;
	[tilespmem:$0x18080] =	vst v63  }
0xf5: {  	s15 =	simm.s32 $0x13080  }
0xf6: {  	[tilespmem:s15], [sflag:$0x1] =	stream.indirect_vreg.gather [hbm4b:s4+s2], $0x80, v3, vm0, $0xb8;
	[tilespmem:$0x18080] =	vst v63  }
0xf7: {  	s16 =	simm.s32 $0x13880  }
0xf8: {  	[tilespmem:s16], [sflag:$0x1] =	stream.indirect_vreg.gather [hbm4b:s8+s2], $0x80, v3, vm0, $0xb8;
	[tilespmem:$0x18080] =	vst v63  }
0xf9: {  	v3 =	vld [tilespmem:$0x20];
	_ =	sdelay $0x4  }
0xfa: {  	v58 =	vshll.u32 v3, $0x2  }
0xfb: {  	v3 =	vand.u32 $0x7, v3;
	v4 =	vand.u32 $0xFFFFFFE0, v58  }
0xfc: {  	v3 =	vor.u32 v3, v4  }
0xfd: {  	v4 =	vperm.xlane v3, v0;
	_ =	sdelay $0x1  }
0xfe: {  	v4 =	vadd.s32 v1, v4;
	_ =	sdelay $0x1  }
0xff: {  	v3 =	vperm.xlane v3, v2;
	_ =	sdelay $0x1  }
0x100: {  	s17 =	simm.s32 $0x14080;
	v3 =	vadd.s32 v1, v3  }
0x101: {  	[tilespmem:s17], [sflag:$0x1] =	stream.indirect_vreg.gather [hbm4b:s4+s2], $0x80, v4, vm0, $0xb8;
	[tilespmem:$0x18080] =	vst v63  }
0x102: {  	s19 =	simm.s32 $0x14880  }
0x103: {  	[tilespmem:s19], [sflag:$0x1] =	stream.indirect_vreg.gather [hbm4b:s8+s2], $0x80, v4, vm0, $0xb8;
	[tilespmem:$0x18080] =	vst v63  }
0x104: {  	s20 =	simm.s32 $0x15080  }
0x105: {  	[tilespmem:s20], [sflag:$0x1] =	stream.indirect_vreg.gather [hbm4b:s4+s2], $0x80, v3, vm0, $0xb8;
	[tilespmem:$0x18080] =	vst v63  }
0x106: {  	s21 =	simm.s32 $0x15880  }
0x107: {  	[tilespmem:s21], [sflag:$0x1] =	stream.indirect_vreg.gather [hbm4b:s8+s2], $0x80, v3, vm0, $0xb8;
	[tilespmem:$0x18080] =	vst v63  }
0x108: {  	v3 =	vld [tilespmem:$0x30];
	_ =	sdelay $0x4  }
0x109: {  	v59 =	vshll.u32 v3, $0x2  }
0x10a: {  	v3 =	vand.u32 $0x7, v3;
	v4 =	vand.u32 $0xFFFFFFE0, v59  }
0x10b: {  	v3 =	vor.u32 v3, v4  }
0x10c: {  	v4 =	vperm.xlane v3, v0;
	_ =	sdelay $0x1  }
0x10d: {  	v4 =	vadd.s32 v1, v4;
	_ =	sdelay $0x1  }
0x10e: {  	v3 =	vperm.xlane v3, v2;
	_ =	sdelay $0x1  }
0x10f: {  	s23 =	simm.s32 $0x16080;
	v3 =	vadd.s32 v1, v3  }
0x110: {  	[tilespmem:s23], [sflag:$0x1] =	stream.indirect_vreg.gather [hbm4b:s4+s2], $0x80, v4, vm0, $0xb8;
	[tilespmem:$0x18080] =	vst v63  }
0x111: {  	s24 =	simm.s32 $0x16880  }
0x112: {  	[tilespmem:s24], [sflag:$0x1] =	stream.indirect_vreg.gather [hbm4b:s8+s2], $0x80, v4, vm0, $0xb8;
	[tilespmem:$0x18080] =	vst v63  }
0x113: {  	s25 =	simm.s32 $0x17080  }
0x114: {  	[tilespmem:s25], [sflag:$0x1] =	stream.indirect_vreg.gather [hbm4b:s4+s2], $0x80, v3, vm0, $0xb8;
	[tilespmem:$0x18080] =	vst v63  }
0x115: {  	s26 =	simm.s32 $0x17880  }
0x116: {  	[tilespmem:s26], [sflag:$0x1] =	stream.indirect_vreg.gather [hbm4b:s8+s2], $0x80, v3, vm0, $0xb8;
	[tilespmem:$0x18080] =	vst v63  }
0x117: {  	_ =	swait.ge [sflag:s22], $0x8000  }
0x118: {  	[sflag:s22] =	ssyncset.done $0x0  }
0x119: {  	s18 =	rddreg [dreg:$0x8];
	[sflag:s22] =	ssyncadd.s32 $0xFFFF8000  }
0x11a: {  	[hbm4b:s18+s2] =	stream.linear.scatter [tilespmem:s0], [sflag:$0x2], $0x8000, $0x38;
	[tilespmem:$0x18080] =	vst v63  }
0x11b: {  	_ =	swait.ge [sflag:s10], $0x8000  }
0x11c: {  	[sflag:s10] =	ssyncset.done $0x0  }
0x11d: {  	s18 =	rddreg [dreg:$0x9];
	[sflag:s10] =	ssyncadd.s32 $0xFFFF8000  }
0x11e: {  	[tilespmem:s2], [sflag:$0x2] =	stream.linear.gather [hbm4b:s18+s2], $0x40, $0x38;
	[tilespmem:$0x18080] =	vst v63  }
0x11f: {  	_ =	swait.ge [sflag:s10], $0x40  }
0x120: {  	[sflag:s10] =	ssyncset.done $0x0  }
0x121: {  	[sflag:s10] =	ssyncadd.s32 $0xFFFFFFC0  }
0x122: {  	v3 =	vld [tilespmem:$0x0];
	_ =	sdelay $0x4  }
0x123: {  	v60 =	vshll.u32 v3, $0x2  }
0x124: {  	v3 =	vand.u32 $0x7, v3;
	v4 =	vand.u32 $0xFFFFFFE0, v60  }
0x125: {  	v3 =	vor.u32 v3, v4  }
0x126: {  	v4 =	vperm.xlane v3, v0;
	_ =	sdelay $0x1  }
0x127: {  	v4 =	vadd.s32 v1, v4;
	_ =	sdelay $0x1  }
0x128: {  	v3 =	vperm.xlane v3, v2;
	_ =	sdelay $0x1  }
0x129: {  	v3 =	vadd.s32 v1, v3  }
0x12a: {  	[tilespmem:s0], [sflag:$0x1] =	stream.indirect_vreg.gather [hbm4b:s4+s2], $0x80, v4, vm0, $0xb8;
	[tilespmem:$0x18080] =	vst v63  }
0x12b: {  	_ = 	snop  }
0x12c: {  	[tilespmem:s3], [sflag:$0x1] =	stream.indirect_vreg.gather [hbm4b:s8+s2], $0x80, v4, vm0, $0xb8;
	[tilespmem:$0x18080] =	vst v63  }
0x12d: {  	_ = 	snop  }
0x12e: {  	[tilespmem:s11], [sflag:$0x1] =	stream.indirect_vreg.gather [hbm4b:s4+s2], $0x80, v3, vm0, $0xb8;
	[tilespmem:$0x18080] =	vst v63  }
0x12f: {  	_ = 	snop  }
0x130: {  	[tilespmem:s12], [sflag:$0x1] =	stream.indirect_vreg.gather [hbm4b:s8+s2], $0x80, v3, vm0, $0xb8;
	[tilespmem:$0x18080] =	vst v63  }
0x131: {  	v3 =	vld [tilespmem:$0x10];
	_ =	sdelay $0x4  }
0x132: {  	v61 =	vshll.u32 v3, $0x2  }
0x133: {  	v3 =	vand.u32 $0x7, v3;
	v4 =	vand.u32 $0xFFFFFFE0, v61  }
0x134: {  	v3 =	vor.u32 v3, v4  }
0x135: {  	v4 =	vperm.xlane v3, v0;
	_ =	sdelay $0x1  }
0x136: {  	v4 =	vadd.s32 v1, v4;
	_ =	sdelay $0x1  }
0x137: {  	v3 =	vperm.xlane v3, v2;
	_ =	sdelay $0x1  }
0x138: {  	v3 =	vadd.s32 v1, v3  }
0x139: {  	[tilespmem:s13], [sflag:$0x1] =	stream.indirect_vreg.gather [hbm4b:s4+s2], $0x80, v4, vm0, $0xb8;
	[tilespmem:$0x18080] =	vst v63  }
0x13a: {  	_ = 	snop  }
0x13b: {  	[tilespmem:s14], [sflag:$0x1] =	stream.indirect_vreg.gather [hbm4b:s8+s2], $0x80, v4, vm0, $0xb8;
	[tilespmem:$0x18080] =	vst v63  }
0x13c: {  	_ = 	snop  }
0x13d: {  	[tilespmem:s15], [sflag:$0x1] =	stream.indirect_vreg.gather [hbm4b:s4+s2], $0x80, v3, vm0, $0xb8;
	[tilespmem:$0x18080] =	vst v63  }
0x13e: {  	_ = 	snop  }
0x13f: {  	[tilespmem:s16], [sflag:$0x1] =	stream.indirect_vreg.gather [hbm4b:s8+s2], $0x80, v3, vm0, $0xb8;
	[tilespmem:$0x18080] =	vst v63  }
0x140: {  	v3 =	vld [tilespmem:$0x20];
	_ =	sdelay $0x4  }
0x141: {  	v62 =	vshll.u32 v3, $0x2  }
0x142: {  	v3 =	vand.u32 $0x7, v3;
	v4 =	vand.u32 $0xFFFFFFE0, v62  }
0x143: {  	v3 =	vor.u32 v3, v4  }
0x144: {  	v4 =	vperm.xlane v3, v0;
	_ =	sdelay $0x1  }
0x145: {  	v4 =	vadd.s32 v1, v4;
	_ =	sdelay $0x1  }
0x146: {  	v3 =	vperm.xlane v3, v2;
	_ =	sdelay $0x1  }
0x147: {  	v3 =	vadd.s32 v1, v3  }
0x148: {  	[tilespmem:s17], [sflag:$0x1] =	stream.indirect_vreg.gather [hbm4b:s4+s2], $0x80, v4, vm0, $0xb8;
	[tilespmem:$0x18080] =	vst v63  }
0x149: {  	_ = 	snop  }
0x14a: {  	[tilespmem:s19], [sflag:$0x1] =	stream.indirect_vreg.gather [hbm4b:s8+s2], $0x80, v4, vm0, $0xb8;
	[tilespmem:$0x18080] =	vst v63  }
0x14b: {  	_ = 	snop  }
0x14c: {  	[tilespmem:s20], [sflag:$0x1] =	stream.indirect_vreg.gather [hbm4b:s4+s2], $0x80, v3, vm0, $0xb8;
	[tilespmem:$0x18080] =	vst v63  }
0x14d: {  	_ = 	snop  }
0x14e: {  	[tilespmem:s21], [sflag:$0x1] =	stream.indirect_vreg.gather [hbm4b:s8+s2], $0x80, v3, vm0, $0xb8;
	[tilespmem:$0x18080] =	vst v63  }
0x14f: {  	v3 =	vld [tilespmem:$0x30];
	_ =	sdelay $0x4  }
0x150: {  	v63 =	vshll.u32 v3, $0x2  }
0x151: {  	v3 =	vand.u32 $0x7, v3;
	v4 =	vand.u32 $0xFFFFFFE0, v63  }
0x152: {  	v3 =	vor.u32 v3, v4  }
0x153: {  	v4 =	vperm.xlane v3, v0;
	_ =	sdelay $0x1  }
0x154: {  	v4 =	vadd.s32 v1, v4;
	_ =	sdelay $0x1  }
0x155: {  	v3 =	vperm.xlane v3, v2;
	_ =	sdelay $0x1  }
0x156: {  	v3 =	vadd.s32 v1, v3  }
0x157: {  	[tilespmem:s23], [sflag:$0x1] =	stream.indirect_vreg.gather [hbm4b:s4+s2], $0x80, v4, vm0, $0xb8;
	[tilespmem:$0x18080] =	vst v63  }
0x158: {  	_ = 	snop  }
0x159: {  	[tilespmem:s24], [sflag:$0x1] =	stream.indirect_vreg.gather [hbm4b:s8+s2], $0x80, v4, vm0, $0xb8;
	[tilespmem:$0x18080] =	vst v63  }
0x15a: {  	_ = 	snop  }
0x15b: {  	[tilespmem:s25], [sflag:$0x1] =	stream.indirect_vreg.gather [hbm4b:s4+s2], $0x80, v3, vm0, $0xb8;
	[tilespmem:$0x18080] =	vst v63  }
0x15c: {  	_ = 	snop  }
0x15d: {  	[tilespmem:s26], [sflag:$0x1] =	stream.indirect_vreg.gather [hbm4b:s8+s2], $0x80, v3, vm0, $0xb8;
	[tilespmem:$0x18080] =	vst v63  }
0x15e: {  	_ =	swait.ge [sflag:s22], $0x8000  }
0x15f: {  	p0 =	sne.s32 s9, $0x1;
	[sflag:s22] =	ssyncset.done $0x0  }
.Ltmp0:
0x160: {  	s26 =	rddreg [dreg:$0xa];
	[sflag:s22] =	ssyncadd.s32 $0xFFFF8000;
	(pc) =	sbr.rel @p0 .LBB2_1-.Ltmp0, $4  }
0x161: {  	[hbm4b:s26+s2] =	stream.linear.scatter [tilespmem:s0], [sflag:$0x2], $0x8000, $0x38;
	[tilespmem:$0x18080] =	vst v63  }
0x162: {  	_ =	swait.ge [sflag:s10], $0x8000  }
0x163: {  	[sflag:s10] =	ssyncset.done $0x0  }
0x164: {  	s9 =	sadd.s32 $0xFFFFFFFF, s9;
	[sflag:s10] =	ssyncadd.s32 $0xFFFF8000  }
0x165: {  	_ =	sfence.sel $0x180000  }
0x166: {  	[bflag:$0x0] =	sbarrier.arrive $0xFFFF  }
0x167: {  	_ =	strace $0x9000004D  }
0x168: {  	s0 =	stileid.u32;
	[bflag:$0x2] =	sbarrier.arrive $0xFFFF  }
0x169: {  	p0 =	sne.s32 s0, $0x0;
	s0 =	rddreg [dreg:$0x2]  }
0x16a: {  	s0 =	sadd.s32 @!p0 $0x100000, s0  }
0x16b: {  	[sflag:s0] =	ssyncadd.tile.s32 @!p0 $0x1;
	_ =	shalt  }
.Lfunc_end2:
_tile_overlayer_lowered:
.L_overlay_start_2:
0x16c: {  	(tag) =	ssettag $0x2  }
0x16d: {  	s0 =	rddreg [dreg:$0x0];
	s2 =	stileid.u32  }
0x16e: {  	s1 =	rddreg [dreg:$0x1];
	p0 =	sne.s32 s2, $0x0  }
0x16f: {  	s3 =	rddreg [dreg:$0x2];
	[bflag:$0x3] =	sbarrier.arrive $0xFFFF;
	s2 =	simm.s32 @!p0 $0x1C02  }
0x170: {  	[timem:s3], [sflag:s2] =	dma.local @!p0 [hbm:s0], s1  }
0x171: {  	s0 =	simm.s32 @!p0 $0x2  }
0x172: {  	_ =	swait.ge @!p0 [sflag:s0], s1  }
0x173: {  	s1 =	ssub.s32 @!p0 $0x0, s1;
	[sflag:s0] =	ssyncset.done @!p0 $0x0  }
0x174: {  	[sflag:s0] =	ssyncadd.s32 @!p0 s1  }
0x175: {  	[bflag:$0x3] =	sbarrier.arrive $0xFFFF  }
0x176: {  	_ =	shalt  }

// kernel: kernel.21.cloned.1.call-start
scs
__scs_entry_jumppad:
0x0: {  	(pc) =	sbr.rel $0x88, $3  }
0x1: {  	(tag) =	ssettag $0x0;
	lr =	simm.s32 $0x1  }
0x2: {  	[smem:$0x3F96] =	sst lr;
	_ =	strace $0xD0000000  }
0x3: {  	_ = 	snop  }
0x4: {  	_ = 	snop  }
0x5: {  	_ = 	snop  }
0x6: {  	_ = 	snop  }
0x7: {  	_ = 	snop  }
__scs_overlays_trampoline_lowered:
0x8: {  	[smem:$0x3FA5] =	sst s0  }
0x9: {  	[smem:$0x3FA6] =	sst s1  }
0xa: {  	[smem:$0x3FA7] =	sst s2  }
0xb: {  	[smem:$0x3FA8] =	sst s3  }
0xc: {  	[smem:$0x3FA9] =	sst s4  }
0xd: {  	[smem:$0x3FAA] =	sst s5  }
0xe: {  	[smem:$0x3FAB] =	sst s6  }
0xf: {  	[smem:$0x3FAC] =	sst s7  }
0x10: {  	[smem:$0x3FAD] =	sst s8  }
0x11: {  	[smem:$0x3FAE] =	sst s9;
	s0 =	simm.s32 @!p0 $0x0  }
0x12: {  	s1 =	sld [smem:$0x3F94];
	s0 =	simm.s32 @p0 $0x1  }
0x13: {  	[smem:$0x3FAF] =	sst s0;
	s0 =	simm.s32 @!p1 $0x0  }
0x14: {  	s2 =	sld [smem:$0x3F93];
	s0 =	simm.s32 @p1 $0x1  }
0x15: {  	[smem:$0x3FB0] =	sst s0;
	s0 =	simm.s32 @!p2 $0x0  }
0x16: {  	s3 =	sld [smem:$0x3FDB];
	s0 =	simm.s32 @p2 $0x1  }
0x17: {  	s4 =	simm.s32 $0x1BF5;
	[smem:$0x3FB2] =	sst s0  }
0x18: {  	s0 =	sld [smem:$0x3F95];
	_ =	swait.ge [sflag:s4], $0x0  }
0x19: {  	s7 =	sld [smem:$0x3F96]  }
0x1a: {  	s8 =	sadd.s32 $0xFFFFE003, lr  }
0x1b: {  	s9 =	sadd.s32 $0xFFFFFEF7, lr;
	s5 =	simm.s32 $0xFFFFFFFF;
	p2 =	slt.u32 s8, $0xFFFFF086  }
0x1c: {  	p1 =	slt.u32 s9, $0xF7A;
	s5 =	simm.s32 @!p2 $0x0  }
0x1d: {  	s5 =	simm.s32 @p1 $0x1;
	p0 =	seq.s32 s7, s2  }
0x1e: {  	s7 =	smul.u32 @!p0 $0xF7A, s2;
	p2 =	seq.s32 @!p0 s5, $0x0  }
0x1f: {  	s9 =	smul.u32 $0xF7A, s1;
	s8 =	simm.s32 @!p0 $0x1BF5;
	p2 =	por !p2, p0  }
0x20: {  	[sflag:s8] =	ssyncset.s32 @!p0 $0xFFFFF086;
	s6 =	sadd.s32 @!p0 s3, s7;
	s7 =	simm.s32 @!p0 $0x108  }
0x21: {  	s3 =	sadd.s32 s3, s9;
	s6 =	sadd.s32 @!p0 $0x88, s6;
	s7 =	simm.s32 @p2 $0x1082  }
0x22: {  	[simem:s7], [sflag:s8] =	dma.local @!p0 [hbm:s6], $0xF7A  }
0x23: {  	s9 =	sor.u32 $0xD0000000, s2;
	s6 =	simm.s32 $0x108;
	_ =	swait.ge @!p0 [sflag:s8], $0x0  }
0x24: {  	s3 =	sadd.s32 $0x88, s3;
	s6 =	simm.s32 @!p1 $0x1082;
	[sflag:s4] =	ssyncset.s32 $0xFFFFF086  }
0x25: {  	[simem:s6], [sflag:s4] =	dma.local [hbm:s3], $0xF7A  }
0x26: {  	[smem:$0x3F96] =	sst s1;
	(tag) =	ssettag s2;
	_ =	strace s9  }
0x27: {  	s1 =	sld [smem:$0x3FA6]  }
0x28: {  	s2 =	sld [smem:$0x3FA7]  }
0x29: {  	s4 =	sld [smem:$0x3FA9]  }
0x2a: {  	p0 =	seq.s32 s5, $0x0;
	s5 =	sld [smem:$0x3FAA]  }
0x2b: {  	s6 =	sld [smem:$0x3FAB]  }
0x2c: {  	s7 =	sld [smem:$0x3FAC]  }
0x2d: {  	s3 =	simm.s32 $0x108;
	s8 =	sld [smem:$0x3FAD]  }
0x2e: {  	s3 =	simm.s32 @!p0 $0x1082;
	s9 =	sld [smem:$0x3FAE]  }
0x2f: {  	lr =	sadd.s32 s0, s3;
	s0 =	sld [smem:$0x3FA5]  }
0x30: {  	s3 =	sld [smem:$0x3FA8]  }
0x31: {  	[smem:$0x3FB1] =	sst s10  }
0x32: {  	s10 =	sld [smem:$0x3FAF];
	_ =	sdelay $0x3  }
0x33: {  	p0 =	seq.s32 s10, $0x1;
	s10 =	sld [smem:$0x3FB1];
	_ =	sdelay $0x3  }
0x34: {  	[smem:$0x3FB1] =	sst s10  }
0x35: {  	s10 =	sld [smem:$0x3FB0];
	_ =	sdelay $0x3  }
0x36: {  	p1 =	seq.s32 s10, $0x1;
	s10 =	sld [smem:$0x3FB1];
	_ =	sdelay $0x3  }
0x37: {  	[smem:$0x3FB1] =	sst s10  }
0x38: {  	s10 =	sld [smem:$0x3FB2]  }
0x39: {  	_ = 	snop;
	(pc) =	sbr.ind lr, $3  }
0x3a: {  	_ = 	snop  }
0x3b: {  	_ = 	snop  }
0x3c: {  	p2 =	seq.s32 s10, $0x1;
	s10 =	sld [smem:$0x3FB1]  }
0x3d: {  	_ =	shalt  }
0x3e: {  	_ =	shalt  }
0x3f: {  	_ =	shalt  }
0x40: {  	_ =	shalt  }
0x41: {  	_ =	shalt  }
0x42: {  	_ =	shalt  }
0x43: {  	_ =	shalt  }
0x44: {  	_ =	shalt  }
0x45: {  	_ =	shalt  }
0x46: {  	_ =	shalt  }
0x47: {  	_ =	shalt  }
0x48: {  	_ =	shalt  }
0x49: {  	_ =	shalt  }
0x4a: {  	_ =	shalt  }
0x4b: {  	_ =	shalt  }
0x4c: {  	_ =	shalt  }
0x4d: {  	_ =	shalt  }
0x4e: {  	_ =	shalt  }
0x4f: {  	_ =	shalt  }
0x50: {  	_ =	shalt  }
0x51: {  	_ =	shalt  }
0x52: {  	_ =	shalt  }
0x53: {  	_ =	shalt  }
0x54: {  	_ =	shalt  }
0x55: {  	_ =	shalt  }
0x56: {  	_ =	shalt  }
0x57: {  	_ =	shalt  }
0x58: {  	_ =	shalt  }
0x59: {  	_ =	shalt  }
0x5a: {  	_ =	shalt  }
0x5b: {  	_ =	shalt  }
0x5c: {  	_ =	shalt  }
0x5d: {  	_ =	shalt  }
0x5e: {  	_ =	shalt  }
0x5f: {  	_ =	shalt  }
0x60: {  	_ =	shalt  }
0x61: {  	_ =	shalt  }
0x62: {  	_ =	shalt  }
0x63: {  	_ =	shalt  }
0x64: {  	_ =	shalt  }
0x65: {  	_ =	shalt  }
0x66: {  	_ =	shalt  }
0x67: {  	_ =	shalt  }
0x68: {  	_ =	shalt  }
0x69: {  	_ =	shalt  }
0x6a: {  	_ =	shalt  }
0x6b: {  	_ =	shalt  }
0x6c: {  	_ =	shalt  }
0x6d: {  	_ =	shalt  }
0x6e: {  	_ =	shalt  }
0x6f: {  	_ =	shalt  }
0x70: {  	_ =	shalt  }
0x71: {  	_ =	shalt  }
0x72: {  	_ =	shalt  }
0x73: {  	_ =	shalt  }
0x74: {  	_ =	shalt  }
0x75: {  	_ =	shalt  }
0x76: {  	_ =	shalt  }
0x77: {  	_ =	shalt  }
0x78: {  	_ =	shalt  }
0x79: {  	_ =	shalt  }
0x7a: {  	_ =	shalt  }
0x7b: {  	_ =	shalt  }
0x7c: {  	_ =	shalt  }
0x7d: {  	_ =	shalt  }
0x7e: {  	_ =	shalt  }
0x7f: {  	_ =	shalt  }
0x80: {  	_ =	shalt  }
0x81: {  	_ =	shalt  }
0x82: {  	_ =	shalt  }
0x83: {  	_ =	shalt  }
0x84: {  	_ =	shalt  }
0x85: {  	_ =	shalt  }
0x86: {  	_ =	shalt  }
0x87: {  	_ =	shalt  }
.Lfunc_end0:
.L_simem_size_0:
called_computation.3_lowered:
.L_overlay_start_0:
0x88: {  	s2 =	sld [smem:$0x3FD9]  }
0x89: {  	s3 =	sld [smem:$0x3FFE];
	_ =	sdelay $0x1  }
0x8a: {  	s1 =	srdreg.scid  }
0x8b: {  	s0 =	sand.u32 $0x1, s1  }
0x8c: {  	s17 =	sshll.u32 s0, $0xA;
	s2 =	sadd.s32 s3, s2  }
0x8d: {  	s2 =	sadd.s32 s2, s17  }
0x8e: {  	[smem:$0x3FBD] =	sst s2  }
0x8f: {  	_ = 	snop  }
0x90: {  	s18 =	sld [smem:$0x3FC7];
	(tm) =	ssettm $0x1  }
0x91: {  	s19 =	sld [smem:$0x3FFB];
	_ =	sdelay $0x3  }
0x92: {  	_ =	strace s19  }
0x93: {  	s2 =	sld [smem:$0x3FFC];
	_ =	sdelay $0x3  }
0x94: {  	_ =	strace s2  }
0x95: {  	s2 =	sld [smem:$0x3FFD];
	_ =	sdelay $0x3  }
0x96: {  	_ =	strace s2  }
0x97: {  	_ =	strace $0x8FFFFFFF  }
0x98: {  	s20 =	sld [smem:$0x3FDB];
	_ =	sdelay $0x1  }
0x99: {  	s4 =	simm.s32 $_scs_section_size  }
0x9a: {  	s5 =	simm.s32 $_size__tile_overlayer_lowered;
	s6 =	simm.s32 $_tile_overlayer_lowered  }
0x9b: {  	s7 =	simm.s32 $0x1BFF;
	s21 =	sshll.u32 s6, $0x1;
	s4 =	sadd.s32 s4, s20  }
0x9c: {  	s22 =	simm.s32 $0x0;
	s5 =	sshll.u32 s5, $0x1;
	s6 =	sadd.s32 s21, s4  }
0x9d: {  	[timem:s22], [sflag:s7] =	dma.local [hbm:s6], s5  }
0x9e: {  	_ =	swait.ge [sflag:s7], s5  }
0x9f: {  	s5 =	ssub.s32 $0x0, s5;
	[sflag:s7] =	ssyncset.done $0x0  }
0xa0: {  	[sflag:s7] =	ssyncadd.s32 s5;
	_ =	sdelay $0x1  }
0xa1: {  	s23 =	simm.s32 $0x1B8B  }
0xa2: {  	_ =	swait.ge [sflag:s23], $0x1  }
0xa3: {  	[sflag:s23] =	ssyncset.done $0x0  }
0xa4: {  	[sflag:s23] =	ssyncadd.s32 $0xFFFFFFFF  }
0xa5: {  	s5 =	sld [smem:$0x0]  }
0xa6: {  	s6 =	sand.u32 $0xFFFFFFFE, s1  }
0xa7: {  	p0 =	sne.s32 s1, s6  }
0xa8: {  	s6 =	sshll.u32 @p0 s6, $0xE  }
0xa9: {  	s6 =	sadd.s32 @p0 $0x11B8D, s6;
	s7 =	sshll.u32 @p0 s5, $0x11  }
0xaa: {  	s6 =	sor.u32 @p0 s7, s6  }
0xab: {  	[sflag:s6] =	ssyncadd.remote.s32 @p0 $0x1;
	_ =	sdelay $0x1  }
0xac: {  	s6 =	simm.s32 @p0 $0x1B8D  }
0xad: {  	_ =	swait.eq @p0 [sflag:s6], $0x1  }
0xae: {  	[sflag:s6] =	ssyncadd.s32 @p0 $0xFFFFFFFF  }
0xaf: {  	s7 =	sshll.u32 @!p0 s1, $0xE  }
0xb0: {  	s7 =	sor.u32 @!p0 $0x4000, s7;
	s6 =	simm.s32 @!p0 $0x1B8D  }
0xb1: {  	s5 =	sshll.u32 @!p0 s5, $0x11;
	s7 =	sadd.s32 @!p0 $0x11B8D, s7;
	_ =	swait.eq @!p0 [sflag:s6], $0x1  }
0xb2: {  	s5 =	sor.u32 @!p0 s5, s7;
	[sflag:s6] =	ssyncadd.s32 @!p0 $0xFFFFFFFF  }
0xb3: {  	s25 =	simm.s32 $0x1B8E;
	s24 =	sld [smem:$0x3FFE];
	[sflag:s5] =	ssyncadd.remote.s32 @!p0 $0x1  }
0xb4: {  	s26 =	simm.s32 $execute0_lowered;
	[smem:$0x3FD2] =	sst s25  }
0xb5: {  	s6 =	sshll.u32 s26, $0x1;
	_ =	strace $0x8000004F;
	[dreg:$0x1] =	wrdreg $0xFFFFFFFF  }
0xb6: {  	s28 =	simm.s32 $_size_execute0_lowered;
	s4 =	sadd.s32 s4, s6;
	[dreg:$0x0] =	wrdreg $0x0  }
0xb7: {  	s6 =	sshll.u32 s28, $0x1;
	[dreg:$0x2] =	wrdreg s4  }
0xb8: {  	[dreg:$0x3] =	wrdreg s6  }
0xb9: {  	[dreg:$0x4] =	wrdreg $0xC0  }
0xba: {  	_ =	task [dreg:s22], $0x5FFFF  }
0xbb: {  	[dreg:$0x1] =	wrdreg $0xFFFFFFFF  }
0xbc: {  	[dreg:$0x0] =	wrdreg $0x60  }
0xbd: {  	[dreg:$0x2] =	wrdreg s18  }
0xbe: {  	[dreg:$0x3] =	wrdreg s24  }
0xbf: {  	[dreg:$0x4] =	wrdreg $0xC  }
0xc0: {  	_ =	task.clear_ibuf [dreg:s22], $0x5FFFF;
	_ =	strace $0x9000004F  }
0xc1: {  	s29 =	simm.s32 $0xC;
	_ =	strace $0x80000051  }
0xc2: {  	_ =	swait.ge [sflag:s29], $0x1  }
0xc3: {  	[sflag:s29] =	ssyncadd.s32 $0xFFFFFFFF  }
0xc4: {  	_ =	strace $0x90000051  }
0xc5: {  	_ =	sfence  }
0xc6: {  	s30 =	sld [smem:$0x0];
	_ =	sdelay $0x2  }
0xc7: {  	s31 =	sshll.u32 s1, $0xD;
	s1 =	sshrl.u32 s1, $0x2  }
0xc8: {  	s4 =	sand.u32 $0x4000, s31;
	s1 =	sadd.s32 s1, s30  }
0xc9: {  	s0 =	sor.u32 s4, s0;
	s1 =	sshll.u32 s1, $0x11  }
0xca: {  	s0 =	sor.u32 s1, s0  }
0xcb: {  	s0 =	sadd.s32 $0x8F2B, s0  }
0xcc: {  	[sflag:s0] =	ssyncadd.remote.s32 $0x1  }
0xcd: {  	_ =	sfence.sel $0xFFFF  }
0xce: {  	[dreg:$0x0] =	wrdreg $0xFFFFFFFF;
	(pc) =	sbr.abs _section_cstart, $3  }
0xcf: {  	[dreg:$0x1] =	wrdreg $0xFFFFFFFF  }
0xd0: {  	_ =	task.clear_ibuf [dreg:s22], $0x2FFFF;
	_ =	strace $0x9FFFFFFF  }
0xd1: {  	(tm) =	ssettm $0x7FFFFFFF  }
tec
execute0_lowered:
.L_overlay_start_1:
0x0: {  	(tag) =	ssettag $0x1  }
0x1: {  	s1 =	rddreg [dreg:$0x0]  }
0x2: {  	s0 =	rddreg [dreg:$0x1]  }
0x3: {  	s2 =	simm.s32 $0x0;
	s3 =	srdreg.scid;
	s7 =	stileid.u32  }
0x4: {  	s28 =	simm.s32 $0x3880;
	s29 =	simm.s32 $0x4080;
	s30 =	simm.s32 $0x4880  }
0x5: {  	s31 =	simm.s32 $0x5080;
	[smem:$0x7FF] =	sst s2;
	s4 =	sadd.s32 $0x3E00, s0  }
0x6: {  	s5 =	sadd.s32 $0x14800, s0;
	s3 =	sand.u32 $0x1, s3;
	s6 =	sadd.s32 $0x14600, s0  }
0x7: {  	s7 =	sshll.u32 s7, $0x8;
	s9 =	sadd.s32 $0x294A00, s0;
	s19 =	sadd.s32 $0x254A00, s0  }
0x8: {  	_ =	strace $0x80000050;
	s8 =	sshll.u32 s3, $0x7;
	s3 =	ssub.s32 $0x2, s3  }
0x9: {  	s7 =	sor.u32 s8, s7;
	s10 =	sshrl.u32 s3, $0x1;
	s8 =	sadd.s32 $0x3F00, s0  }
0xa: {  	s11 =	sshrl.u32 s7, $0x3;
	s13 =	sshll.u32 s7, $0x7;
	s14 =	sor.u32 $0x40, s7  }
0xb: {  	s3 =	ssub.s32 s3, s10;
	s7 =	sshll.u32 s7, $0x6;
	s12 =	sadd.s32 s5, s11  }
0xc: {  	s10 =	simm.s32 $0x2;
	s20 =	sadd.s32 s9, s13;
	[dreg:$0x3] =	wrdreg s12  }
0xd: {  	s21 =	sshrl.u32 s14, $0x3;
	s24 =	sadd.s32 s6, s11;
	[dreg:$0x4] =	wrdreg s20  }
0xe: {  	s22 =	sshll.u32 s14, $0x7;
	s7 =	sadd.s32 s19, s7;
	[dreg:$0x7] =	wrdreg s24  }
0xf: {  	s26 =	sshll.u32 s14, $0x6;
	s5 =	sadd.s32 s5, s21;
	[dreg:$0x8] =	wrdreg s7  }
0x10: {  	s23 =	sadd.s32 s9, s22;
	s25 =	sadd.s32 s6, s21;
	[dreg:$0x5] =	wrdreg s5  }
0x11: {  	v2 =	vlaneseq.u32;
	s6 =	sadd.s32 $0x200, s1;
	s9 =	sadd.s32 s19, s26;
	[dreg:$0x6] =	wrdreg s23  }
0x12: {  	vm0 =	vmmov $0xffff;
	v1 =	vshrl.u32 v2, $0x3;
	s7 =	sadd.s32 $0x300, s1;
	s22 =	simm.s32 $0x1;
	[dreg:$0x9] =	wrdreg s25  }
0x13: {  	v0 =	vand.u32 $0x7, v2;
	v2 =	vor.u32 $0x8, v2;
	v1 =	vmul.u32 $0x8, v1;
	s5 =	sadd.s32 $0x100, s1;
	[dreg:$0xa] =	wrdreg s9;
	s9 =	smax.u32 s3, $0x1  }
.LBB2_1:
0x14: {  	s18 =	rddreg [dreg:$0x3]  }
0x15: {  	[tilespmem:s2], [sflag:$0x2] =	stream.linear.gather [hbm4b:s18+s2], $0x40, $0x38;
	[tilespmem:$0x18080] =	vst v63  }
0x16: {  	_ =	swait.ge [sflag:s10], $0x40  }
0x17: {  	[sflag:s10] =	ssyncset.done $0x0  }
0x18: {  	[sflag:s10] =	ssyncadd.s32 $0xFFFFFFC0  }
0x19: {  	v3 =	vld [tilespmem:$0x0];
	_ =	sdelay $0x4  }
0x1a: {  	v4 =	vshll.u32 v3, $0x3  }
0x1b: {  	v3 =	vand.u32 $0x7, v3;
	v4 =	vand.u32 $0xFFFFFFC0, v4  }
0x1c: {  	v3 =	vor.u32 v3, v4  }
0x1d: {  	v4 =	vperm.xlane v3, v0;
	_ =	sdelay $0x1  }
0x1e: {  	v4 =	vadd.s32 v1, v4;
	_ =	sdelay $0x3  }
0x1f: {  	s23 =	simm.s32 $0x80  }
0x20: {  	[tilespmem:s23], [sflag:$0x1] =	stream.indirect_vreg.gather [hbm4b:s1+s2], $0x80, v4, vm0, $0xb8;
	[tilespmem:$0x18080] =	vst v63  }
0x21: {  	s19 =	simm.s32 $0x880;
	v3 =	vperm.xlane v3, v2  }
0x22: {  	[tilespmem:s19], [sflag:$0x1] =	stream.indirect_vreg.gather [hbm4b:s5+s2], $0x80, v4, vm0, $0xb8;
	[tilespmem:$0x18080] =	vst v63  }
0x23: {  	s20 =	simm.s32 $0x1080;
	v3 =	vadd.s32 v1, v3  }
0x24: {  	[tilespmem:s20], [sflag:$0x1] =	stream.indirect_vreg.gather [hbm4b:s6+s2], $0x80, v4, vm0, $0xb8;
	[tilespmem:$0x18080] =	vst v63  }
0x25: {  	s21 =	simm.s32 $0x1880  }
0x26: {  	[tilespmem:s21], [sflag:$0x1] =	stream.indirect_vreg.gather [hbm4b:s7+s2], $0x80, v4, vm0, $0xb8;
	[tilespmem:$0x18080] =	vst v63  }
0x27: {  	s24 =	simm.s32 $0x2080  }
0x28: {  	[tilespmem:s24], [sflag:$0x1] =	stream.indirect_vreg.gather [hbm4b:s1+s2], $0x80, v3, vm0, $0xb8;
	[tilespmem:$0x18080] =	vst v63  }
0x29: {  	s25 =	simm.s32 $0x2880  }
0x2a: {  	[tilespmem:s25], [sflag:$0x1] =	stream.indirect_vreg.gather [hbm4b:s5+s2], $0x80, v3, vm0, $0xb8;
	[tilespmem:$0x18080] =	vst v63  }
0x2b: {  	s26 =	simm.s32 $0x3080  }
0x2c: {  	[tilespmem:s26], [sflag:$0x1] =	stream.indirect_vreg.gather [hbm4b:s6+s2], $0x80, v3, vm0, $0xb8;
	[tilespmem:$0x18080] =	vst v63  }
0x2d: {  	_ = 	snop  }
0x2e: {  	[tilespmem:s28], [sflag:$0x1] =	stream.indirect_vreg.gather [hbm4b:s7+s2], $0x80, v3, vm0, $0xb8;
	[tilespmem:$0x18080] =	vst v63  }
0x2f: {  	v3 =	vld [tilespmem:$0x10];
	_ =	sdelay $0x4  }
0x30: {  	v49 =	vshll.u32 v3, $0x3  }
0x31: {  	v3 =	vand.u32 $0x7, v3;
	v4 =	vand.u32 $0xFFFFFFC0, v49  }
0x32: {  	v3 =	vor.u32 v3, v4  }
0x33: {  	v4 =	vperm.xlane v3, v0;
	_ =	sdelay $0x1  }
0x34: {  	v4 =	vadd.s32 v1, v4;
	_ =	sdelay $0x4  }
0x35: {  	[tilespmem:s29], [sflag:$0x1] =	stream.indirect_vreg.gather [hbm4b:s1+s2], $0x80, v4, vm0, $0xb8;
	[tilespmem:$0x18080] =	vst v63  }
0x36: {  	v3 =	vperm.xlane v3, v2  }
0x37: {  	[tilespmem:s30], [sflag:$0x1] =	stream.indirect_vreg.gather [hbm4b:s5+s2], $0x80, v4, vm0, $0xb8;
	[tilespmem:$0x18080] =	vst v63  }
0x38: {  	v3 =	vadd.s32 v1, v3  }
0x39: {  	[tilespmem:s31], [sflag:$0x1] =	stream.indirect_vreg.gather [hbm4b:s6+s2], $0x80, v4, vm0, $0xb8;
	[tilespmem:$0x18080] =	vst v63  }
0x3a: {  	s0 =	simm.s32 $0x5880  }
0x3b: {  	[tilespmem:s0], [sflag:$0x1] =	stream.indirect_vreg.gather [hbm4b:s7+s2], $0x80, v4, vm0, $0xb8;
	[tilespmem:$0x18080] =	vst v63  }
0x3c: {  	s3 =	simm.s32 $0x6080  }
0x3d: {  	[tilespmem:s3], [sflag:$0x1] =	stream.indirect_vreg.gather [hbm4b:s1+s2], $0x80, v3, vm0, $0xb8;
	[tilespmem:$0x18080] =	vst v63  }
0x3e: {  	s12 =	simm.s32 $0x6880  }
0x3f: {  	[tilespmem:s12], [sflag:$0x1] =	stream.indirect_vreg.gather [hbm4b:s5+s2], $0x80, v3, vm0, $0xb8;
	[tilespmem:$0x18080] =	vst v63  }
0x40: {  	s13 =	simm.s32 $0x7080  }
0x41: {  	[tilespmem:s13], [sflag:$0x1] =	stream.indirect_vreg.gather [hbm4b:s6+s2], $0x80, v3, vm0, $0xb8;
	[tilespmem:$0x18080] =	vst v63  }
0x42: {  	s14 =	simm.s32 $0x7880  }
0x43: {  	[tilespmem:s14], [sflag:$0x1] =	stream.indirect_vreg.gather [hbm4b:s7+s2], $0x80, v3, vm0, $0xb8;
	[tilespmem:$0x18080] =	vst v63  }
0x44: {  	v3 =	vld [tilespmem:$0x20];
	_ =	sdelay $0x4  }
0x45: {  	v50 =	vshll.u32 v3, $0x3  }
0x46: {  	v3 =	vand.u32 $0x7, v3;
	v4 =	vand.u32 $0xFFFFFFC0, v50  }
0x47: {  	v3 =	vor.u32 v3, v4  }
0x48: {  	v4 =	vperm.xlane v3, v0;
	_ =	sdelay $0x1  }
0x49: {  	v4 =	vadd.s32 v1, v4;
	_ =	sdelay $0x3  }
0x4a: {  	s15 =	simm.s32 $0x8080  }
0x4b: {  	[tilespmem:s15], [sflag:$0x1] =	stream.indirect_vreg.gather [hbm4b:s1+s2], $0x80, v4, vm0, $0xb8;
	[tilespmem:$0x18080] =	vst v63  }
0x4c: {  	s16 =	simm.s32 $0x8880;
	v3 =	vperm.xlane v3, v2  }
0x4d: {  	[tilespmem:s16], [sflag:$0x1] =	stream.indirect_vreg.gather [hbm4b:s5+s2], $0x80, v4, vm0, $0xb8;
	[tilespmem:$0x18080] =	vst v63  }
0x4e: {  	s17 =	simm.s32 $0x9080;
	v3 =	vadd.s32 v1, v3  }
0x4f: {  	[tilespmem:s17], [sflag:$0x1] =	stream.indirect_vreg.gather [hbm4b:s6+s2], $0x80, v4, vm0, $0xb8;
	[tilespmem:$0x18080] =	vst v63  }
0x50: {  	s11 =	simm.s32 $0x9880  }
0x51: {  	[tilespmem:s11], [sflag:$0x1] =	stream.indirect_vreg.gather [hbm4b:s7+s2], $0x80, v4, vm0, $0xb8;
	[tilespmem:$0x18080] =	vst v63  }
0x52: {  	s18 =	simm.s32 $0xA080  }
0x53: {  	[tilespmem:s18], [sflag:$0x1] =	stream.indirect_vreg.gather [hbm4b:s1+s2], $0x80, v3, vm0, $0xb8;
	[tilespmem:$0x18080] =	vst v63  }
0x54: {  	s18 =	simm.s32 $0xA880  }
0x55: {  	[tilespmem:s18], [sflag:$0x1] =	stream.indirect_vreg.gather [hbm4b:s5+s2], $0x80, v3, vm0, $0xb8;
	[tilespmem:$0x18080] =	vst v63  }
0x56: {  	s18 =	simm.s32 $0xB080  }
0x57: {  	[tilespmem:s18], [sflag:$0x1] =	stream.indirect_vreg.gather [hbm4b:s6+s2], $0x80, v3, vm0, $0xb8;
	[tilespmem:$0x18080] =	vst v63  }
0x58: {  	s18 =	simm.s32 $0xB880  }
0x59: {  	[tilespmem:s18], [sflag:$0x1] =	stream.indirect_vreg.gather [hbm4b:s7+s2], $0x80, v3, vm0, $0xb8;
	[tilespmem:$0x18080] =	vst v63  }
0x5a: {  	v3 =	vld [tilespmem:$0x30];
	_ =	sdelay $0x4  }
0x5b: {  	v51 =	vshll.u32 v3, $0x3  }
0x5c: {  	v3 =	vand.u32 $0x7, v3;
	v4 =	vand.u32 $0xFFFFFFC0, v51  }
0x5d: {  	v3 =	vor.u32 v3, v4  }
0x5e: {  	v4 =	vperm.xlane v3, v0;
	_ =	sdelay $0x1  }
0x5f: {  	v4 =	vadd.s32 v1, v4;
	_ =	sdelay $0x3  }
0x60: {  	s18 =	simm.s32 $0xC080  }
0x61: {  	[tilespmem:s18], [sflag:$0x1] =	stream.indirect_vreg.gather [hbm4b:s1+s2], $0x80, v4, vm0, $0xb8;
	[tilespmem:$0x18080] =	vst v63  }
0x62: {  	v3 =	vperm.xlane v3, v2;
	s18 =	simm.s32 $0xC880  }
0x63: {  	[tilespmem:s18], [sflag:$0x1] =	stream.indirect_vreg.gather [hbm4b:s5+s2], $0x80, v4, vm0, $0xb8;
	[tilespmem:$0x18080] =	vst v63  }
0x64: {  	v3 =	vadd.s32 v1, v3;
	s18 =	simm.s32 $0xD080  }
0x65: {  	[tilespmem:s18], [sflag:$0x1] =	stream.indirect_vreg.gather [hbm4b:s6+s2], $0x80, v4, vm0, $0xb8;
	[tilespmem:$0x18080] =	vst v63  }
0x66: {  	s18 =	simm.s32 $0xD880  }
0x67: {  	[tilespmem:s18], [sflag:$0x1] =	stream.indirect_vreg.gather [hbm4b:s7+s2], $0x80, v4, vm0, $0xb8;
	[tilespmem:$0x18080] =	vst v63  }
0x68: {  	s18 =	simm.s32 $0xE080  }
0x69: {  	[tilespmem:s18], [sflag:$0x1] =	stream.indirect_vreg.gather [hbm4b:s1+s2], $0x80, v3, vm0, $0xb8;
	[tilespmem:$0x18080] =	vst v63  }
0x6a: {  	s18 =	simm.s32 $0xE880  }
0x6b: {  	[tilespmem:s18], [sflag:$0x1] =	stream.indirect_vreg.gather [hbm4b:s5+s2], $0x80, v3, vm0, $0xb8;
	[tilespmem:$0x18080] =	vst v63  }
0x6c: {  	s18 =	simm.s32 $0xF080  }
0x6d: {  	[tilespmem:s18], [sflag:$0x1] =	stream.indirect_vreg.gather [hbm4b:s6+s2], $0x80, v3, vm0, $0xb8;
	[tilespmem:$0x18080] =	vst v63  }
0x6e: {  	s18 =	simm.s32 $0xF880  }
0x6f: {  	[tilespmem:s18], [sflag:$0x1] =	stream.indirect_vreg.gather [hbm4b:s7+s2], $0x80, v3, vm0, $0xb8;
	[tilespmem:$0x18080] =	vst v63  }
0x70: {  	_ =	swait.ge [sflag:s22], $0x10000  }
0x71: {  	[sflag:s22] =	ssyncset.done $0x0  }
0x72: {  	s18 =	rddreg [dreg:$0x4];
	[sflag:s22] =	ssyncadd.s32 $0xFFFF0000  }
0x73: {  	[hbm4b:s18+s2] =	stream.linear.scatter [tilespmem:s23], [sflag:$0x2], $0x10000, $0x38;
	[tilespmem:$0x18080] =	vst v63  }
0x74: {  	_ =	swait.ge [sflag:s10], $0x10000  }
0x75: {  	[sflag:s10] =	ssyncset.done $0x0  }
0x76: {  	s18 =	rddreg [dreg:$0x5];
	[sflag:s10] =	ssyncadd.s32 $0xFFFF0000  }
0x77: {  	[tilespmem:s2], [sflag:$0x2] =	stream.linear.gather [hbm4b:s18+s2], $0x40, $0x38;
	[tilespmem:$0x18080] =	vst v63  }
0x78: {  	_ =	swait.ge [sflag:s10], $0x40  }
0x79: {  	[sflag:s10] =	ssyncset.done $0x0  }
0x7a: {  	[sflag:s10] =	ssyncadd.s32 $0xFFFFFFC0  }
0x7b: {  	v3 =	vld [tilespmem:$0x0];
	_ =	sdelay $0x4  }
0x7c: {  	v52 =	vshll.u32 v3, $0x3  }
0x7d: {  	v3 =	vand.u32 $0x7, v3;
	v4 =	vand.u32 $0xFFFFFFC0, v52  }
0x7e: {  	v3 =	vor.u32 v3, v4  }
0x7f: {  	v4 =	vperm.xlane v3, v0;
	_ =	sdelay $0x1  }
0x80: {  	v4 =	vadd.s32 v1, v4;
	_ =	sdelay $0x4  }
0x81: {  	[tilespmem:s23], [sflag:$0x1] =	stream.indirect_vreg.gather [hbm4b:s1+s2], $0x80, v4, vm0, $0xb8;
	[tilespmem:$0x18080] =	vst v63  }
0x82: {  	v3 =	vperm.xlane v3, v2  }
0x83: {  	[tilespmem:s19], [sflag:$0x1] =	stream.indirect_vreg.gather [hbm4b:s5+s2], $0x80, v4, vm0, $0xb8;
	[tilespmem:$0x18080] =	vst v63  }
0x84: {  	v3 =	vadd.s32 v1, v3  }
0x85: {  	[tilespmem:s20], [sflag:$0x1] =	stream.indirect_vreg.gather [hbm4b:s6+s2], $0x80, v4, vm0, $0xb8;
	[tilespmem:$0x18080] =	vst v63  }
0x86: {  	_ = 	snop  }
0x87: {  	[tilespmem:s21], [sflag:$0x1] =	stream.indirect_vreg.gather [hbm4b:s7+s2], $0x80, v4, vm0, $0xb8;
	[tilespmem:$0x18080] =	vst v63  }
0x88: {  	_ = 	snop  }
0x89: {  	[tilespmem:s24], [sflag:$0x1] =	stream.indirect_vreg.gather [hbm4b:s1+s2], $0x80, v3, vm0, $0xb8;
	[tilespmem:$0x18080] =	vst v63  }
0x8a: {  	_ = 	snop  }
0x8b: {  	[tilespmem:s25], [sflag:$0x1] =	stream.indirect_vreg.gather [hbm4b:s5+s2], $0x80, v3, vm0, $0xb8;
	[tilespmem:$0x18080] =	vst v63  }
0x8c: {  	_ = 	snop  }
0x8d: {  	[tilespmem:s26], [sflag:$0x1] =	stream.indirect_vreg.gather [hbm4b:s6+s2], $0x80, v3, vm0, $0xb8;
	[tilespmem:$0x18080] =	vst v63  }
0x8e: {  	_ = 	snop  }
0x8f: {  	[tilespmem:s28], [sflag:$0x1] =	stream.indirect_vreg.gather [hbm4b:s7+s2], $0x80, v3, vm0, $0xb8;
	[tilespmem:$0x18080] =	vst v63  }
0x90: {  	v3 =	vld [tilespmem:$0x10];
	_ =	sdelay $0x4  }
0x91: {  	v53 =	vshll.u32 v3, $0x3  }
0x92: {  	v3 =	vand.u32 $0x7, v3;
	v4 =	vand.u32 $0xFFFFFFC0, v53  }
0x93: {  	v3 =	vor.u32 v3, v4  }
0x94: {  	v4 =	vperm.xlane v3, v0;
	_ =	sdelay $0x1  }
0x95: {  	v4 =	vadd.s32 v1, v4;
	_ =	sdelay $0x4  }
0x96: {  	[tilespmem:s29], [sflag:$0x1] =	stream.indirect_vreg.gather [hbm4b:s1+s2], $0x80, v4, vm0, $0xb8;
	[tilespmem:$0x18080] =	vst v63  }
0x97: {  	v3 =	vperm.xlane v3, v2  }
0x98: {  	[tilespmem:s30], [sflag:$0x1] =	stream.indirect_vreg.gather [hbm4b:s5+s2], $0x80, v4, vm0, $0xb8;
	[tilespmem:$0x18080] =	vst v63  }
0x99: {  	v3 =	vadd.s32 v1, v3  }
0x9a: {  	[tilespmem:s31], [sflag:$0x1] =	stream.indirect_vreg.gather [hbm4b:s6+s2], $0x80, v4, vm0, $0xb8;
	[tilespmem:$0x18080] =	vst v63  }
0x9b: {  	_ = 	snop  }
0x9c: {  	[tilespmem:s0], [sflag:$0x1] =	stream.indirect_vreg.gather [hbm4b:s7+s2], $0x80, v4, vm0, $0xb8;
	[tilespmem:$0x18080] =	vst v63  }
0x9d: {  	_ = 	snop  }
0x9e: {  	[tilespmem:s3], [sflag:$0x1] =	stream.indirect_vreg.gather [hbm4b:s1+s2], $0x80, v3, vm0, $0xb8;
	[tilespmem:$0x18080] =	vst v63  }
0x9f: {  	_ = 	snop  }
0xa0: {  	[tilespmem:s12], [sflag:$0x1] =	stream.indirect_vreg.gather [hbm4b:s5+s2], $0x80, v3, vm0, $0xb8;
	[tilespmem:$0x18080] =	vst v63  }
0xa1: {  	_ = 	snop  }
0xa2: {  	[tilespmem:s13], [sflag:$0x1] =	stream.indirect_vreg.gather [hbm4b:s6+s2], $0x80, v3, vm0, $0xb8;
	[tilespmem:$0x18080] =	vst v63  }
0xa3: {  	_ = 	snop  }
0xa4: {  	[tilespmem:s14], [sflag:$0x1] =	stream.indirect_vreg.gather [hbm4b:s7+s2], $0x80, v3, vm0, $0xb8;
	[tilespmem:$0x18080] =	vst v63  }
0xa5: {  	v3 =	vld [tilespmem:$0x20];
	_ =	sdelay $0x4  }
0xa6: {  	v54 =	vshll.u32 v3, $0x3  }
0xa7: {  	v3 =	vand.u32 $0x7, v3;
	v4 =	vand.u32 $0xFFFFFFC0, v54  }
0xa8: {  	v3 =	vor.u32 v3, v4  }
0xa9: {  	v4 =	vperm.xlane v3, v0;
	_ =	sdelay $0x1  }
0xaa: {  	v4 =	vadd.s32 v1, v4;
	_ =	sdelay $0x4  }
0xab: {  	[tilespmem:s15], [sflag:$0x1] =	stream.indirect_vreg.gather [hbm4b:s1+s2], $0x80, v4, vm0, $0xb8;
	[tilespmem:$0x18080] =	vst v63  }
0xac: {  	v3 =	vperm.xlane v3, v2  }
0xad: {  	[tilespmem:s16], [sflag:$0x1] =	stream.indirect_vreg.gather [hbm4b:s5+s2], $0x80, v4, vm0, $0xb8;
	[tilespmem:$0x18080] =	vst v63  }
0xae: {  	v3 =	vadd.s32 v1, v3  }
0xaf: {  	[tilespmem:s17], [sflag:$0x1] =	stream.indirect_vreg.gather [hbm4b:s6+s2], $0x80, v4, vm0, $0xb8;
	[tilespmem:$0x18080] =	vst v63  }
0xb0: {  	_ = 	snop  }
0xb1: {  	[tilespmem:s11], [sflag:$0x1] =	stream.indirect_vreg.gather [hbm4b:s7+s2], $0x80, v4, vm0, $0xb8;
	[tilespmem:$0x18080] =	vst v63  }
0xb2: {  	s3 =	simm.s32 $0xA080  }
0xb3: {  	[tilespmem:s3], [sflag:$0x1] =	stream.indirect_vreg.gather [hbm4b:s1+s2], $0x80, v3, vm0, $0xb8;
	[tilespmem:$0x18080] =	vst v63  }
0xb4: {  	s11 =	simm.s32 $0xA880  }
0xb5: {  	[tilespmem:s11], [sflag:$0x1] =	stream.indirect_vreg.gather [hbm4b:s5+s2], $0x80, v3, vm0, $0xb8;
	[tilespmem:$0x18080] =	vst v63  }
0xb6: {  	s12 =	simm.s32 $0xB080  }
0xb7: {  	[tilespmem:s12], [sflag:$0x1] =	stream.indirect_vreg.gather [hbm4b:s6+s2], $0x80, v3, vm0, $0xb8;
	[tilespmem:$0x18080] =	vst v63  }
0xb8: {  	s13 =	simm.s32 $0xB880  }
0xb9: {  	[tilespmem:s13], [sflag:$0x1] =	stream.indirect_vreg.gather [hbm4b:s7+s2], $0x80, v3, vm0, $0xb8;
	[tilespmem:$0x18080] =	vst v63  }
0xba: {  	v3 =	vld [tilespmem:$0x30];
	_ =	sdelay $0x4  }
0xbb: {  	v55 =	vshll.u32 v3, $0x3  }
0xbc: {  	v3 =	vand.u32 $0x7, v3;
	v4 =	vand.u32 $0xFFFFFFC0, v55  }
0xbd: {  	v3 =	vor.u32 v3, v4  }
0xbe: {  	v4 =	vperm.xlane v3, v0;
	_ =	sdelay $0x1  }
0xbf: {  	v4 =	vadd.s32 v1, v4;
	_ =	sdelay $0x3  }
0xc0: {  	s14 =	simm.s32 $0xC080  }
0xc1: {  	[tilespmem:s14], [sflag:$0x1] =	stream.indirect_vreg.gather [hbm4b:s1+s2], $0x80, v4, vm0, $0xb8;
	[tilespmem:$0x18080] =	vst v63  }
0xc2: {  	s15 =	simm.s32 $0xC880;
	v3 =	vperm.xlane v3, v2  }
0xc3: {  	[tilespmem:s15], [sflag:$0x1] =	stream.indirect_vreg.gather [hbm4b:s5+s2], $0x80, v4, vm0, $0xb8;
	[tilespmem:$0x18080] =	vst v63  }
0xc4: {  	s16 =	simm.s32 $0xD080;
	v3 =	vadd.s32 v1, v3  }
0xc5: {  	[tilespmem:s16], [sflag:$0x1] =	stream.indirect_vreg.gather [hbm4b:s6+s2], $0x80, v4, vm0, $0xb8;
	[tilespmem:$0x18080] =	vst v63  }
0xc6: {  	s17 =	simm.s32 $0xD880  }
0xc7: {  	[tilespmem:s17], [sflag:$0x1] =	stream.indirect_vreg.gather [hbm4b:s7+s2], $0x80, v4, vm0, $0xb8;
	[tilespmem:$0x18080] =	vst v63  }
0xc8: {  	s18 =	simm.s32 $0xE080  }
0xc9: {  	[tilespmem:s18], [sflag:$0x1] =	stream.indirect_vreg.gather [hbm4b:s1+s2], $0x80, v3, vm0, $0xb8;
	[tilespmem:$0x18080] =	vst v63  }
0xca: {  	s19 =	simm.s32 $0xE880  }
0xcb: {  	[tilespmem:s19], [sflag:$0x1] =	stream.indirect_vreg.gather [hbm4b:s5+s2], $0x80, v3, vm0, $0xb8;
	[tilespmem:$0x18080] =	vst v63  }
0xcc: {  	s20 =	simm.s32 $0xF080  }
0xcd: {  	[tilespmem:s20], [sflag:$0x1] =	stream.indirect_vreg.gather [hbm4b:s6+s2], $0x80, v3, vm0, $0xb8;
	[tilespmem:$0x18080] =	vst v63  }
0xce: {  	s21 =	simm.s32 $0xF880  }
0xcf: {  	[tilespmem:s21], [sflag:$0x1] =	stream.indirect_vreg.gather [hbm4b:s7+s2], $0x80, v3, vm0, $0xb8;
	[tilespmem:$0x18080] =	vst v63  }
0xd0: {  	_ =	swait.ge [sflag:s22], $0x10000  }
0xd1: {  	[sflag:s22] =	ssyncset.done $0x0  }
0xd2: {  	s24 =	rddreg [dreg:$0x6];
	[sflag:s22] =	ssyncadd.s32 $0xFFFF0000  }
0xd3: {  	[hbm4b:s24+s2] =	stream.linear.scatter [tilespmem:s23], [sflag:$0x2], $0x10000, $0x38;
	[tilespmem:$0x18080] =	vst v63  }
0xd4: {  	_ =	swait.ge [sflag:s10], $0x10000  }
0xd5: {  	[sflag:s10] =	ssyncset.done $0x0  }
0xd6: {  	s25 =	rddreg [dreg:$0x7];
	[sflag:s10] =	ssyncadd.s32 $0xFFFF0000  }
0xd7: {  	[tilespmem:s2], [sflag:$0x2] =	stream.linear.gather [hbm4b:s25+s2], $0x40, $0x38;
	[tilespmem:$0x18080] =	vst v63  }
0xd8: {  	_ =	swait.ge [sflag:s10], $0x40  }
0xd9: {  	[sflag:s10] =	ssyncset.done $0x0  }
0xda: {  	[sflag:s10] =	ssyncadd.s32 $0xFFFFFFC0  }
0xdb: {  	v3 =	vld [tilespmem:$0x0];
	_ =	sdelay $0x4  }
0xdc: {  	v56 =	vshll.u32 v3, $0x2  }
0xdd: {  	v3 =	vand.u32 $0x7, v3;
	v4 =	vand.u32 $0xFFFFFFE0, v56  }
0xde: {  	v3 =	vor.u32 v3, v4  }
0xdf: {  	v4 =	vperm.xlane v3, v0;
	_ =	sdelay $0x1  }
0xe0: {  	v4 =	vadd.s32 v1, v4;
	_ =	sdelay $0x1  }
0xe1: {  	v3 =	vperm.xlane v3, v2;
	_ =	sdelay $0x1  }
0xe2: {  	s0 =	simm.s32 $0x10080;
	v3 =	vadd.s32 v1, v3  }
0xe3: {  	[tilespmem:s0], [sflag:$0x1] =	stream.indirect_vreg.gather [hbm4b:s4+s2], $0x80, v4, vm0, $0xb8;
	[tilespmem:$0x18080] =	vst v63  }
0xe4: {  	s3 =	simm.s32 $0x10880  }
0xe5: {  	[tilespmem:s3], [sflag:$0x1] =	stream.indirect_vreg.gather [hbm4b:s8+s2], $0x80, v4, vm0, $0xb8;
	[tilespmem:$0x18080] =	vst v63  }
0xe6: {  	s11 =	simm.s32 $0x11080  }
0xe7: {  	[tilespmem:s11], [sflag:$0x1] =	stream.indirect_vreg.gather [hbm4b:s4+s2], $0x80, v3, vm0, $0xb8;
	[tilespmem:$0x18080] =	vst v63  }
0xe8: {  	s12 =	simm.s32 $0x11880  }
0xe9: {  	[tilespmem:s12], [sflag:$0x1] =	stream.indirect_vreg.gather [hbm4b:s8+s2], $0x80, v3, vm0, $0xb8;
	[tilespmem:$0x18080] =	vst v63  }
0xea: {  	v3 =	vld [tilespmem:$0x10];
	_ =	sdelay $0x4  }
0xeb: {  	v57 =	vshll.u32 v3, $0x2  }
0xec: {  	v3 =	vand.u32 $0x7, v3;
	v4 =	vand.u32 $0xFFFFFFE0, v57  }
0xed: {  	v3 =	vor.u32 v3, v4  }
0xee: {  	v4 =	vperm.xlane v3, v0;
	_ =	sdelay $0x1  }
0xef: {  	v4 =	vadd.s32 v1, v4;
	_ =	sdelay $0x1  }
0xf0: {  	v3 =	vperm.xlane v3, v2;
	_ =	sdelay $0x1  }
0xf1: {  	s13 =	simm.s32 $0x12080;
	v3 =	vadd.s32 v1, v3  }
0xf2: {  	[tilespmem:s13], [sflag:$0x1] =	stream.indirect_vreg.gather [hbm4b:s4+s2], $0x80, v4, vm0, $0xb8;
	[tilespmem:$0x18080] =	vst v63  }
0xf3: {  	s14 =	simm.s32 $0x12880  }
0xf4: {  	[tilespmem:s14], [sflag:$0x1] =	stream.indirect_vreg.gather [hbm4b:s8+s2], $0x80, v4, vm0, $0xb8;
	[tilespmem:$0x18080] =	vst v63  }
0xf5: {  	s15 =	simm.s32 $0x13080  }
0xf6: {  	[tilespmem:s15], [sflag:$0x1] =	stream.indirect_vreg.gather [hbm4b:s4+s2], $0x80, v3, vm0, $0xb8;
	[tilespmem:$0x18080] =	vst v63  }
0xf7: {  	s16 =	simm.s32 $0x13880  }
0xf8: {  	[tilespmem:s16], [sflag:$0x1] =	stream.indirect_vreg.gather [hbm4b:s8+s2], $0x80, v3, vm0, $0xb8;
	[tilespmem:$0x18080] =	vst v63  }
0xf9: {  	v3 =	vld [tilespmem:$0x20];
	_ =	sdelay $0x4  }
0xfa: {  	v58 =	vshll.u32 v3, $0x2  }
0xfb: {  	v3 =	vand.u32 $0x7, v3;
	v4 =	vand.u32 $0xFFFFFFE0, v58  }
0xfc: {  	v3 =	vor.u32 v3, v4  }
0xfd: {  	v4 =	vperm.xlane v3, v0;
	_ =	sdelay $0x1  }
0xfe: {  	v4 =	vadd.s32 v1, v4;
	_ =	sdelay $0x1  }
0xff: {  	v3 =	vperm.xlane v3, v2;
	_ =	sdelay $0x1  }
0x100: {  	s17 =	simm.s32 $0x14080;
	v3 =	vadd.s32 v1, v3  }
0x101: {  	[tilespmem:s17], [sflag:$0x1] =	stream.indirect_vreg.gather [hbm4b:s4+s2], $0x80, v4, vm0, $0xb8;
	[tilespmem:$0x18080] =	vst v63  }
0x102: {  	s19 =	simm.s32 $0x14880  }
0x103: {  	[tilespmem:s19], [sflag:$0x1] =	stream.indirect_vreg.gather [hbm4b:s8+s2], $0x80, v4, vm0, $0xb8;
	[tilespmem:$0x18080] =	vst v63  }
0x104: {  	s20 =	simm.s32 $0x15080  }
0x105: {  	[tilespmem:s20], [sflag:$0x1] =	stream.indirect_vreg.gather [hbm4b:s4+s2], $0x80, v3, vm0, $0xb8;
	[tilespmem:$0x18080] =	vst v63  }
0x106: {  	s21 =	simm.s32 $0x15880  }
0x107: {  	[tilespmem:s21], [sflag:$0x1] =	stream.indirect_vreg.gather [hbm4b:s8+s2], $0x80, v3, vm0, $0xb8;
	[tilespmem:$0x18080] =	vst v63  }
0x108: {  	v3 =	vld [tilespmem:$0x30];
	_ =	sdelay $0x4  }
0x109: {  	v59 =	vshll.u32 v3, $0x2  }
0x10a: {  	v3 =	vand.u32 $0x7, v3;
	v4 =	vand.u32 $0xFFFFFFE0, v59  }
0x10b: {  	v3 =	vor.u32 v3, v4  }
0x10c: {  	v4 =	vperm.xlane v3, v0;
	_ =	sdelay $0x1  }
0x10d: {  	v4 =	vadd.s32 v1, v4;
	_ =	sdelay $0x1  }
0x10e: {  	v3 =	vperm.xlane v3, v2;
	_ =	sdelay $0x1  }
0x10f: {  	s23 =	simm.s32 $0x16080;
	v3 =	vadd.s32 v1, v3  }
0x110: {  	[tilespmem:s23], [sflag:$0x1] =	stream.indirect_vreg.gather [hbm4b:s4+s2], $0x80, v4, vm0, $0xb8;
	[tilespmem:$0x18080] =	vst v63  }
0x111: {  	s24 =	simm.s32 $0x16880  }
0x112: {  	[tilespmem:s24], [sflag:$0x1] =	stream.indirect_vreg.gather [hbm4b:s8+s2], $0x80, v4, vm0, $0xb8;
	[tilespmem:$0x18080] =	vst v63  }
0x113: {  	s25 =	simm.s32 $0x17080  }
0x114: {  	[tilespmem:s25], [sflag:$0x1] =	stream.indirect_vreg.gather [hbm4b:s4+s2], $0x80, v3, vm0, $0xb8;
	[tilespmem:$0x18080] =	vst v63  }
0x115: {  	s26 =	simm.s32 $0x17880  }
0x116: {  	[tilespmem:s26], [sflag:$0x1] =	stream.indirect_vreg.gather [hbm4b:s8+s2], $0x80, v3, vm0, $0xb8;
	[tilespmem:$0x18080] =	vst v63  }
0x117: {  	_ =	swait.ge [sflag:s22], $0x8000  }
0x118: {  	[sflag:s22] =	ssyncset.done $0x0  }
0x119: {  	s18 =	rddreg [dreg:$0x8];
	[sflag:s22] =	ssyncadd.s32 $0xFFFF8000  }
0x11a: {  	[hbm4b:s18+s2] =	stream.linear.scatter [tilespmem:s0], [sflag:$0x2], $0x8000, $0x38;
	[tilespmem:$0x18080] =	vst v63  }
0x11b: {  	_ =	swait.ge [sflag:s10], $0x8000  }
0x11c: {  	[sflag:s10] =	ssyncset.done $0x0  }
0x11d: {  	s18 =	rddreg [dreg:$0x9];
	[sflag:s10] =	ssyncadd.s32 $0xFFFF8000  }
0x11e: {  	[tilespmem:s2], [sflag:$0x2] =	stream.linear.gather [hbm4b:s18+s2], $0x40, $0x38;
	[tilespmem:$0x18080] =	vst v63  }
0x11f: {  	_ =	swait.ge [sflag:s10], $0x40  }
0x120: {  	[sflag:s10] =	ssyncset.done $0x0  }
0x121: {  	[sflag:s10] =	ssyncadd.s32 $0xFFFFFFC0  }
0x122: {  	v3 =	vld [tilespmem:$0x0];
	_ =	sdelay $0x4  }
0x123: {  	v60 =	vshll.u32 v3, $0x2  }
0x124: {  	v3 =	vand.u32 $0x7, v3;
	v4 =	vand.u32 $0xFFFFFFE0, v60  }
0x125: {  	v3 =	vor.u32 v3, v4  }
0x126: {  	v4 =	vperm.xlane v3, v0;
	_ =	sdelay $0x1  }
0x127: {  	v4 =	vadd.s32 v1, v4;
	_ =	sdelay $0x1  }
0x128: {  	v3 =	vperm.xlane v3, v2;
	_ =	sdelay $0x1  }
0x129: {  	v3 =	vadd.s32 v1, v3  }
0x12a: {  	[tilespmem:s0], [sflag:$0x1] =	stream.indirect_vreg.gather [hbm4b:s4+s2], $0x80, v4, vm0, $0xb8;
	[tilespmem:$0x18080] =	vst v63  }
0x12b: {  	_ = 	snop  }
0x12c: {  	[tilespmem:s3], [sflag:$0x1] =	stream.indirect_vreg.gather [hbm4b:s8+s2], $0x80, v4, vm0, $0xb8;
	[tilespmem:$0x18080] =	vst v63  }
0x12d: {  	_ = 	snop  }
0x12e: {  	[tilespmem:s11], [sflag:$0x1] =	stream.indirect_vreg.gather [hbm4b:s4+s2], $0x80, v3, vm0, $0xb8;
	[tilespmem:$0x18080] =	vst v63  }
0x12f: {  	_ = 	snop  }
0x130: {  	[tilespmem:s12], [sflag:$0x1] =	stream.indirect_vreg.gather [hbm4b:s8+s2], $0x80, v3, vm0, $0xb8;
	[tilespmem:$0x18080] =	vst v63  }
0x131: {  	v3 =	vld [tilespmem:$0x10];
	_ =	sdelay $0x4  }
0x132: {  	v61 =	vshll.u32 v3, $0x2  }
0x133: {  	v3 =	vand.u32 $0x7, v3;
	v4 =	vand.u32 $0xFFFFFFE0, v61  }
0x134: {  	v3 =	vor.u32 v3, v4  }
0x135: {  	v4 =	vperm.xlane v3, v0;
	_ =	sdelay $0x1  }
0x136: {  	v4 =	vadd.s32 v1, v4;
	_ =	sdelay $0x1  }
0x137: {  	v3 =	vperm.xlane v3, v2;
	_ =	sdelay $0x1  }
0x138: {  	v3 =	vadd.s32 v1, v3  }
0x139: {  	[tilespmem:s13], [sflag:$0x1] =	stream.indirect_vreg.gather [hbm4b:s4+s2], $0x80, v4, vm0, $0xb8;
	[tilespmem:$0x18080] =	vst v63  }
0x13a: {  	_ = 	snop  }
0x13b: {  	[tilespmem:s14], [sflag:$0x1] =	stream.indirect_vreg.gather [hbm4b:s8+s2], $0x80, v4, vm0, $0xb8;
	[tilespmem:$0x18080] =	vst v63  }
0x13c: {  	_ = 	snop  }
0x13d: {  	[tilespmem:s15], [sflag:$0x1] =	stream.indirect_vreg.gather [hbm4b:s4+s2], $0x80, v3, vm0, $0xb8;
	[tilespmem:$0x18080] =	vst v63  }
0x13e: {  	_ = 	snop  }
0x13f: {  	[tilespmem:s16], [sflag:$0x1] =	stream.indirect_vreg.gather [hbm4b:s8+s2], $0x80, v3, vm0, $0xb8;
	[tilespmem:$0x18080] =	vst v63  }
0x140: {  	v3 =	vld [tilespmem:$0x20];
	_ =	sdelay $0x4  }
0x141: {  	v62 =	vshll.u32 v3, $0x2  }
0x142: {  	v3 =	vand.u32 $0x7, v3;
	v4 =	vand.u32 $0xFFFFFFE0, v62  }
0x143: {  	v3 =	vor.u32 v3, v4  }
0x144: {  	v4 =	vperm.xlane v3, v0;
	_ =	sdelay $0x1  }
0x145: {  	v4 =	vadd.s32 v1, v4;
	_ =	sdelay $0x1  }
0x146: {  	v3 =	vperm.xlane v3, v2;
	_ =	sdelay $0x1  }
0x147: {  	v3 =	vadd.s32 v1, v3  }
0x148: {  	[tilespmem:s17], [sflag:$0x1] =	stream.indirect_vreg.gather [hbm4b:s4+s2], $0x80, v4, vm0, $0xb8;
	[tilespmem:$0x18080] =	vst v63  }
0x149: {  	_ = 	snop  }
0x14a: {  	[tilespmem:s19], [sflag:$0x1] =	stream.indirect_vreg.gather [hbm4b:s8+s2], $0x80, v4, vm0, $0xb8;
	[tilespmem:$0x18080] =	vst v63  }
0x14b: {  	_ = 	snop  }
0x14c: {  	[tilespmem:s20], [sflag:$0x1] =	stream.indirect_vreg.gather [hbm4b:s4+s2], $0x80, v3, vm0, $0xb8;
	[tilespmem:$0x18080] =	vst v63  }
0x14d: {  	_ = 	snop  }
0x14e: {  	[tilespmem:s21], [sflag:$0x1] =	stream.indirect_vreg.gather [hbm4b:s8+s2], $0x80, v3, vm0, $0xb8;
	[tilespmem:$0x18080] =	vst v63  }
0x14f: {  	v3 =	vld [tilespmem:$0x30];
	_ =	sdelay $0x4  }
0x150: {  	v63 =	vshll.u32 v3, $0x2  }
0x151: {  	v3 =	vand.u32 $0x7, v3;
	v4 =	vand.u32 $0xFFFFFFE0, v63  }
0x152: {  	v3 =	vor.u32 v3, v4  }
0x153: {  	v4 =	vperm.xlane v3, v0;
	_ =	sdelay $0x1  }
0x154: {  	v4 =	vadd.s32 v1, v4;
	_ =	sdelay $0x1  }
0x155: {  	v3 =	vperm.xlane v3, v2;
	_ =	sdelay $0x1  }
0x156: {  	v3 =	vadd.s32 v1, v3  }
0x157: {  	[tilespmem:s23], [sflag:$0x1] =	stream.indirect_vreg.gather [hbm4b:s4+s2], $0x80, v4, vm0, $0xb8;
	[tilespmem:$0x18080] =	vst v63  }
0x158: {  	_ = 	snop  }
0x159: {  	[tilespmem:s24], [sflag:$0x1] =	stream.indirect_vreg.gather [hbm4b:s8+s2], $0x80, v4, vm0, $0xb8;
	[tilespmem:$0x18080] =	vst v63  }
0x15a: {  	_ = 	snop  }
0x15b: {  	[tilespmem:s25], [sflag:$0x1] =	stream.indirect_vreg.gather [hbm4b:s4+s2], $0x80, v3, vm0, $0xb8;
	[tilespmem:$0x18080] =	vst v63  }
0x15c: {  	_ = 	snop  }
0x15d: {  	[tilespmem:s26], [sflag:$0x1] =	stream.indirect_vreg.gather [hbm4b:s8+s2], $0x80, v3, vm0, $0xb8;
	[tilespmem:$0x18080] =	vst v63  }
0x15e: {  	_ =	swait.ge [sflag:s22], $0x8000  }
0x15f: {  	p0 =	sne.s32 s9, $0x1;
	[sflag:s22] =	ssyncset.done $0x0  }
.Ltmp0:
0x160: {  	s26 =	rddreg [dreg:$0xa];
	[sflag:s22] =	ssyncadd.s32 $0xFFFF8000;
	(pc) =	sbr.rel @p0 .LBB2_1-.Ltmp0, $4  }
0x161: {  	[hbm4b:s26+s2] =	stream.linear.scatter [tilespmem:s0], [sflag:$0x2], $0x8000, $0x38;
	[tilespmem:$0x18080] =	vst v63  }
0x162: {  	_ =	swait.ge [sflag:s10], $0x8000  }
0x163: {  	[sflag:s10] =	ssyncset.done $0x0  }
0x164: {  	s9 =	sadd.s32 $0xFFFFFFFF, s9;
	[sflag:s10] =	ssyncadd.s32 $0xFFFF8000  }
0x165: {  	_ =	sfence.sel $0x180000  }
0x166: {  	[bflag:$0x0] =	sbarrier.arrive $0xFFFF  }
0x167: {  	_ =	strace $0x90000050  }
0x168: {  	s0 =	stileid.u32;
	[bflag:$0x2] =	sbarrier.arrive $0xFFFF  }
0x169: {  	p0 =	sne.s32 s0, $0x0;
	s0 =	rddreg [dreg:$0x2]  }
0x16a: {  	s0 =	sadd.s32 @!p0 $0x100000, s0  }
0x16b: {  	[sflag:s0] =	ssyncadd.tile.s32 @!p0 $0x1;
	_ =	shalt  }
.Lfunc_end2:
_tile_overlayer_lowered:
.L_overlay_start_2:
0x16c: {  	(tag) =	ssettag $0x2  }
0x16d: {  	s0 =	rddreg [dreg:$0x0];
	s2 =	stileid.u32  }
0x16e: {  	s1 =	rddreg [dreg:$0x1];
	p0 =	sne.s32 s2, $0x0  }
0x16f: {  	s3 =	rddreg [dreg:$0x2];
	[bflag:$0x3] =	sbarrier.arrive $0xFFFF;
	s2 =	simm.s32 @!p0 $0x1C02  }
0x170: {  	[timem:s3], [sflag:s2] =	dma.local @!p0 [hbm:s0], s1  }
0x171: {  	s0 =	simm.s32 @!p0 $0x2  }
0x172: {  	_ =	swait.ge @!p0 [sflag:s0], s1  }
0x173: {  	s1 =	ssub.s32 @!p0 $0x0, s1;
	[sflag:s0] =	ssyncset.done @!p0 $0x0  }
0x174: {  	[sflag:s0] =	ssyncadd.s32 @!p0 s1  }
0x175: {  	[bflag:$0x3] =	sbarrier.arrive $0xFFFF  }
0x176: {  	_ =	shalt  }

</sc_bundles>
